<compile_context>
chip_gen: v7x
topology: tpu7x:2x2x1
jax: 0.10.2.dev20260603
libtpu: 0.0.44.dev20260713+nightly
codegen_flags: <defaults>
</compile_context>

<pallas_src>
import functools

import jax
import jax.numpy as jnp
from jax import lax
from jax.experimental import pallas as pl
from jax.experimental.pallas import tpu as pltpu
from jax.experimental.pallas import tpu_sc as plsc

N = 10000
E = 320000
D = 128
DH = 64
DOUT = 64
ALPHA = 0.1

EB = 128
NBLK = E // EB
PB = 156
NBUF = 4
TPB = PB // NBUF
TPB15 = (NBLK - 15 * PB) // NBUF
DB = 78
DB31 = NBLK - 31 * DB
DEGT = 10240
RPT = N // 16

@functools.lru_cache(maxsize=None)
def _sc_mesh():
    return plsc.VectorSubcoreMesh(
        core_axis_name="c", subcore_axis_name="s", num_cores=2, num_subcores=16
    )



def _mm_relu_body(x_ref, w_ref, b_ref, o_ref):
    acc = jnp.dot(x_ref[...], w_ref[...], preferred_element_type=jnp.float32)
    o_ref[...] = jnp.maximum(acc + b_ref[...], 0.0)


def _scale_body(h_ref, d_ref, t_ref):
    dinv = lax.rsqrt(d_ref[:, 0] + d_ref[:, 1] + 1.0)
    t_ref[...] = h_ref[...] * dinv[:, None]


def _layer_body(s_ref, tin_ref, h0_ref, d_ref, w_ref, t_ref):
    dinv = lax.rsqrt(d_ref[:, 0] + d_ref[:, 1] + 1.0)
    st = s_ref[...] + tin_ref[...]
    u = (1.0 - ALPHA) * (st * dinv[:, None]) + ALPHA * h0_ref[...]
    h2 = jnp.dot(u, w_ref[...], preferred_element_type=jnp.float32)
    t_ref[...] = h2 * dinv[:, None]


def _final_body(s_ref, tin_ref, h0_ref, d_ref, w_ref, w2_ref, b2_ref,
                h_ref, lg_ref):
    dinv = lax.rsqrt(d_ref[:, 0] + d_ref[:, 1] + 1.0)
    st = s_ref[...] + tin_ref[...]
    u = (1.0 - ALPHA) * (st * dinv[:, None]) + ALPHA * h0_ref[...]
    h3 = jnp.dot(u, w_ref[...], preferred_element_type=jnp.float32)
    h_ref[...] = h3
    lg = jnp.dot(h3, w2_ref[...], preferred_element_type=jnp.float32)
    lg_ref[...] = lg + b2_ref[...]


_BM = 1000
_GRID = (N // _BM,)


def _row_spec(w):
    return pl.BlockSpec((_BM, w), lambda i: (i, 0))


def _full_spec(r, c):
    return pl.BlockSpec((r, c), lambda i: (0, 0))


_D_SPEC = pl.BlockSpec((_BM, 2), lambda i: (i, 0))



def _deg_body(dst_hbm, ones_hbm, zeros_hbm, out_hbm, deg_sp, idx_v, ones_v,
              sem):
    c = lax.axis_index("c")
    s = lax.axis_index("s")
    wid = c * 16 + s
    pltpu.async_copy(ones_hbm, ones_v, sem).wait()
    pltpu.sync_copy(zeros_hbm, deg_sp.at[pl.ds(s * 640, 640)])
    plsc.subcore_barrier()
    base = wid * DB
    pltpu.async_copy(dst_hbm.at[pl.ds(base, DB), :],
                     idx_v.at[pl.ds(0, DB)], sem).wait()

    @pl.when(wid == 31)
    def _():
        pltpu.async_copy(dst_hbm.at[pl.ds(32 * DB, DB31 - DB), :],
                         idx_v.at[pl.ds(DB, DB31 - DB)], sem).wait()

    cnt = jnp.where(wid == 31, DB31, DB)

    def _hist(j, carry):
        pltpu.sync_copy(ones_v, deg_sp.at[idx_v.at[j]], add=True)
        return carry

    lax.fori_loop(0, cnt, _hist, 0)
    plsc.subcore_barrier()
    pltpu.sync_copy(deg_sp.at[pl.ds(s * 640, 640)],
                    out_hbm.at[c, pl.ds(s * 640, 640)])


@functools.lru_cache(maxsize=None)
def _deg_kernel():
    return pl.kernel(
        _deg_body,
        out_type=jax.ShapeDtypeStruct((2, DEGT), jnp.float32),
        mesh=_sc_mesh(),
        compiler_params=pltpu.CompilerParams(use_tc_tiling_on_sc=False),
        scratch_types=[
            pltpu.VMEM_SHARED((DEGT,), jnp.float32),
            pltpu.VMEM((DB31, EB), jnp.int32),
            pltpu.VMEM((EB,), jnp.float32),
            pltpu.SemaphoreType.DMA,
        ],
    )


def _prop_body(t_view, zeros_hbm, se_hbm, so_hbm, dst_hbm, out_hbm, s_sp,
               si_v, di_v, rows_v, sem0, g0, g1, g2, g3, s0, s1, s2, s3):
    gs = (g0, g1, g2, g3)
    ss = (s0, s1, s2, s3)
    c = lax.axis_index("c")
    s = lax.axis_index("s")
    r0 = s * RPT
    base = s * PB

    pltpu.async_copy(zeros_hbm, s_sp.at[pl.ds(r0, RPT)], sem0).wait()

    @pl.when(c == 0)
    def _():
        pltpu.async_copy(se_hbm.at[pl.ds(base, PB), :],
                         si_v.at[pl.ds(0, PB)], sem0).wait()

    @pl.when(c == 1)
    def _():
        pltpu.async_copy(so_hbm.at[pl.ds(base, PB), :],
                         si_v.at[pl.ds(0, PB)], sem0).wait()

    pltpu.async_copy(dst_hbm.at[pl.ds(base, PB), :],
                     di_v.at[pl.ds(0, PB)], sem0).wait()

    @pl.when(jnp.logical_and(s == 15, c == 0))
    def _():
        pltpu.async_copy(se_hbm.at[pl.ds(16 * PB, NBLK - 16 * PB), :],
                         si_v.at[pl.ds(PB, NBLK - 16 * PB)], sem0).wait()

    @pl.when(jnp.logical_and(s == 15, c == 1))
    def _():
        pltpu.async_copy(so_hbm.at[pl.ds(16 * PB, NBLK - 16 * PB), :],
                         si_v.at[pl.ds(PB, NBLK - 16 * PB)], sem0).wait()

    @pl.when(s == 15)
    def _():
        pltpu.async_copy(dst_hbm.at[pl.ds(16 * PB, NBLK - 16 * PB), :],
                         di_v.at[pl.ds(PB, NBLK - 16 * PB)], sem0).wait()

    plsc.subcore_barrier()

    for b in range(NBUF):
        pltpu.async_copy(t_view.at[si_v.at[b]], rows_v.at[b], gs[b])

    def outer(g, carry):
        for b in range(NBUF):
            j = g * NBUF + b
            pltpu.make_async_copy(
                t_view.at[si_v.at[j]], rows_v.at[b], gs[b]).wait()
            pltpu.async_copy(
                rows_v.at[b], s_sp.at[di_v.at[j]], ss[b], add=True).wait()
            pltpu.async_copy(
                t_view.at[si_v.at[j + NBUF]], rows_v.at[b], gs[b])
        return carry

    trips = jnp.where(s == 15, TPB15, TPB)
    lax.fori_loop(0, trips - 1, outer, 0)
    last = (trips - 1) * NBUF
    for b in range(NBUF):
        j = last + b
        pltpu.make_async_copy(t_view.at[si_v.at[j]], rows_v.at[b],
                              gs[b]).wait()
        pltpu.async_copy(
            rows_v.at[b], s_sp.at[di_v.at[j]], ss[b], add=True).wait()

    plsc.subcore_barrier()

    @pl.when(c == 0)
    def _():
        pltpu.async_copy(s_sp.at[pl.ds(r0, RPT)],
                         out_hbm.at[pl.ds(r0, RPT), pl.ds(0, DH)], sem0).wait()

    @pl.when(c == 1)
    def _():
        pltpu.async_copy(s_sp.at[pl.ds(r0, RPT)],
                         out_hbm.at[pl.ds(r0, RPT), pl.ds(DH, DH)],
                         sem0).wait()


@functools.lru_cache(maxsize=None)
def _prop_kernel():
    return pl.kernel(
        _prop_body,
        out_type=jax.ShapeDtypeStruct((N, D), jnp.float32),
        mesh=_sc_mesh(),
        compiler_params=pltpu.CompilerParams(use_tc_tiling_on_sc=False),
        scratch_types=[
            pltpu.VMEM_SHARED((N, DH), jnp.float32),
            pltpu.VMEM((PB + 4, EB), jnp.int32),
            pltpu.VMEM((PB + 4, EB), jnp.int32),
            pltpu.VMEM((NBUF, EB, DH), jnp.float32),
        ] + [pltpu.SemaphoreType.DMA] * (1 + 2 * NBUF),
    )



def kernel(x, edge_index, W1, b1, cw1, cw2, W2, b2):
    ei = edge_index.astype(jnp.int32)
    src2 = ei[0].reshape(NBLK, EB)
    dst2 = ei[1].reshape(NBLK, EB)
    src_even = src2 * 2
    src_odd = src_even + 1

    h = pl.pallas_call(
        _mm_relu_body,
        grid=_GRID,
        in_specs=[_row_spec(D), _full_spec(D, D), _full_spec(1, D)],
        out_specs=_row_spec(D),
        out_shape=jax.ShapeDtypeStruct((N, D), jnp.float32),
    )(x, W1, b1.reshape(1, D))

    degp = _deg_kernel()(dst2, jnp.ones((EB,), jnp.float32),
                         jnp.zeros((640,), jnp.float32))
    deg2 = degp[:, :N].T

    t1 = pl.pallas_call(
        _scale_body,
        grid=_GRID,
        in_specs=[_row_spec(D), _D_SPEC],
        out_specs=_row_spec(D),
        out_shape=jax.ShapeDtypeStruct((N, D), jnp.float32),
    )(h, deg2)

    zrows = jnp.zeros((RPT, DH), jnp.float32)
    t1v = lax.optimization_barrier(t1.reshape(2 * N, DH))
    s1 = _prop_kernel()(t1v, zrows, src_even, src_odd, dst2)

    t2 = pl.pallas_call(
        _layer_body,
        grid=_GRID,
        in_specs=[_row_spec(D), _row_spec(D), _row_spec(D), _D_SPEC,
                  _full_spec(D, D)],
        out_specs=_row_spec(D),
        out_shape=jax.ShapeDtypeStruct((N, D), jnp.float32),
    )(s1, t1, h, deg2, cw1)

    t2v = lax.optimization_barrier(t2.reshape(2 * N, DH))
    s2 = _prop_kernel()(t2v, zrows, src_even, src_odd, dst2)

    h_out, logits = pl.pallas_call(
        _final_body,
        grid=_GRID,
        in_specs=[_row_spec(D), _row_spec(D), _row_spec(D), _D_SPEC,
                  _full_spec(D, D), _full_spec(D, DOUT), _full_spec(1, DOUT)],
        out_specs=[_row_spec(D), _row_spec(DOUT)],
        out_shape=[jax.ShapeDtypeStruct((N, D), jnp.float32),
                   jax.ShapeDtypeStruct((N, DOUT), jnp.float32)],
    )(s2, t2, h, deg2, cw2, W2, b2.reshape(1, DOUT))

    return (h_out, logits)

# --- scband reference (transcript-rebuilt; emitter-appended) ---
"""Pipeline reference for scband-gcn2-38817914421894 (READ-ONLY COPY).

The authoritative reference and input builder live on the scoring server;
editing this copy changes nothing except your own understanding.
"""

import jax, jax.numpy as jnp
import numpy as np

N = 10000
E = 320000
D_IN = 128
D_HID = 128
D_OUT = 64
ALPHA = 0.1


def gcn_norm(edge_index, num_nodes):
    # PyG gcn_norm: add self-loops, symmetric normalization
    src, dst = edge_index[0], edge_index[1]
    loop = jnp.arange(num_nodes, dtype=src.dtype)
    src = jnp.concatenate([src, loop])
    dst = jnp.concatenate([dst, loop])
    w = jnp.ones(src.shape[0], dtype=jnp.float32)
    deg = jnp.zeros((num_nodes,), dtype=jnp.float32).at[dst].add(w)
    dinv = jnp.where(deg > 0, 1.0 / jnp.sqrt(deg), 0.0)
    norm = dinv[src] * w * dinv[dst]
    return src, dst, norm


def gcn2_conv(x, x0, src, dst, norm, weight):
    # propagate: scatter-add of normalized messages
    msg = jnp.take(x, src, axis=0) * norm[:, None]
    agg = jnp.zeros_like(x).at[dst].add(msg)
    # GCNII: (1-alpha)*A_hat x + alpha*x0, then identity-mapping with beta=1 (theta=None)
    out = (1.0 - ALPHA) * agg + ALPHA * x0
    return out @ weight


def setup_inputs(seed: int = 0):
    key = jax.random.key(seed)
    ks = jax.random.split(key, 8)
    x = jax.random.normal(ks[0], (N, D_IN), dtype=jnp.float32)
    edge_index = jax.random.randint(ks[1], (2, E), 0, N)
    s1 = 1.0 / np.sqrt(D_IN)
    s2 = 1.0 / np.sqrt(D_HID)
    W1 = jax.random.uniform(ks[2], (D_IN, D_HID), jnp.float32, -s1, s1)
    b1 = jax.random.uniform(ks[3], (D_HID,), jnp.float32, -s1, s1)
    cw1 = jax.random.uniform(ks[4], (D_HID, D_HID), jnp.float32, -s2, s2)
    cw2 = jax.random.uniform(ks[5], (D_HID, D_HID), jnp.float32, -s2, s2)
    W2 = jax.random.uniform(ks[6], (D_HID, D_OUT), jnp.float32, -s2, s2)
    b2 = jax.random.uniform(ks[7], (D_OUT,), jnp.float32, -s2, s2)
    return {"x": x, "edge_index": edge_index, "W1": W1, "b1": b1, "cw1": cw1, "cw2": cw2, "W2": W2, "b2": b2}


def reference(x, edge_index, W1, b1, cw1, cw2, W2, b2):
    # linear1 + relu (dropout is identity in eval mode)
    h = jax.nn.relu(x @ W1 + b1)
    x0 = h
    src, dst, norm = gcn_norm(edge_index, h.shape[0])
    for w in (cw1, cw2):
        h = gcn2_conv(h, x0, src, dst, norm, w)
    logits = h @ W2 + b2
    return (h, logits)

if __name__ == "__main__":
    import jax
    _d = setup_inputs()
    print(jax.jit(kernel)(*tuple(_d.values())))

</pallas_src>

<mosaic_0001>
#map = affine_map<(d0, d1) -> (0, 0)>
module attributes {stable_mosaic.version = 14 : i64} {
  func.func @_prop_body(%arg0: i32, %arg1: i32, %arg2: memref<20000x64xf32, #tpu.memory_space<hbm>>, %arg3: memref<625x64xf32, #tpu.memory_space<hbm>>, %arg4: memref<2500x128xi32, #tpu.memory_space<hbm>>, %arg5: memref<2500x128xi32, #tpu.memory_space<hbm>>, %arg6: memref<2500x128xi32, #tpu.memory_space<hbm>>, %arg7: memref<10000x128xf32, #tpu.memory_space<hbm>>, %arg8: memref<10000x64xf32, #tpu.memory_space<vmem_shared>>, %arg9: memref<160x128xi32, #tpu.memory_space<vmem>>, %arg10: memref<160x128xi32, #tpu.memory_space<vmem>>, %arg11: memref<4x128x64xf32, #tpu.memory_space<vmem>>, %arg12: memref<!tpu.dma_semaphore, #tpu.memory_space<semaphore_mem>>, %arg13: memref<!tpu.dma_semaphore, #tpu.memory_space<semaphore_mem>>, %arg14: memref<!tpu.dma_semaphore, #tpu.memory_space<semaphore_mem>>, %arg15: memref<!tpu.dma_semaphore, #tpu.memory_space<semaphore_mem>>, %arg16: memref<!tpu.dma_semaphore, #tpu.memory_space<semaphore_mem>>, %arg17: memref<!tpu.dma_semaphore, #tpu.memory_space<semaphore_mem>>, %arg18: memref<!tpu.dma_semaphore, #tpu.memory_space<semaphore_mem>>, %arg19: memref<!tpu.dma_semaphore, #tpu.memory_space<semaphore_mem>>, %arg20: memref<!tpu.dma_semaphore, #tpu.memory_space<semaphore_mem>>) attributes {dimension_semantics = [#tpu.dimension_semantics<core_parallel>, #tpu.dimension_semantics<subcore_parallel>], iteration_bounds = array<i64: 2, 16>, scalar_prefetch = 0 : i64, scratch_operands = 13 : i64, tpu.core_type = #tpu.core_type<sc_vector_subcore>, window_params = [{transform_indices = #map}, {transform_indices = #map}, {transform_indices = #map}, {transform_indices = #map}, {transform_indices = #map}, {transform_indices = #map}]} {
    %mul3A = arith.constant 625 : i32
    %mul3A_0 = arith.muli %arg1, %mul3A : i32
    %mul3A_1 = arith.constant 156 : i32
    %mul3A_2 = arith.muli %arg1, %mul3A_1 : i32
    %dma_start3A = arith.constant 0 : i32
    %dma_start3A_3 = tpu.memref_slice %arg8[%mul3A_0, %dma_start3A] : memref<10000x64xf32, #tpu.memory_space<vmem_shared>> -> memref<625x64xf32, #tpu.memory_space<vmem_shared>>
    tpu.enqueue_dma source(%arg3 : memref<625x64xf32, #tpu.memory_space<hbm>>) target(%dma_start3A_3 : memref<625x64xf32, #tpu.memory_space<vmem_shared>>) target_semaphore(%arg12 : memref<!tpu.dma_semaphore, #tpu.memory_space<semaphore_mem>>)
    %dma_wait3A = arith.constant 0 : i32
    %dma_wait3A_4 = tpu.memref_slice %arg8[%mul3A_0, %dma_wait3A] : memref<10000x64xf32, #tpu.memory_space<vmem_shared>> -> memref<625x64xf32, #tpu.memory_space<vmem_shared>>
    tpu.wait_dma2 semaphore(%arg12 : memref<!tpu.dma_semaphore, #tpu.memory_space<semaphore_mem>>) src(%arg3 : memref<625x64xf32, #tpu.memory_space<hbm>>) dst(%dma_wait3A_4 : memref<625x64xf32, #tpu.memory_space<vmem_shared>>)
    %eq3A = arith.constant 0 : i32
    %eq3A_5 = arith.cmpi eq, %arg0, %eq3A : i32
    %convert_element_type3A = arith.extui %eq3A_5 : i1 to i32
    %cond3A = arith.constant 0 : i32
    %cond3A_6 = arith.cmpi ne, %convert_element_type3A, %cond3A : i32
    scf.if %cond3A_6 {
      %dma_start3A_267 = arith.constant 0 : i32
      %dma_start3A_268 = arith.constant 0 : i32
      %dma_start3A_269 = tpu.memref_slice %arg9[%dma_start3A_267, %dma_start3A_268] : memref<160x128xi32, #tpu.memory_space<vmem>> -> memref<156x128xi32, #tpu.memory_space<vmem>>
      %dma_start3A_270 = arith.constant 0 : i32
      %dma_start3A_271 = tpu.memref_slice %arg4[%mul3A_2, %dma_start3A_270] : memref<2500x128xi32, #tpu.memory_space<hbm>> -> memref<156x128xi32, #tpu.memory_space<hbm>>
      %dma_start3A_272 = arith.constant 0 : i32
      %dma_start3A_273 = arith.constant 0 : i32
      %dma_start3A_274 = tpu.memref_slice %arg9[%dma_start3A_272, %dma_start3A_273] : memref<160x128xi32, #tpu.memory_space<vmem>> -> memref<156x128xi32, #tpu.memory_space<vmem>>
      %dma_start3A_275 = arith.constant 0 : i32
      %dma_start3A_276 = tpu.memref_slice %arg4[%mul3A_2, %dma_start3A_275] : memref<2500x128xi32, #tpu.memory_space<hbm>> -> memref<156x128xi32, #tpu.memory_space<hbm>>
      tpu.enqueue_dma source(%dma_start3A_276 : memref<156x128xi32, #tpu.memory_space<hbm>>) target(%dma_start3A_274 : memref<156x128xi32, #tpu.memory_space<vmem>>) target_semaphore(%arg12 : memref<!tpu.dma_semaphore, #tpu.memory_space<semaphore_mem>>)
      %dma_wait3A_277 = arith.constant 0 : i32
      %dma_wait3A_278 = arith.constant 0 : i32
      %dma_wait3A_279 = tpu.memref_slice %arg9[%dma_wait3A_277, %dma_wait3A_278] : memref<160x128xi32, #tpu.memory_space<vmem>> -> memref<156x128xi32, #tpu.memory_space<vmem>>
      %dma_wait3A_280 = arith.constant 0 : i32
      %dma_wait3A_281 = tpu.memref_slice %arg4[%mul3A_2, %dma_wait3A_280] : memref<2500x128xi32, #tpu.memory_space<hbm>> -> memref<156x128xi32, #tpu.memory_space<hbm>>
      %dma_wait3A_282 = arith.constant 0 : i32
      %dma_wait3A_283 = arith.constant 0 : i32
      %dma_wait3A_284 = tpu.memref_slice %arg9[%dma_wait3A_282, %dma_wait3A_283] : memref<160x128xi32, #tpu.memory_space<vmem>> -> memref<156x128xi32, #tpu.memory_space<vmem>>
      %dma_wait3A_285 = arith.constant 0 : i32
      %dma_wait3A_286 = tpu.memref_slice %arg4[%mul3A_2, %dma_wait3A_285] : memref<2500x128xi32, #tpu.memory_space<hbm>> -> memref<156x128xi32, #tpu.memory_space<hbm>>
      tpu.wait_dma2 semaphore(%arg12 : memref<!tpu.dma_semaphore, #tpu.memory_space<semaphore_mem>>) src(%dma_wait3A_286 : memref<156x128xi32, #tpu.memory_space<hbm>>) dst(%dma_wait3A_284 : memref<156x128xi32, #tpu.memory_space<vmem>>)
    } else {
    }
    %eq3A_7 = arith.constant 1 : i32
    %eq3A_8 = arith.cmpi eq, %arg0, %eq3A_7 : i32
    %convert_element_type3A_9 = arith.extui %eq3A_8 : i1 to i32
    %cond3A_10 = arith.constant 0 : i32
    %cond3A_11 = arith.cmpi ne, %convert_element_type3A_9, %cond3A_10 : i32
    scf.if %cond3A_11 {
      %dma_start3A_267 = arith.constant 0 : i32
      %dma_start3A_268 = arith.constant 0 : i32
      %dma_start3A_269 = tpu.memref_slice %arg9[%dma_start3A_267, %dma_start3A_268] : memref<160x128xi32, #tpu.memory_space<vmem>> -> memref<156x128xi32, #tpu.memory_space<vmem>>
      %dma_start3A_270 = arith.constant 0 : i32
      %dma_start3A_271 = tpu.memref_slice %arg5[%mul3A_2, %dma_start3A_270] : memref<2500x128xi32, #tpu.memory_space<hbm>> -> memref<156x128xi32, #tpu.memory_space<hbm>>
      %dma_start3A_272 = arith.constant 0 : i32
      %dma_start3A_273 = arith.constant 0 : i32
      %dma_start3A_274 = tpu.memref_slice %arg9[%dma_start3A_272, %dma_start3A_273] : memref<160x128xi32, #tpu.memory_space<vmem>> -> memref<156x128xi32, #tpu.memory_space<vmem>>
      %dma_start3A_275 = arith.constant 0 : i32
      %dma_start3A_276 = tpu.memref_slice %arg5[%mul3A_2, %dma_start3A_275] : memref<2500x128xi32, #tpu.memory_space<hbm>> -> memref<156x128xi32, #tpu.memory_space<hbm>>
      tpu.enqueue_dma source(%dma_start3A_276 : memref<156x128xi32, #tpu.memory_space<hbm>>) target(%dma_start3A_274 : memref<156x128xi32, #tpu.memory_space<vmem>>) target_semaphore(%arg12 : memref<!tpu.dma_semaphore, #tpu.memory_space<semaphore_mem>>)
      %dma_wait3A_277 = arith.constant 0 : i32
      %dma_wait3A_278 = arith.constant 0 : i32
      %dma_wait3A_279 = tpu.memref_slice %arg9[%dma_wait3A_277, %dma_wait3A_278] : memref<160x128xi32, #tpu.memory_space<vmem>> -> memref<156x128xi32, #tpu.memory_space<vmem>>
      %dma_wait3A_280 = arith.constant 0 : i32
      %dma_wait3A_281 = tpu.memref_slice %arg5[%mul3A_2, %dma_wait3A_280] : memref<2500x128xi32, #tpu.memory_space<hbm>> -> memref<156x128xi32, #tpu.memory_space<hbm>>
      %dma_wait3A_282 = arith.constant 0 : i32
      %dma_wait3A_283 = arith.constant 0 : i32
      %dma_wait3A_284 = tpu.memref_slice %arg9[%dma_wait3A_282, %dma_wait3A_283] : memref<160x128xi32, #tpu.memory_space<vmem>> -> memref<156x128xi32, #tpu.memory_space<vmem>>
      %dma_wait3A_285 = arith.constant 0 : i32
      %dma_wait3A_286 = tpu.memref_slice %arg5[%mul3A_2, %dma_wait3A_285] : memref<2500x128xi32, #tpu.memory_space<hbm>> -> memref<156x128xi32, #tpu.memory_space<hbm>>
      tpu.wait_dma2 semaphore(%arg12 : memref<!tpu.dma_semaphore, #tpu.memory_space<semaphore_mem>>) src(%dma_wait3A_286 : memref<156x128xi32, #tpu.memory_space<hbm>>) dst(%dma_wait3A_284 : memref<156x128xi32, #tpu.memory_space<vmem>>)
    } else {
    }
    %dma_start3A_12 = arith.constant 0 : i32
    %dma_start3A_13 = arith.constant 0 : i32
    %dma_start3A_14 = tpu.memref_slice %arg10[%dma_start3A_12, %dma_start3A_13] : memref<160x128xi32, #tpu.memory_space<vmem>> -> memref<156x128xi32, #tpu.memory_space<vmem>>
    %dma_start3A_15 = arith.constant 0 : i32
    %dma_start3A_16 = tpu.memref_slice %arg6[%mul3A_2, %dma_start3A_15] : memref<2500x128xi32, #tpu.memory_space<hbm>> -> memref<156x128xi32, #tpu.memory_space<hbm>>
    %dma_start3A_17 = arith.constant 0 : i32
    %dma_start3A_18 = arith.constant 0 : i32
    %dma_start3A_19 = tpu.memref_slice %arg10[%dma_start3A_17, %dma_start3A_18] : memref<160x128xi32, #tpu.memory_space<vmem>> -> memref<156x128xi32, #tpu.memory_space<vmem>>
    %dma_start3A_20 = arith.constant 0 : i32
    %dma_start3A_21 = tpu.memref_slice %arg6[%mul3A_2, %dma_start3A_20] : memref<2500x128xi32, #tpu.memory_space<hbm>> -> memref<156x128xi32, #tpu.memory_space<hbm>>
    tpu.enqueue_dma source(%dma_start3A_21 : memref<156x128xi32, #tpu.memory_space<hbm>>) target(%dma_start3A_19 : memref<156x128xi32, #tpu.memory_space<vmem>>) target_semaphore(%arg12 : memref<!tpu.dma_semaphore, #tpu.memory_space<semaphore_mem>>)
    %dma_wait3A_22 = arith.constant 0 : i32
    %dma_wait3A_23 = arith.constant 0 : i32
    %dma_wait3A_24 = tpu.memref_slice %arg10[%dma_wait3A_22, %dma_wait3A_23] : memref<160x128xi32, #tpu.memory_space<vmem>> -> memref<156x128xi32, #tpu.memory_space<vmem>>
    %dma_wait3A_25 = arith.constant 0 : i32
    %dma_wait3A_26 = tpu.memref_slice %arg6[%mul3A_2, %dma_wait3A_25] : memref<2500x128xi32, #tpu.memory_space<hbm>> -> memref<156x128xi32, #tpu.memory_space<hbm>>
    %dma_wait3A_27 = arith.constant 0 : i32
    %dma_wait3A_28 = arith.constant 0 : i32
    %dma_wait3A_29 = tpu.memref_slice %arg10[%dma_wait3A_27, %dma_wait3A_28] : memref<160x128xi32, #tpu.memory_space<vmem>> -> memref<156x128xi32, #tpu.memory_space<vmem>>
    %dma_wait3A_30 = arith.constant 0 : i32
    %dma_wait3A_31 = tpu.memref_slice %arg6[%mul3A_2, %dma_wait3A_30] : memref<2500x128xi32, #tpu.memory_space<hbm>> -> memref<156x128xi32, #tpu.memory_space<hbm>>
    tpu.wait_dma2 semaphore(%arg12 : memref<!tpu.dma_semaphore, #tpu.memory_space<semaphore_mem>>) src(%dma_wait3A_31 : memref<156x128xi32, #tpu.memory_space<hbm>>) dst(%dma_wait3A_29 : memref<156x128xi32, #tpu.memory_space<vmem>>)
    %eq3A_32 = arith.constant 15 : i32
    %eq3A_33 = arith.cmpi eq, %arg1, %eq3A_32 : i32
    %eq3A_34 = arith.constant 0 : i32
    %eq3A_35 = arith.cmpi eq, %arg0, %eq3A_34 : i32
    %and3A = arith.andi %eq3A_33, %eq3A_35 : i1
    %convert_element_type3A_36 = arith.extui %and3A : i1 to i32
    %cond3A_37 = arith.constant 0 : i32
    %cond3A_38 = arith.cmpi ne, %convert_element_type3A_36, %cond3A_37 : i32
    scf.if %cond3A_38 {
      %dma_start3A_267 = arith.constant 156 : i32
      %dma_start3A_268 = arith.constant 0 : i32
      %dma_start3A_269 = tpu.memref_slice %arg9[%dma_start3A_267, %dma_start3A_268] : memref<160x128xi32, #tpu.memory_space<vmem>> -> memref<4x128xi32, #tpu.memory_space<vmem>>
      %dma_start3A_270 = arith.constant 2496 : i32
      %dma_start3A_271 = arith.constant 0 : i32
      %dma_start3A_272 = tpu.memref_slice %arg4[%dma_start3A_270, %dma_start3A_271] : memref<2500x128xi32, #tpu.memory_space<hbm>> -> memref<4x128xi32, #tpu.memory_space<hbm>>
      %dma_start3A_273 = arith.constant 156 : i32
      %dma_start3A_274 = arith.constant 0 : i32
      %dma_start3A_275 = tpu.memref_slice %arg9[%dma_start3A_273, %dma_start3A_274] : memref<160x128xi32, #tpu.memory_space<vmem>> -> memref<4x128xi32, #tpu.memory_space<vmem>>
      %dma_start3A_276 = arith.constant 2496 : i32
      %dma_start3A_277 = arith.constant 0 : i32
      %dma_start3A_278 = tpu.memref_slice %arg4[%dma_start3A_276, %dma_start3A_277] : memref<2500x128xi32, #tpu.memory_space<hbm>> -> memref<4x128xi32, #tpu.memory_space<hbm>>
      tpu.enqueue_dma source(%dma_start3A_278 : memref<4x128xi32, #tpu.memory_space<hbm>>) target(%dma_start3A_275 : memref<4x128xi32, #tpu.memory_space<vmem>>) target_semaphore(%arg12 : memref<!tpu.dma_semaphore, #tpu.memory_space<semaphore_mem>>)
      %dma_wait3A_279 = arith.constant 156 : i32
      %dma_wait3A_280 = arith.constant 0 : i32
      %dma_wait3A_281 = tpu.memref_slice %arg9[%dma_wait3A_279, %dma_wait3A_280] : memref<160x128xi32, #tpu.memory_space<vmem>> -> memref<4x128xi32, #tpu.memory_space<vmem>>
      %dma_wait3A_282 = arith.constant 2496 : i32
      %dma_wait3A_283 = arith.constant 0 : i32
      %dma_wait3A_284 = tpu.memref_slice %arg4[%dma_wait3A_282, %dma_wait3A_283] : memref<2500x128xi32, #tpu.memory_space<hbm>> -> memref<4x128xi32, #tpu.memory_space<hbm>>
      %dma_wait3A_285 = arith.constant 156 : i32
      %dma_wait3A_286 = arith.constant 0 : i32
      %dma_wait3A_287 = tpu.memref_slice %arg9[%dma_wait3A_285, %dma_wait3A_286] : memref<160x128xi32, #tpu.memory_space<vmem>> -> memref<4x128xi32, #tpu.memory_space<vmem>>
      %dma_wait3A_288 = arith.constant 2496 : i32
      %dma_wait3A_289 = arith.constant 0 : i32
      %dma_wait3A_290 = tpu.memref_slice %arg4[%dma_wait3A_288, %dma_wait3A_289] : memref<2500x128xi32, #tpu.memory_space<hbm>> -> memref<4x128xi32, #tpu.memory_space<hbm>>
      tpu.wait_dma2 semaphore(%arg12 : memref<!tpu.dma_semaphore, #tpu.memory_space<semaphore_mem>>) src(%dma_wait3A_290 : memref<4x128xi32, #tpu.memory_space<hbm>>) dst(%dma_wait3A_287 : memref<4x128xi32, #tpu.memory_space<vmem>>)
    } else {
    }
    %eq3A_39 = arith.constant 15 : i32
    %eq3A_40 = arith.cmpi eq, %arg1, %eq3A_39 : i32
    %eq3A_41 = arith.constant 1 : i32
    %eq3A_42 = arith.cmpi eq, %arg0, %eq3A_41 : i32
    %and3A_43 = arith.andi %eq3A_40, %eq3A_42 : i1
    %convert_element_type3A_44 = arith.extui %and3A_43 : i1 to i32
    %cond3A_45 = arith.constant 0 : i32
    %cond3A_46 = arith.cmpi ne, %convert_element_type3A_44, %cond3A_45 : i32
    scf.if %cond3A_46 {
      %dma_start3A_267 = arith.constant 156 : i32
      %dma_start3A_268 = arith.constant 0 : i32
      %dma_start3A_269 = tpu.memref_slice %arg9[%dma_start3A_267, %dma_start3A_268] : memref<160x128xi32, #tpu.memory_space<vmem>> -> memref<4x128xi32, #tpu.memory_space<vmem>>
      %dma_start3A_270 = arith.constant 2496 : i32
      %dma_start3A_271 = arith.constant 0 : i32
      %dma_start3A_272 = tpu.memref_slice %arg5[%dma_start3A_270, %dma_start3A_271] : memref<2500x128xi32, #tpu.memory_space<hbm>> -> memref<4x128xi32, #tpu.memory_space<hbm>>
      %dma_start3A_273 = arith.constant 156 : i32
      %dma_start3A_274 = arith.constant 0 : i32
      %dma_start3A_275 = tpu.memref_slice %arg9[%dma_start3A_273, %dma_start3A_274] : memref<160x128xi32, #tpu.memory_space<vmem>> -> memref<4x128xi32, #tpu.memory_space<vmem>>
      %dma_start3A_276 = arith.constant 2496 : i32
      %dma_start3A_277 = arith.constant 0 : i32
      %dma_start3A_278 = tpu.memref_slice %arg5[%dma_start3A_276, %dma_start3A_277] : memref<2500x128xi32, #tpu.memory_space<hbm>> -> memref<4x128xi32, #tpu.memory_space<hbm>>
      tpu.enqueue_dma source(%dma_start3A_278 : memref<4x128xi32, #tpu.memory_space<hbm>>) target(%dma_start3A_275 : memref<4x128xi32, #tpu.memory_space<vmem>>) target_semaphore(%arg12 : memref<!tpu.dma_semaphore, #tpu.memory_space<semaphore_mem>>)
      %dma_wait3A_279 = arith.constant 156 : i32
      %dma_wait3A_280 = arith.constant 0 : i32
      %dma_wait3A_281 = tpu.memref_slice %arg9[%dma_wait3A_279, %dma_wait3A_280] : memref<160x128xi32, #tpu.memory_space<vmem>> -> memref<4x128xi32, #tpu.memory_space<vmem>>
      %dma_wait3A_282 = arith.constant 2496 : i32
      %dma_wait3A_283 = arith.constant 0 : i32
      %dma_wait3A_284 = tpu.memref_slice %arg5[%dma_wait3A_282, %dma_wait3A_283] : memref<2500x128xi32, #tpu.memory_space<hbm>> -> memref<4x128xi32, #tpu.memory_space<hbm>>
      %dma_wait3A_285 = arith.constant 156 : i32
      %dma_wait3A_286 = arith.constant 0 : i32
      %dma_wait3A_287 = tpu.memref_slice %arg9[%dma_wait3A_285, %dma_wait3A_286] : memref<160x128xi32, #tpu.memory_space<vmem>> -> memref<4x128xi32, #tpu.memory_space<vmem>>
      %dma_wait3A_288 = arith.constant 2496 : i32
      %dma_wait3A_289 = arith.constant 0 : i32
      %dma_wait3A_290 = tpu.memref_slice %arg5[%dma_wait3A_288, %dma_wait3A_289] : memref<2500x128xi32, #tpu.memory_space<hbm>> -> memref<4x128xi32, #tpu.memory_space<hbm>>
      tpu.wait_dma2 semaphore(%arg12 : memref<!tpu.dma_semaphore, #tpu.memory_space<semaphore_mem>>) src(%dma_wait3A_290 : memref<4x128xi32, #tpu.memory_space<hbm>>) dst(%dma_wait3A_287 : memref<4x128xi32, #tpu.memory_space<vmem>>)
    } else {
    }
    %eq3A_47 = arith.constant 15 : i32
    %eq3A_48 = arith.cmpi eq, %arg1, %eq3A_47 : i32
    %convert_element_type3A_49 = arith.extui %eq3A_48 : i1 to i32
    %cond3A_50 = arith.constant 0 : i32
    %cond3A_51 = arith.cmpi ne, %convert_element_type3A_49, %cond3A_50 : i32
    scf.if %cond3A_51 {
      %dma_start3A_267 = arith.constant 156 : i32
      %dma_start3A_268 = arith.constant 0 : i32
      %dma_start3A_269 = tpu.memref_slice %arg10[%dma_start3A_267, %dma_start3A_268] : memref<160x128xi32, #tpu.memory_space<vmem>> -> memref<4x128xi32, #tpu.memory_space<vmem>>
      %dma_start3A_270 = arith.constant 2496 : i32
      %dma_start3A_271 = arith.constant 0 : i32
      %dma_start3A_272 = tpu.memref_slice %arg6[%dma_start3A_270, %dma_start3A_271] : memref<2500x128xi32, #tpu.memory_space<hbm>> -> memref<4x128xi32, #tpu.memory_space<hbm>>
      %dma_start3A_273 = arith.constant 156 : i32
      %dma_start3A_274 = arith.constant 0 : i32
      %dma_start3A_275 = tpu.memref_slice %arg10[%dma_start3A_273, %dma_start3A_274] : memref<160x128xi32, #tpu.memory_space<vmem>> -> memref<4x128xi32, #tpu.memory_space<vmem>>
      %dma_start3A_276 = arith.constant 2496 : i32
      %dma_start3A_277 = arith.constant 0 : i32
      %dma_start3A_278 = tpu.memref_slice %arg6[%dma_start3A_276, %dma_start3A_277] : memref<2500x128xi32, #tpu.memory_space<hbm>> -> memref<4x128xi32, #tpu.memory_space<hbm>>
      tpu.enqueue_dma source(%dma_start3A_278 : memref<4x128xi32, #tpu.memory_space<hbm>>) target(%dma_start3A_275 : memref<4x128xi32, #tpu.memory_space<vmem>>) target_semaphore(%arg12 : memref<!tpu.dma_semaphore, #tpu.memory_space<semaphore_mem>>)
      %dma_wait3A_279 = arith.constant 156 : i32
      %dma_wait3A_280 = arith.constant 0 : i32
      %dma_wait3A_281 = tpu.memref_slice %arg10[%dma_wait3A_279, %dma_wait3A_280] : memref<160x128xi32, #tpu.memory_space<vmem>> -> memref<4x128xi32, #tpu.memory_space<vmem>>
      %dma_wait3A_282 = arith.constant 2496 : i32
      %dma_wait3A_283 = arith.constant 0 : i32
      %dma_wait3A_284 = tpu.memref_slice %arg6[%dma_wait3A_282, %dma_wait3A_283] : memref<2500x128xi32, #tpu.memory_space<hbm>> -> memref<4x128xi32, #tpu.memory_space<hbm>>
      %dma_wait3A_285 = arith.constant 156 : i32
      %dma_wait3A_286 = arith.constant 0 : i32
      %dma_wait3A_287 = tpu.memref_slice %arg10[%dma_wait3A_285, %dma_wait3A_286] : memref<160x128xi32, #tpu.memory_space<vmem>> -> memref<4x128xi32, #tpu.memory_space<vmem>>
      %dma_wait3A_288 = arith.constant 2496 : i32
      %dma_wait3A_289 = arith.constant 0 : i32
      %dma_wait3A_290 = tpu.memref_slice %arg6[%dma_wait3A_288, %dma_wait3A_289] : memref<2500x128xi32, #tpu.memory_space<hbm>> -> memref<4x128xi32, #tpu.memory_space<hbm>>
      tpu.wait_dma2 semaphore(%arg12 : memref<!tpu.dma_semaphore, #tpu.memory_space<semaphore_mem>>) src(%dma_wait3A_290 : memref<4x128xi32, #tpu.memory_space<hbm>>) dst(%dma_wait3A_287 : memref<4x128xi32, #tpu.memory_space<vmem>>)
    } else {
    }
    %barrier3A = arith.constant 0 : index
    tpu.barrier barrier_id(%barrier3A)
    %dma_start3A_52 = arith.constant 0 : i32
    %dma_start3A_53 = arith.constant 0 : i32
    %dma_start3A_54 = arith.constant 0 : i32
    %dma_start3A_55 = arith.constant 0 : i32
    %dma_start3A_56 = tpu.memref_slice %arg11[%dma_start3A_53, %dma_start3A_54, %dma_start3A_55] : memref<4x128x64xf32, #tpu.memory_space<vmem>> -> memref<1x128x64xf32, #tpu.memory_space<vmem>>
    %dma_start3A_57 = tpu.memref_squeeze %dma_start3A_56 : memref<1x128x64xf32, #tpu.memory_space<vmem>> -> memref<128x64xf32, #tpu.memory_space<vmem>>
    %dma_start3A_58 = arith.constant 0 : i32
    %dma_start3A_59 = tpu.memref_slice %arg9[%dma_start3A_52, %dma_start3A_58] : memref<160x128xi32, #tpu.memory_space<vmem>> -> memref<1x128xi32, #tpu.memory_space<vmem>>
    %dma_start3A_60 = tpu.memref_squeeze %dma_start3A_59 : memref<1x128xi32, #tpu.memory_space<vmem>> -> memref<128xi32, #tpu.memory_space<vmem>>
    %dma_start3A_61 = arith.constant 0 : i32
    %dma_start3A_62 = arith.constant 0 : i32
    %dma_start3A_63 = tpu.memref_slice %arg2[%dma_start3A_61, %dma_start3A_62] : memref<20000x64xf32, #tpu.memory_space<hbm>> -> memref<20000x64xf32, #tpu.memory_space<hbm>>
    tpu.enqueue_indirect_dma source(%dma_start3A_63 : memref<20000x64xf32, #tpu.memory_space<hbm>>) target(%dma_start3A_57 : memref<128x64xf32, #tpu.memory_space<vmem>>) offsets(%dma_start3A_60 : memref<128xi32, #tpu.memory_space<vmem>>) semaphore(%arg13 : memref<!tpu.dma_semaphore, #tpu.memory_space<semaphore_mem>>)
    %dma_start3A_64 = arith.constant 1 : i32
    %dma_start3A_65 = arith.constant 1 : i32
    %dma_start3A_66 = arith.constant 0 : i32
    %dma_start3A_67 = arith.constant 0 : i32
    %dma_start3A_68 = tpu.memref_slice %arg11[%dma_start3A_65, %dma_start3A_66, %dma_start3A_67] : memref<4x128x64xf32, #tpu.memory_space<vmem>> -> memref<1x128x64xf32, #tpu.memory_space<vmem>>
    %dma_start3A_69 = tpu.memref_squeeze %dma_start3A_68 : memref<1x128x64xf32, #tpu.memory_space<vmem>> -> memref<128x64xf32, #tpu.memory_space<vmem>>
    %dma_start3A_70 = arith.constant 0 : i32
    %dma_start3A_71 = tpu.memref_slice %arg9[%dma_start3A_64, %dma_start3A_70] : memref<160x128xi32, #tpu.memory_space<vmem>> -> memref<1x128xi32, #tpu.memory_space<vmem>>
    %dma_start3A_72 = tpu.memref_squeeze %dma_start3A_71 : memref<1x128xi32, #tpu.memory_space<vmem>> -> memref<128xi32, #tpu.memory_space<vmem>>
    %dma_start3A_73 = arith.constant 0 : i32
    %dma_start3A_74 = arith.constant 0 : i32
    %dma_start3A_75 = tpu.memref_slice %arg2[%dma_start3A_73, %dma_start3A_74] : memref<20000x64xf32, #tpu.memory_space<hbm>> -> memref<20000x64xf32, #tpu.memory_space<hbm>>
    tpu.enqueue_indirect_dma source(%dma_start3A_75 : memref<20000x64xf32, #tpu.memory_space<hbm>>) target(%dma_start3A_69 : memref<128x64xf32, #tpu.memory_space<vmem>>) offsets(%dma_start3A_72 : memref<128xi32, #tpu.memory_space<vmem>>) semaphore(%arg14 : memref<!tpu.dma_semaphore, #tpu.memory_space<semaphore_mem>>)
    %dma_start3A_76 = arith.constant 2 : i32
    %dma_start3A_77 = arith.constant 2 : i32
    %dma_start3A_78 = arith.constant 0 : i32
    %dma_start3A_79 = arith.constant 0 : i32
    %dma_start3A_80 = tpu.memref_slice %arg11[%dma_start3A_77, %dma_start3A_78, %dma_start3A_79] : memref<4x128x64xf32, #tpu.memory_space<vmem>> -> memref<1x128x64xf32, #tpu.memory_space<vmem>>
    %dma_start3A_81 = tpu.memref_squeeze %dma_start3A_80 : memref<1x128x64xf32, #tpu.memory_space<vmem>> -> memref<128x64xf32, #tpu.memory_space<vmem>>
    %dma_start3A_82 = arith.constant 0 : i32
    %dma_start3A_83 = tpu.memref_slice %arg9[%dma_start3A_76, %dma_start3A_82] : memref<160x128xi32, #tpu.memory_space<vmem>> -> memref<1x128xi32, #tpu.memory_space<vmem>>
    %dma_start3A_84 = tpu.memref_squeeze %dma_start3A_83 : memref<1x128xi32, #tpu.memory_space<vmem>> -> memref<128xi32, #tpu.memory_space<vmem>>
    %dma_start3A_85 = arith.constant 0 : i32
    %dma_start3A_86 = arith.constant 0 : i32
    %dma_start3A_87 = tpu.memref_slice %arg2[%dma_start3A_85, %dma_start3A_86] : memref<20000x64xf32, #tpu.memory_space<hbm>> -> memref<20000x64xf32, #tpu.memory_space<hbm>>
    tpu.enqueue_indirect_dma source(%dma_start3A_87 : memref<20000x64xf32, #tpu.memory_space<hbm>>) target(%dma_start3A_81 : memref<128x64xf32, #tpu.memory_space<vmem>>) offsets(%dma_start3A_84 : memref<128xi32, #tpu.memory_space<vmem>>) semaphore(%arg15 : memref<!tpu.dma_semaphore, #tpu.memory_space<semaphore_mem>>)
    %dma_start3A_88 = arith.constant 3 : i32
    %dma_start3A_89 = arith.constant 3 : i32
    %dma_start3A_90 = arith.constant 0 : i32
    %dma_start3A_91 = arith.constant 0 : i32
    %dma_start3A_92 = tpu.memref_slice %arg11[%dma_start3A_89, %dma_start3A_90, %dma_start3A_91] : memref<4x128x64xf32, #tpu.memory_space<vmem>> -> memref<1x128x64xf32, #tpu.memory_space<vmem>>
    %dma_start3A_93 = tpu.memref_squeeze %dma_start3A_92 : memref<1x128x64xf32, #tpu.memory_space<vmem>> -> memref<128x64xf32, #tpu.memory_space<vmem>>
    %dma_start3A_94 = arith.constant 0 : i32
    %dma_start3A_95 = tpu.memref_slice %arg9[%dma_start3A_88, %dma_start3A_94] : memref<160x128xi32, #tpu.memory_space<vmem>> -> memref<1x128xi32, #tpu.memory_space<vmem>>
    %dma_start3A_96 = tpu.memref_squeeze %dma_start3A_95 : memref<1x128xi32, #tpu.memory_space<vmem>> -> memref<128xi32, #tpu.memory_space<vmem>>
    %dma_start3A_97 = arith.constant 0 : i32
    %dma_start3A_98 = arith.constant 0 : i32
    %dma_start3A_99 = tpu.memref_slice %arg2[%dma_start3A_97, %dma_start3A_98] : memref<20000x64xf32, #tpu.memory_space<hbm>> -> memref<20000x64xf32, #tpu.memory_space<hbm>>
    tpu.enqueue_indirect_dma source(%dma_start3A_99 : memref<20000x64xf32, #tpu.memory_space<hbm>>) target(%dma_start3A_93 : memref<128x64xf32, #tpu.memory_space<vmem>>) offsets(%dma_start3A_96 : memref<128xi32, #tpu.memory_space<vmem>>) semaphore(%arg16 : memref<!tpu.dma_semaphore, #tpu.memory_space<semaphore_mem>>)
    %eq3A_100 = arith.constant 15 : i32
    %eq3A_101 = arith.cmpi eq, %arg1, %eq3A_100 : i32
    %jit3A = arith.constant 40 : i32
    %jit3A_102 = arith.constant 39 : i32
    %select_n3A = arith.select %eq3A_101, %jit3A, %jit3A_102 : i32
    %sub3A = arith.constant 1 : i32
    %sub3A_103 = arith.subi %select_n3A, %sub3A : i32
    %while3A = arith.constant 0 : i32
    %while3A_104 = arith.constant 0 : i32
    %while3A_105 = arith.subi %sub3A_103, %while3A_104 : i32
    %while3A_106 = arith.addi %while3A_104, %while3A_105 : i32
    %while3A_107 = arith.constant 1 : i32
    %while3A_108 = arith.divsi %while3A_105, %while3A_107 : i32
    %while3A_109 = arith.muli %while3A_108, %while3A_107 : i32
    %while3A_110 = arith.addi %while3A_104, %while3A_109 : i32
    %while3A_111 = arith.constant 1 : i32
    scf.for %while3A_267 = %while3A_104 to %while3A_110 step %while3A_111  : i32 {
      %mul3A_268 = arith.constant 4 : i32
      %mul3A_269 = arith.muli %while3A_267, %mul3A_268 : i32
      %add3A_270 = arith.constant 0 : i32
      %add3A_271 = arith.addi %mul3A_269, %add3A_270 : i32
      %dma_wait3A_272 = arith.constant 0 : i32
      %dma_wait3A_273 = arith.constant 0 : i32
      %dma_wait3A_274 = arith.constant 0 : i32
      %dma_wait3A_275 = tpu.memref_slice %arg11[%dma_wait3A_272, %dma_wait3A_273, %dma_wait3A_274] : memref<4x128x64xf32, #tpu.memory_space<vmem>> -> memref<1x128x64xf32, #tpu.memory_space<vmem>>
      %dma_wait3A_276 = tpu.memref_squeeze %dma_wait3A_275 : memref<1x128x64xf32, #tpu.memory_space<vmem>> -> memref<128x64xf32, #tpu.memory_space<vmem>>
      %dma_wait3A_277 = arith.constant 0 : i32
      %dma_wait3A_278 = tpu.memref_slice %arg9[%add3A_271, %dma_wait3A_277] : memref<160x128xi32, #tpu.memory_space<vmem>> -> memref<1x128xi32, #tpu.memory_space<vmem>>
      %dma_wait3A_279 = tpu.memref_squeeze %dma_wait3A_278 : memref<1x128xi32, #tpu.memory_space<vmem>> -> memref<128xi32, #tpu.memory_space<vmem>>
      %dma_wait3A_280 = arith.constant 0 : i32
      %dma_wait3A_281 = arith.constant 0 : i32
      %dma_wait3A_282 = tpu.memref_slice %arg2[%dma_wait3A_280, %dma_wait3A_281] : memref<20000x64xf32, #tpu.memory_space<hbm>> -> memref<20000x64xf32, #tpu.memory_space<hbm>>
      tpu.wait_indirect_dma semaphore(%arg13 : memref<!tpu.dma_semaphore, #tpu.memory_space<semaphore_mem>>) src(%dma_wait3A_282 : memref<20000x64xf32, #tpu.memory_space<hbm>>) dst(%dma_wait3A_276 : memref<128x64xf32, #tpu.memory_space<vmem>>)
      %dma_start3A_283 = arith.constant 0 : i32
      %dma_start3A_284 = arith.constant 0 : i32
      %dma_start3A_285 = arith.constant 0 : i32
      %dma_start3A_286 = tpu.memref_slice %arg11[%dma_start3A_283, %dma_start3A_284, %dma_start3A_285] : memref<4x128x64xf32, #tpu.memory_space<vmem>> -> memref<1x128x64xf32, #tpu.memory_space<vmem>>
      %dma_start3A_287 = tpu.memref_squeeze %dma_start3A_286 : memref<1x128x64xf32, #tpu.memory_space<vmem>> -> memref<128x64xf32, #tpu.memory_space<vmem>>
      %dma_start3A_288 = arith.constant 0 : i32
      %dma_start3A_289 = tpu.memref_slice %arg10[%add3A_271, %dma_start3A_288] : memref<160x128xi32, #tpu.memory_space<vmem>> -> memref<1x128xi32, #tpu.memory_space<vmem>>
      %dma_start3A_290 = tpu.memref_squeeze %dma_start3A_289 : memref<1x128xi32, #tpu.memory_space<vmem>> -> memref<128xi32, #tpu.memory_space<vmem>>
      %dma_start3A_291 = arith.constant 0 : i32
      %dma_start3A_292 = arith.constant 0 : i32
      %dma_start3A_293 = tpu.memref_slice %arg8[%dma_start3A_291, %dma_start3A_292] : memref<10000x64xf32, #tpu.memory_space<vmem_shared>> -> memref<10000x64xf32, #tpu.memory_space<vmem_shared>>
      tpu.enqueue_indirect_dma source(%dma_start3A_287 : memref<128x64xf32, #tpu.memory_space<vmem>>) target(%dma_start3A_293 : memref<10000x64xf32, #tpu.memory_space<vmem_shared>>) offsets(%dma_start3A_290 : memref<128xi32, #tpu.memory_space<vmem>>) semaphore(%arg17 : memref<!tpu.dma_semaphore, #tpu.memory_space<semaphore_mem>>) {add = true}
      %dma_wait3A_294 = arith.constant 0 : i32
      %dma_wait3A_295 = arith.constant 0 : i32
      %dma_wait3A_296 = arith.constant 0 : i32
      %dma_wait3A_297 = tpu.memref_slice %arg11[%dma_wait3A_294, %dma_wait3A_295, %dma_wait3A_296] : memref<4x128x64xf32, #tpu.memory_space<vmem>> -> memref<1x128x64xf32, #tpu.memory_space<vmem>>
      %dma_wait3A_298 = tpu.memref_squeeze %dma_wait3A_297 : memref<1x128x64xf32, #tpu.memory_space<vmem>> -> memref<128x64xf32, #tpu.memory_space<vmem>>
      %dma_wait3A_299 = arith.constant 0 : i32
      %dma_wait3A_300 = tpu.memref_slice %arg10[%add3A_271, %dma_wait3A_299] : memref<160x128xi32, #tpu.memory_space<vmem>> -> memref<1x128xi32, #tpu.memory_space<vmem>>
      %dma_wait3A_301 = tpu.memref_squeeze %dma_wait3A_300 : memref<1x128xi32, #tpu.memory_space<vmem>> -> memref<128xi32, #tpu.memory_space<vmem>>
      %dma_wait3A_302 = arith.constant 0 : i32
      %dma_wait3A_303 = arith.constant 0 : i32
      %dma_wait3A_304 = tpu.memref_slice %arg8[%dma_wait3A_302, %dma_wait3A_303] : memref<10000x64xf32, #tpu.memory_space<vmem_shared>> -> memref<10000x64xf32, #tpu.memory_space<vmem_shared>>
      tpu.wait_indirect_dma semaphore(%arg17 : memref<!tpu.dma_semaphore, #tpu.memory_space<semaphore_mem>>) src(%dma_wait3A_298 : memref<128x64xf32, #tpu.memory_space<vmem>>) dst(%dma_wait3A_304 : memref<10000x64xf32, #tpu.memory_space<vmem_shared>>)
      %add3A_305 = arith.constant 4 : i32
      %add3A_306 = arith.addi %add3A_271, %add3A_305 : i32
      %dma_start3A_307 = arith.constant 0 : i32
      %dma_start3A_308 = arith.constant 0 : i32
      %dma_start3A_309 = arith.constant 0 : i32
      %dma_start3A_310 = tpu.memref_slice %arg11[%dma_start3A_307, %dma_start3A_308, %dma_start3A_309] : memref<4x128x64xf32, #tpu.memory_space<vmem>> -> memref<1x128x64xf32, #tpu.memory_space<vmem>>
      %dma_start3A_311 = tpu.memref_squeeze %dma_start3A_310 : memref<1x128x64xf32, #tpu.memory_space<vmem>> -> memref<128x64xf32, #tpu.memory_space<vmem>>
      %dma_start3A_312 = arith.constant 0 : i32
      %dma_start3A_313 = tpu.memref_slice %arg9[%add3A_306, %dma_start3A_312] : memref<160x128xi32, #tpu.memory_space<vmem>> -> memref<1x128xi32, #tpu.memory_space<vmem>>
      %dma_start3A_314 = tpu.memref_squeeze %dma_start3A_313 : memref<1x128xi32, #tpu.memory_space<vmem>> -> memref<128xi32, #tpu.memory_space<vmem>>
      %dma_start3A_315 = arith.constant 0 : i32
      %dma_start3A_316 = arith.constant 0 : i32
      %dma_start3A_317 = tpu.memref_slice %arg2[%dma_start3A_315, %dma_start3A_316] : memref<20000x64xf32, #tpu.memory_space<hbm>> -> memref<20000x64xf32, #tpu.memory_space<hbm>>
      tpu.enqueue_indirect_dma source(%dma_start3A_317 : memref<20000x64xf32, #tpu.memory_space<hbm>>) target(%dma_start3A_311 : memref<128x64xf32, #tpu.memory_space<vmem>>) offsets(%dma_start3A_314 : memref<128xi32, #tpu.memory_space<vmem>>) semaphore(%arg13 : memref<!tpu.dma_semaphore, #tpu.memory_space<semaphore_mem>>)
      %mul3A_318 = arith.constant 4 : i32
      %mul3A_319 = arith.muli %while3A_267, %mul3A_318 : i32
      %add3A_320 = arith.constant 1 : i32
      %add3A_321 = arith.addi %mul3A_319, %add3A_320 : i32
      %dma_wait3A_322 = arith.constant 1 : i32
      %dma_wait3A_323 = arith.constant 0 : i32
      %dma_wait3A_324 = arith.constant 0 : i32
      %dma_wait3A_325 = tpu.memref_slice %arg11[%dma_wait3A_322, %dma_wait3A_323, %dma_wait3A_324] : memref<4x128x64xf32, #tpu.memory_space<vmem>> -> memref<1x128x64xf32, #tpu.memory_space<vmem>>
      %dma_wait3A_326 = tpu.memref_squeeze %dma_wait3A_325 : memref<1x128x64xf32, #tpu.memory_space<vmem>> -> memref<128x64xf32, #tpu.memory_space<vmem>>
      %dma_wait3A_327 = arith.constant 0 : i32
      %dma_wait3A_328 = tpu.memref_slice %arg9[%add3A_321, %dma_wait3A_327] : memref<160x128xi32, #tpu.memory_space<vmem>> -> memref<1x128xi32, #tpu.memory_space<vmem>>
      %dma_wait3A_329 = tpu.memref_squeeze %dma_wait3A_328 : memref<1x128xi32, #tpu.memory_space<vmem>> -> memref<128xi32, #tpu.memory_space<vmem>>
      %dma_wait3A_330 = arith.constant 0 : i32
      %dma_wait3A_331 = arith.constant 0 : i32
      %dma_wait3A_332 = tpu.memref_slice %arg2[%dma_wait3A_330, %dma_wait3A_331] : memref<20000x64xf32, #tpu.memory_space<hbm>> -> memref<20000x64xf32, #tpu.memory_space<hbm>>
      tpu.wait_indirect_dma semaphore(%arg14 : memref<!tpu.dma_semaphore, #tpu.memory_space<semaphore_mem>>) src(%dma_wait3A_332 : memref<20000x64xf32, #tpu.memory_space<hbm>>) dst(%dma_wait3A_326 : memref<128x64xf32, #tpu.memory_space<vmem>>)
      %dma_start3A_333 = arith.constant 1 : i32
      %dma_start3A_334 = arith.constant 0 : i32
      %dma_start3A_335 = arith.constant 0 : i32
      %dma_start3A_336 = tpu.memref_slice %arg11[%dma_start3A_333, %dma_start3A_334, %dma_start3A_335] : memref<4x128x64xf32, #tpu.memory_space<vmem>> -> memref<1x128x64xf32, #tpu.memory_space<vmem>>
      %dma_start3A_337 = tpu.memref_squeeze %dma_start3A_336 : memref<1x128x64xf32, #tpu.memory_space<vmem>> -> memref<128x64xf32, #tpu.memory_space<vmem>>
      %dma_start3A_338 = arith.constant 0 : i32
      %dma_start3A_339 = tpu.memref_slice %arg10[%add3A_321, %dma_start3A_338] : memref<160x128xi32, #tpu.memory_space<vmem>> -> memref<1x128xi32, #tpu.memory_space<vmem>>
      %dma_start3A_340 = tpu.memref_squeeze %dma_start3A_339 : memref<1x128xi32, #tpu.memory_space<vmem>> -> memref<128xi32, #tpu.memory_space<vmem>>
      %dma_start3A_341 = arith.constant 0 : i32
      %dma_start3A_342 = arith.constant 0 : i32
      %dma_start3A_343 = tpu.memref_slice %arg8[%dma_start3A_341, %dma_start3A_342] : memref<10000x64xf32, #tpu.memory_space<vmem_shared>> -> memref<10000x64xf32, #tpu.memory_space<vmem_shared>>
      tpu.enqueue_indirect_dma source(%dma_start3A_337 : memref<128x64xf32, #tpu.memory_space<vmem>>) target(%dma_start3A_343 : memref<10000x64xf32, #tpu.memory_space<vmem_shared>>) offsets(%dma_start3A_340 : memref<128xi32, #tpu.memory_space<vmem>>) semaphore(%arg18 : memref<!tpu.dma_semaphore, #tpu.memory_space<semaphore_mem>>) {add = true}
      %dma_wait3A_344 = arith.constant 1 : i32
      %dma_wait3A_345 = arith.constant 0 : i32
      %dma_wait3A_346 = arith.constant 0 : i32
      %dma_wait3A_347 = tpu.memref_slice %arg11[%dma_wait3A_344, %dma_wait3A_345, %dma_wait3A_346] : memref<4x128x64xf32, #tpu.memory_space<vmem>> -> memref<1x128x64xf32, #tpu.memory_space<vmem>>
      %dma_wait3A_348 = tpu.memref_squeeze %dma_wait3A_347 : memref<1x128x64xf32, #tpu.memory_space<vmem>> -> memref<128x64xf32, #tpu.memory_space<vmem>>
      %dma_wait3A_349 = arith.constant 0 : i32
      %dma_wait3A_350 = tpu.memref_slice %arg10[%add3A_321, %dma_wait3A_349] : memref<160x128xi32, #tpu.memory_space<vmem>> -> memref<1x128xi32, #tpu.memory_space<vmem>>
      %dma_wait3A_351 = tpu.memref_squeeze %dma_wait3A_350 : memref<1x128xi32, #tpu.memory_space<vmem>> -> memref<128xi32, #tpu.memory_space<vmem>>
      %dma_wait3A_352 = arith.constant 0 : i32
      %dma_wait3A_353 = arith.constant 0 : i32
      %dma_wait3A_354 = tpu.memref_slice %arg8[%dma_wait3A_352, %dma_wait3A_353] : memref<10000x64xf32, #tpu.memory_space<vmem_shared>> -> memref<10000x64xf32, #tpu.memory_space<vmem_shared>>
      tpu.wait_indirect_dma semaphore(%arg18 : memref<!tpu.dma_semaphore, #tpu.memory_space<semaphore_mem>>) src(%dma_wait3A_348 : memref<128x64xf32, #tpu.memory_space<vmem>>) dst(%dma_wait3A_354 : memref<10000x64xf32, #tpu.memory_space<vmem_shared>>)
      %add3A_355 = arith.constant 4 : i32
      %add3A_356 = arith.addi %add3A_321, %add3A_355 : i32
      %dma_start3A_357 = arith.constant 1 : i32
      %dma_start3A_358 = arith.constant 0 : i32
      %dma_start3A_359 = arith.constant 0 : i32
      %dma_start3A_360 = tpu.memref_slice %arg11[%dma_start3A_357, %dma_start3A_358, %dma_start3A_359] : memref<4x128x64xf32, #tpu.memory_space<vmem>> -> memref<1x128x64xf32, #tpu.memory_space<vmem>>
      %dma_start3A_361 = tpu.memref_squeeze %dma_start3A_360 : memref<1x128x64xf32, #tpu.memory_space<vmem>> -> memref<128x64xf32, #tpu.memory_space<vmem>>
      %dma_start3A_362 = arith.constant 0 : i32
      %dma_start3A_363 = tpu.memref_slice %arg9[%add3A_356, %dma_start3A_362] : memref<160x128xi32, #tpu.memory_space<vmem>> -> memref<1x128xi32, #tpu.memory_space<vmem>>
      %dma_start3A_364 = tpu.memref_squeeze %dma_start3A_363 : memref<1x128xi32, #tpu.memory_space<vmem>> -> memref<128xi32, #tpu.memory_space<vmem>>
      %dma_start3A_365 = arith.constant 0 : i32
      %dma_start3A_366 = arith.constant 0 : i32
      %dma_start3A_367 = tpu.memref_slice %arg2[%dma_start3A_365, %dma_start3A_366] : memref<20000x64xf32, #tpu.memory_space<hbm>> -> memref<20000x64xf32, #tpu.memory_space<hbm>>
      tpu.enqueue_indirect_dma source(%dma_start3A_367 : memref<20000x64xf32, #tpu.memory_space<hbm>>) target(%dma_start3A_361 : memref<128x64xf32, #tpu.memory_space<vmem>>) offsets(%dma_start3A_364 : memref<128xi32, #tpu.memory_space<vmem>>) semaphore(%arg14 : memref<!tpu.dma_semaphore, #tpu.memory_space<semaphore_mem>>)
      %mul3A_368 = arith.constant 4 : i32
      %mul3A_369 = arith.muli %while3A_267, %mul3A_368 : i32
      %add3A_370 = arith.constant 2 : i32
      %add3A_371 = arith.addi %mul3A_369, %add3A_370 : i32
      %dma_wait3A_372 = arith.constant 2 : i32
      %dma_wait3A_373 = arith.constant 0 : i32
      %dma_wait3A_374 = arith.constant 0 : i32
      %dma_wait3A_375 = tpu.memref_slice %arg11[%dma_wait3A_372, %dma_wait3A_373, %dma_wait3A_374] : memref<4x128x64xf32, #tpu.memory_space<vmem>> -> memref<1x128x64xf32, #tpu.memory_space<vmem>>
      %dma_wait3A_376 = tpu.memref_squeeze %dma_wait3A_375 : memref<1x128x64xf32, #tpu.memory_space<vmem>> -> memref<128x64xf32, #tpu.memory_space<vmem>>
      %dma_wait3A_377 = arith.constant 0 : i32
      %dma_wait3A_378 = tpu.memref_slice %arg9[%add3A_371, %dma_wait3A_377] : memref<160x128xi32, #tpu.memory_space<vmem>> -> memref<1x128xi32, #tpu.memory_space<vmem>>
      %dma_wait3A_379 = tpu.memref_squeeze %dma_wait3A_378 : memref<1x128xi32, #tpu.memory_space<vmem>> -> memref<128xi32, #tpu.memory_space<vmem>>
      %dma_wait3A_380 = arith.constant 0 : i32
      %dma_wait3A_381 = arith.constant 0 : i32
      %dma_wait3A_382 = tpu.memref_slice %arg2[%dma_wait3A_380, %dma_wait3A_381] : memref<20000x64xf32, #tpu.memory_space<hbm>> -> memref<20000x64xf32, #tpu.memory_space<hbm>>
      tpu.wait_indirect_dma semaphore(%arg15 : memref<!tpu.dma_semaphore, #tpu.memory_space<semaphore_mem>>) src(%dma_wait3A_382 : memref<20000x64xf32, #tpu.memory_space<hbm>>) dst(%dma_wait3A_376 : memref<128x64xf32, #tpu.memory_space<vmem>>)
      %dma_start3A_383 = arith.constant 2 : i32
      %dma_start3A_384 = arith.constant 0 : i32
      %dma_start3A_385 = arith.constant 0 : i32
      %dma_start3A_386 = tpu.memref_slice %arg11[%dma_start3A_383, %dma_start3A_384, %dma_start3A_385] : memref<4x128x64xf32, #tpu.memory_space<vmem>> -> memref<1x128x64xf32, #tpu.memory_space<vmem>>
      %dma_start3A_387 = tpu.memref_squeeze %dma_start3A_386 : memref<1x128x64xf32, #tpu.memory_space<vmem>> -> memref<128x64xf32, #tpu.memory_space<vmem>>
      %dma_start3A_388 = arith.constant 0 : i32
      %dma_start3A_389 = tpu.memref_slice %arg10[%add3A_371, %dma_start3A_388] : memref<160x128xi32, #tpu.memory_space<vmem>> -> memref<1x128xi32, #tpu.memory_space<vmem>>
      %dma_start3A_390 = tpu.memref_squeeze %dma_start3A_389 : memref<1x128xi32, #tpu.memory_space<vmem>> -> memref<128xi32, #tpu.memory_space<vmem>>
      %dma_start3A_391 = arith.constant 0 : i32
      %dma_start3A_392 = arith.constant 0 : i32
      %dma_start3A_393 = tpu.memref_slice %arg8[%dma_start3A_391, %dma_start3A_392] : memref<10000x64xf32, #tpu.memory_space<vmem_shared>> -> memref<10000x64xf32, #tpu.memory_space<vmem_shared>>
      tpu.enqueue_indirect_dma source(%dma_start3A_387 : memref<128x64xf32, #tpu.memory_space<vmem>>) target(%dma_start3A_393 : memref<10000x64xf32, #tpu.memory_space<vmem_shared>>) offsets(%dma_start3A_390 : memref<128xi32, #tpu.memory_space<vmem>>) semaphore(%arg19 : memref<!tpu.dma_semaphore, #tpu.memory_space<semaphore_mem>>) {add = true}
      %dma_wait3A_394 = arith.constant 2 : i32
      %dma_wait3A_395 = arith.constant 0 : i32
      %dma_wait3A_396 = arith.constant 0 : i32
      %dma_wait3A_397 = tpu.memref_slice %arg11[%dma_wait3A_394, %dma_wait3A_395, %dma_wait3A_396] : memref<4x128x64xf32, #tpu.memory_space<vmem>> -> memref<1x128x64xf32, #tpu.memory_space<vmem>>
      %dma_wait3A_398 = tpu.memref_squeeze %dma_wait3A_397 : memref<1x128x64xf32, #tpu.memory_space<vmem>> -> memref<128x64xf32, #tpu.memory_space<vmem>>
      %dma_wait3A_399 = arith.constant 0 : i32
      %dma_wait3A_400 = tpu.memref_slice %arg10[%add3A_371, %dma_wait3A_399] : memref<160x128xi32, #tpu.memory_space<vmem>> -> memref<1x128xi32, #tpu.memory_space<vmem>>
      %dma_wait3A_401 = tpu.memref_squeeze %dma_wait3A_400 : memref<1x128xi32, #tpu.memory_space<vmem>> -> memref<128xi32, #tpu.memory_space<vmem>>
      %dma_wait3A_402 = arith.constant 0 : i32
      %dma_wait3A_403 = arith.constant 0 : i32
      %dma_wait3A_404 = tpu.memref_slice %arg8[%dma_wait3A_402, %dma_wait3A_403] : memref<10000x64xf32, #tpu.memory_space<vmem_shared>> -> memref<10000x64xf32, #tpu.memory_space<vmem_shared>>
      tpu.wait_indirect_dma semaphore(%arg19 : memref<!tpu.dma_semaphore, #tpu.memory_space<semaphore_mem>>) src(%dma_wait3A_398 : memref<128x64xf32, #tpu.memory_space<vmem>>) dst(%dma_wait3A_404 : memref<10000x64xf32, #tpu.memory_space<vmem_shared>>)
      %add3A_405 = arith.constant 4 : i32
      %add3A_406 = arith.addi %add3A_371, %add3A_405 : i32
      %dma_start3A_407 = arith.constant 2 : i32
      %dma_start3A_408 = arith.constant 0 : i32
      %dma_start3A_409 = arith.constant 0 : i32
      %dma_start3A_410 = tpu.memref_slice %arg11[%dma_start3A_407, %dma_start3A_408, %dma_start3A_409] : memref<4x128x64xf32, #tpu.memory_space<vmem>> -> memref<1x128x64xf32, #tpu.memory_space<vmem>>
      %dma_start3A_411 = tpu.memref_squeeze %dma_start3A_410 : memref<1x128x64xf32, #tpu.memory_space<vmem>> -> memref<128x64xf32, #tpu.memory_space<vmem>>
      %dma_start3A_412 = arith.constant 0 : i32
      %dma_start3A_413 = tpu.memref_slice %arg9[%add3A_406, %dma_start3A_412] : memref<160x128xi32, #tpu.memory_space<vmem>> -> memref<1x128xi32, #tpu.memory_space<vmem>>
      %dma_start3A_414 = tpu.memref_squeeze %dma_start3A_413 : memref<1x128xi32, #tpu.memory_space<vmem>> -> memref<128xi32, #tpu.memory_space<vmem>>
      %dma_start3A_415 = arith.constant 0 : i32
      %dma_start3A_416 = arith.constant 0 : i32
      %dma_start3A_417 = tpu.memref_slice %arg2[%dma_start3A_415, %dma_start3A_416] : memref<20000x64xf32, #tpu.memory_space<hbm>> -> memref<20000x64xf32, #tpu.memory_space<hbm>>
      tpu.enqueue_indirect_dma source(%dma_start3A_417 : memref<20000x64xf32, #tpu.memory_space<hbm>>) target(%dma_start3A_411 : memref<128x64xf32, #tpu.memory_space<vmem>>) offsets(%dma_start3A_414 : memref<128xi32, #tpu.memory_space<vmem>>) semaphore(%arg15 : memref<!tpu.dma_semaphore, #tpu.memory_space<semaphore_mem>>)
      %mul3A_418 = arith.constant 4 : i32
      %mul3A_419 = arith.muli %while3A_267, %mul3A_418 : i32
      %add3A_420 = arith.constant 3 : i32
      %add3A_421 = arith.addi %mul3A_419, %add3A_420 : i32
      %dma_wait3A_422 = arith.constant 3 : i32
      %dma_wait3A_423 = arith.constant 0 : i32
      %dma_wait3A_424 = arith.constant 0 : i32
      %dma_wait3A_425 = tpu.memref_slice %arg11[%dma_wait3A_422, %dma_wait3A_423, %dma_wait3A_424] : memref<4x128x64xf32, #tpu.memory_space<vmem>> -> memref<1x128x64xf32, #tpu.memory_space<vmem>>
      %dma_wait3A_426 = tpu.memref_squeeze %dma_wait3A_425 : memref<1x128x64xf32, #tpu.memory_space<vmem>> -> memref<128x64xf32, #tpu.memory_space<vmem>>
      %dma_wait3A_427 = arith.constant 0 : i32
      %dma_wait3A_428 = tpu.memref_slice %arg9[%add3A_421, %dma_wait3A_427] : memref<160x128xi32, #tpu.memory_space<vmem>> -> memref<1x128xi32, #tpu.memory_space<vmem>>
      %dma_wait3A_429 = tpu.memref_squeeze %dma_wait3A_428 : memref<1x128xi32, #tpu.memory_space<vmem>> -> memref<128xi32, #tpu.memory_space<vmem>>
      %dma_wait3A_430 = arith.constant 0 : i32
      %dma_wait3A_431 = arith.constant 0 : i32
      %dma_wait3A_432 = tpu.memref_slice %arg2[%dma_wait3A_430, %dma_wait3A_431] : memref<20000x64xf32, #tpu.memory_space<hbm>> -> memref<20000x64xf32, #tpu.memory_space<hbm>>
      tpu.wait_indirect_dma semaphore(%arg16 : memref<!tpu.dma_semaphore, #tpu.memory_space<semaphore_mem>>) src(%dma_wait3A_432 : memref<20000x64xf32, #tpu.memory_space<hbm>>) dst(%dma_wait3A_426 : memref<128x64xf32, #tpu.memory_space<vmem>>)
      %dma_start3A_433 = arith.constant 3 : i32
      %dma_start3A_434 = arith.constant 0 : i32
      %dma_start3A_435 = arith.constant 0 : i32
      %dma_start3A_436 = tpu.memref_slice %arg11[%dma_start3A_433, %dma_start3A_434, %dma_start3A_435] : memref<4x128x64xf32, #tpu.memory_space<vmem>> -> memref<1x128x64xf32, #tpu.memory_space<vmem>>
      %dma_start3A_437 = tpu.memref_squeeze %dma_start3A_436 : memref<1x128x64xf32, #tpu.memory_space<vmem>> -> memref<128x64xf32, #tpu.memory_space<vmem>>
      %dma_start3A_438 = arith.constant 0 : i32
      %dma_start3A_439 = tpu.memref_slice %arg10[%add3A_421, %dma_start3A_438] : memref<160x128xi32, #tpu.memory_space<vmem>> -> memref<1x128xi32, #tpu.memory_space<vmem>>
      %dma_start3A_440 = tpu.memref_squeeze %dma_start3A_439 : memref<1x128xi32, #tpu.memory_space<vmem>> -> memref<128xi32, #tpu.memory_space<vmem>>
      %dma_start3A_441 = arith.constant 0 : i32
      %dma_start3A_442 = arith.constant 0 : i32
      %dma_start3A_443 = tpu.memref_slice %arg8[%dma_start3A_441, %dma_start3A_442] : memref<10000x64xf32, #tpu.memory_space<vmem_shared>> -> memref<10000x64xf32, #tpu.memory_space<vmem_shared>>
      tpu.enqueue_indirect_dma source(%dma_start3A_437 : memref<128x64xf32, #tpu.memory_space<vmem>>) target(%dma_start3A_443 : memref<10000x64xf32, #tpu.memory_space<vmem_shared>>) offsets(%dma_start3A_440 : memref<128xi32, #tpu.memory_space<vmem>>) semaphore(%arg20 : memref<!tpu.dma_semaphore, #tpu.memory_space<semaphore_mem>>) {add = true}
      %dma_wait3A_444 = arith.constant 3 : i32
      %dma_wait3A_445 = arith.constant 0 : i32
      %dma_wait3A_446 = arith.constant 0 : i32
      %dma_wait3A_447 = tpu.memref_slice %arg11[%dma_wait3A_444, %dma_wait3A_445, %dma_wait3A_446] : memref<4x128x64xf32, #tpu.memory_space<vmem>> -> memref<1x128x64xf32, #tpu.memory_space<vmem>>
      %dma_wait3A_448 = tpu.memref_squeeze %dma_wait3A_447 : memref<1x128x64xf32, #tpu.memory_space<vmem>> -> memref<128x64xf32, #tpu.memory_space<vmem>>
      %dma_wait3A_449 = arith.constant 0 : i32
      %dma_wait3A_450 = tpu.memref_slice %arg10[%add3A_421, %dma_wait3A_449] : memref<160x128xi32, #tpu.memory_space<vmem>> -> memref<1x128xi32, #tpu.memory_space<vmem>>
      %dma_wait3A_451 = tpu.memref_squeeze %dma_wait3A_450 : memref<1x128xi32, #tpu.memory_space<vmem>> -> memref<128xi32, #tpu.memory_space<vmem>>
      %dma_wait3A_452 = arith.constant 0 : i32
      %dma_wait3A_453 = arith.constant 0 : i32
      %dma_wait3A_454 = tpu.memref_slice %arg8[%dma_wait3A_452, %dma_wait3A_453] : memref<10000x64xf32, #tpu.memory_space<vmem_shared>> -> memref<10000x64xf32, #tpu.memory_space<vmem_shared>>
      tpu.wait_indirect_dma semaphore(%arg20 : memref<!tpu.dma_semaphore, #tpu.memory_space<semaphore_mem>>) src(%dma_wait3A_448 : memref<128x64xf32, #tpu.memory_space<vmem>>) dst(%dma_wait3A_454 : memref<10000x64xf32, #tpu.memory_space<vmem_shared>>)
      %add3A_455 = arith.constant 4 : i32
      %add3A_456 = arith.addi %add3A_421, %add3A_455 : i32
      %dma_start3A_457 = arith.constant 3 : i32
      %dma_start3A_458 = arith.constant 0 : i32
      %dma_start3A_459 = arith.constant 0 : i32
      %dma_start3A_460 = tpu.memref_slice %arg11[%dma_start3A_457, %dma_start3A_458, %dma_start3A_459] : memref<4x128x64xf32, #tpu.memory_space<vmem>> -> memref<1x128x64xf32, #tpu.memory_space<vmem>>
      %dma_start3A_461 = tpu.memref_squeeze %dma_start3A_460 : memref<1x128x64xf32, #tpu.memory_space<vmem>> -> memref<128x64xf32, #tpu.memory_space<vmem>>
      %dma_start3A_462 = arith.constant 0 : i32
      %dma_start3A_463 = tpu.memref_slice %arg9[%add3A_456, %dma_start3A_462] : memref<160x128xi32, #tpu.memory_space<vmem>> -> memref<1x128xi32, #tpu.memory_space<vmem>>
      %dma_start3A_464 = tpu.memref_squeeze %dma_start3A_463 : memref<1x128xi32, #tpu.memory_space<vmem>> -> memref<128xi32, #tpu.memory_space<vmem>>
      %dma_start3A_465 = arith.constant 0 : i32
      %dma_start3A_466 = arith.constant 0 : i32
      %dma_start3A_467 = tpu.memref_slice %arg2[%dma_start3A_465, %dma_start3A_466] : memref<20000x64xf32, #tpu.memory_space<hbm>> -> memref<20000x64xf32, #tpu.memory_space<hbm>>
      tpu.enqueue_indirect_dma source(%dma_start3A_467 : memref<20000x64xf32, #tpu.memory_space<hbm>>) target(%dma_start3A_461 : memref<128x64xf32, #tpu.memory_space<vmem>>) offsets(%dma_start3A_464 : memref<128xi32, #tpu.memory_space<vmem>>) semaphore(%arg16 : memref<!tpu.dma_semaphore, #tpu.memory_space<semaphore_mem>>)
    }
    %while3A_112 = arith.constant 1 : i32
    scf.for %while3A_267 = %while3A_110 to %while3A_106 step %while3A_112  : i32 {
      %mul3A_268 = arith.constant 4 : i32
      %mul3A_269 = arith.muli %while3A_267, %mul3A_268 : i32
      %add3A_270 = arith.constant 0 : i32
      %add3A_271 = arith.addi %mul3A_269, %add3A_270 : i32
      %dma_wait3A_272 = arith.constant 0 : i32
      %dma_wait3A_273 = arith.constant 0 : i32
      %dma_wait3A_274 = arith.constant 0 : i32
      %dma_wait3A_275 = tpu.memref_slice %arg11[%dma_wait3A_272, %dma_wait3A_273, %dma_wait3A_274] : memref<4x128x64xf32, #tpu.memory_space<vmem>> -> memref<1x128x64xf32, #tpu.memory_space<vmem>>
      %dma_wait3A_276 = tpu.memref_squeeze %dma_wait3A_275 : memref<1x128x64xf32, #tpu.memory_space<vmem>> -> memref<128x64xf32, #tpu.memory_space<vmem>>
      %dma_wait3A_277 = arith.constant 0 : i32
      %dma_wait3A_278 = tpu.memref_slice %arg9[%add3A_271, %dma_wait3A_277] : memref<160x128xi32, #tpu.memory_space<vmem>> -> memref<1x128xi32, #tpu.memory_space<vmem>>
      %dma_wait3A_279 = tpu.memref_squeeze %dma_wait3A_278 : memref<1x128xi32, #tpu.memory_space<vmem>> -> memref<128xi32, #tpu.memory_space<vmem>>
      %dma_wait3A_280 = arith.constant 0 : i32
      %dma_wait3A_281 = arith.constant 0 : i32
      %dma_wait3A_282 = tpu.memref_slice %arg2[%dma_wait3A_280, %dma_wait3A_281] : memref<20000x64xf32, #tpu.memory_space<hbm>> -> memref<20000x64xf32, #tpu.memory_space<hbm>>
      tpu.wait_indirect_dma semaphore(%arg13 : memref<!tpu.dma_semaphore, #tpu.memory_space<semaphore_mem>>) src(%dma_wait3A_282 : memref<20000x64xf32, #tpu.memory_space<hbm>>) dst(%dma_wait3A_276 : memref<128x64xf32, #tpu.memory_space<vmem>>)
      %dma_start3A_283 = arith.constant 0 : i32
      %dma_start3A_284 = arith.constant 0 : i32
      %dma_start3A_285 = arith.constant 0 : i32
      %dma_start3A_286 = tpu.memref_slice %arg11[%dma_start3A_283, %dma_start3A_284, %dma_start3A_285] : memref<4x128x64xf32, #tpu.memory_space<vmem>> -> memref<1x128x64xf32, #tpu.memory_space<vmem>>
      %dma_start3A_287 = tpu.memref_squeeze %dma_start3A_286 : memref<1x128x64xf32, #tpu.memory_space<vmem>> -> memref<128x64xf32, #tpu.memory_space<vmem>>
      %dma_start3A_288 = arith.constant 0 : i32
      %dma_start3A_289 = tpu.memref_slice %arg10[%add3A_271, %dma_start3A_288] : memref<160x128xi32, #tpu.memory_space<vmem>> -> memref<1x128xi32, #tpu.memory_space<vmem>>
      %dma_start3A_290 = tpu.memref_squeeze %dma_start3A_289 : memref<1x128xi32, #tpu.memory_space<vmem>> -> memref<128xi32, #tpu.memory_space<vmem>>
      %dma_start3A_291 = arith.constant 0 : i32
      %dma_start3A_292 = arith.constant 0 : i32
      %dma_start3A_293 = tpu.memref_slice %arg8[%dma_start3A_291, %dma_start3A_292] : memref<10000x64xf32, #tpu.memory_space<vmem_shared>> -> memref<10000x64xf32, #tpu.memory_space<vmem_shared>>
      tpu.enqueue_indirect_dma source(%dma_start3A_287 : memref<128x64xf32, #tpu.memory_space<vmem>>) target(%dma_start3A_293 : memref<10000x64xf32, #tpu.memory_space<vmem_shared>>) offsets(%dma_start3A_290 : memref<128xi32, #tpu.memory_space<vmem>>) semaphore(%arg17 : memref<!tpu.dma_semaphore, #tpu.memory_space<semaphore_mem>>) {add = true}
      %dma_wait3A_294 = arith.constant 0 : i32
      %dma_wait3A_295 = arith.constant 0 : i32
      %dma_wait3A_296 = arith.constant 0 : i32
      %dma_wait3A_297 = tpu.memref_slice %arg11[%dma_wait3A_294, %dma_wait3A_295, %dma_wait3A_296] : memref<4x128x64xf32, #tpu.memory_space<vmem>> -> memref<1x128x64xf32, #tpu.memory_space<vmem>>
      %dma_wait3A_298 = tpu.memref_squeeze %dma_wait3A_297 : memref<1x128x64xf32, #tpu.memory_space<vmem>> -> memref<128x64xf32, #tpu.memory_space<vmem>>
      %dma_wait3A_299 = arith.constant 0 : i32
      %dma_wait3A_300 = tpu.memref_slice %arg10[%add3A_271, %dma_wait3A_299] : memref<160x128xi32, #tpu.memory_space<vmem>> -> memref<1x128xi32, #tpu.memory_space<vmem>>
      %dma_wait3A_301 = tpu.memref_squeeze %dma_wait3A_300 : memref<1x128xi32, #tpu.memory_space<vmem>> -> memref<128xi32, #tpu.memory_space<vmem>>
      %dma_wait3A_302 = arith.constant 0 : i32
      %dma_wait3A_303 = arith.constant 0 : i32
      %dma_wait3A_304 = tpu.memref_slice %arg8[%dma_wait3A_302, %dma_wait3A_303] : memref<10000x64xf32, #tpu.memory_space<vmem_shared>> -> memref<10000x64xf32, #tpu.memory_space<vmem_shared>>
      tpu.wait_indirect_dma semaphore(%arg17 : memref<!tpu.dma_semaphore, #tpu.memory_space<semaphore_mem>>) src(%dma_wait3A_298 : memref<128x64xf32, #tpu.memory_space<vmem>>) dst(%dma_wait3A_304 : memref<10000x64xf32, #tpu.memory_space<vmem_shared>>)
      %add3A_305 = arith.constant 4 : i32
      %add3A_306 = arith.addi %add3A_271, %add3A_305 : i32
      %dma_start3A_307 = arith.constant 0 : i32
      %dma_start3A_308 = arith.constant 0 : i32
      %dma_start3A_309 = arith.constant 0 : i32
      %dma_start3A_310 = tpu.memref_slice %arg11[%dma_start3A_307, %dma_start3A_308, %dma_start3A_309] : memref<4x128x64xf32, #tpu.memory_space<vmem>> -> memref<1x128x64xf32, #tpu.memory_space<vmem>>
      %dma_start3A_311 = tpu.memref_squeeze %dma_start3A_310 : memref<1x128x64xf32, #tpu.memory_space<vmem>> -> memref<128x64xf32, #tpu.memory_space<vmem>>
      %dma_start3A_312 = arith.constant 0 : i32
      %dma_start3A_313 = tpu.memref_slice %arg9[%add3A_306, %dma_start3A_312] : memref<160x128xi32, #tpu.memory_space<vmem>> -> memref<1x128xi32, #tpu.memory_space<vmem>>
      %dma_start3A_314 = tpu.memref_squeeze %dma_start3A_313 : memref<1x128xi32, #tpu.memory_space<vmem>> -> memref<128xi32, #tpu.memory_space<vmem>>
      %dma_start3A_315 = arith.constant 0 : i32
      %dma_start3A_316 = arith.constant 0 : i32
      %dma_start3A_317 = tpu.memref_slice %arg2[%dma_start3A_315, %dma_start3A_316] : memref<20000x64xf32, #tpu.memory_space<hbm>> -> memref<20000x64xf32, #tpu.memory_space<hbm>>
      tpu.enqueue_indirect_dma source(%dma_start3A_317 : memref<20000x64xf32, #tpu.memory_space<hbm>>) target(%dma_start3A_311 : memref<128x64xf32, #tpu.memory_space<vmem>>) offsets(%dma_start3A_314 : memref<128xi32, #tpu.memory_space<vmem>>) semaphore(%arg13 : memref<!tpu.dma_semaphore, #tpu.memory_space<semaphore_mem>>)
      %mul3A_318 = arith.constant 4 : i32
      %mul3A_319 = arith.muli %while3A_267, %mul3A_318 : i32
      %add3A_320 = arith.constant 1 : i32
      %add3A_321 = arith.addi %mul3A_319, %add3A_320 : i32
      %dma_wait3A_322 = arith.constant 1 : i32
      %dma_wait3A_323 = arith.constant 0 : i32
      %dma_wait3A_324 = arith.constant 0 : i32
      %dma_wait3A_325 = tpu.memref_slice %arg11[%dma_wait3A_322, %dma_wait3A_323, %dma_wait3A_324] : memref<4x128x64xf32, #tpu.memory_space<vmem>> -> memref<1x128x64xf32, #tpu.memory_space<vmem>>
      %dma_wait3A_326 = tpu.memref_squeeze %dma_wait3A_325 : memref<1x128x64xf32, #tpu.memory_space<vmem>> -> memref<128x64xf32, #tpu.memory_space<vmem>>
      %dma_wait3A_327 = arith.constant 0 : i32
      %dma_wait3A_328 = tpu.memref_slice %arg9[%add3A_321, %dma_wait3A_327] : memref<160x128xi32, #tpu.memory_space<vmem>> -> memref<1x128xi32, #tpu.memory_space<vmem>>
      %dma_wait3A_329 = tpu.memref_squeeze %dma_wait3A_328 : memref<1x128xi32, #tpu.memory_space<vmem>> -> memref<128xi32, #tpu.memory_space<vmem>>
      %dma_wait3A_330 = arith.constant 0 : i32
      %dma_wait3A_331 = arith.constant 0 : i32
      %dma_wait3A_332 = tpu.memref_slice %arg2[%dma_wait3A_330, %dma_wait3A_331] : memref<20000x64xf32, #tpu.memory_space<hbm>> -> memref<20000x64xf32, #tpu.memory_space<hbm>>
      tpu.wait_indirect_dma semaphore(%arg14 : memref<!tpu.dma_semaphore, #tpu.memory_space<semaphore_mem>>) src(%dma_wait3A_332 : memref<20000x64xf32, #tpu.memory_space<hbm>>) dst(%dma_wait3A_326 : memref<128x64xf32, #tpu.memory_space<vmem>>)
      %dma_start3A_333 = arith.constant 1 : i32
      %dma_start3A_334 = arith.constant 0 : i32
      %dma_start3A_335 = arith.constant 0 : i32
      %dma_start3A_336 = tpu.memref_slice %arg11[%dma_start3A_333, %dma_start3A_334, %dma_start3A_335] : memref<4x128x64xf32, #tpu.memory_space<vmem>> -> memref<1x128x64xf32, #tpu.memory_space<vmem>>
      %dma_start3A_337 = tpu.memref_squeeze %dma_start3A_336 : memref<1x128x64xf32, #tpu.memory_space<vmem>> -> memref<128x64xf32, #tpu.memory_space<vmem>>
      %dma_start3A_338 = arith.constant 0 : i32
      %dma_start3A_339 = tpu.memref_slice %arg10[%add3A_321, %dma_start3A_338] : memref<160x128xi32, #tpu.memory_space<vmem>> -> memref<1x128xi32, #tpu.memory_space<vmem>>
      %dma_start3A_340 = tpu.memref_squeeze %dma_start3A_339 : memref<1x128xi32, #tpu.memory_space<vmem>> -> memref<128xi32, #tpu.memory_space<vmem>>
      %dma_start3A_341 = arith.constant 0 : i32
      %dma_start3A_342 = arith.constant 0 : i32
      %dma_start3A_343 = tpu.memref_slice %arg8[%dma_start3A_341, %dma_start3A_342] : memref<10000x64xf32, #tpu.memory_space<vmem_shared>> -> memref<10000x64xf32, #tpu.memory_space<vmem_shared>>
      tpu.enqueue_indirect_dma source(%dma_start3A_337 : memref<128x64xf32, #tpu.memory_space<vmem>>) target(%dma_start3A_343 : memref<10000x64xf32, #tpu.memory_space<vmem_shared>>) offsets(%dma_start3A_340 : memref<128xi32, #tpu.memory_space<vmem>>) semaphore(%arg18 : memref<!tpu.dma_semaphore, #tpu.memory_space<semaphore_mem>>) {add = true}
      %dma_wait3A_344 = arith.constant 1 : i32
      %dma_wait3A_345 = arith.constant 0 : i32
      %dma_wait3A_346 = arith.constant 0 : i32
      %dma_wait3A_347 = tpu.memref_slice %arg11[%dma_wait3A_344, %dma_wait3A_345, %dma_wait3A_346] : memref<4x128x64xf32, #tpu.memory_space<vmem>> -> memref<1x128x64xf32, #tpu.memory_space<vmem>>
      %dma_wait3A_348 = tpu.memref_squeeze %dma_wait3A_347 : memref<1x128x64xf32, #tpu.memory_space<vmem>> -> memref<128x64xf32, #tpu.memory_space<vmem>>
      %dma_wait3A_349 = arith.constant 0 : i32
      %dma_wait3A_350 = tpu.memref_slice %arg10[%add3A_321, %dma_wait3A_349] : memref<160x128xi32, #tpu.memory_space<vmem>> -> memref<1x128xi32, #tpu.memory_space<vmem>>
      %dma_wait3A_351 = tpu.memref_squeeze %dma_wait3A_350 : memref<1x128xi32, #tpu.memory_space<vmem>> -> memref<128xi32, #tpu.memory_space<vmem>>
      %dma_wait3A_352 = arith.constant 0 : i32
      %dma_wait3A_353 = arith.constant 0 : i32
      %dma_wait3A_354 = tpu.memref_slice %arg8[%dma_wait3A_352, %dma_wait3A_353] : memref<10000x64xf32, #tpu.memory_space<vmem_shared>> -> memref<10000x64xf32, #tpu.memory_space<vmem_shared>>
      tpu.wait_indirect_dma semaphore(%arg18 : memref<!tpu.dma_semaphore, #tpu.memory_space<semaphore_mem>>) src(%dma_wait3A_348 : memref<128x64xf32, #tpu.memory_space<vmem>>) dst(%dma_wait3A_354 : memref<10000x64xf32, #tpu.memory_space<vmem_shared>>)
      %add3A_355 = arith.constant 4 : i32
      %add3A_356 = arith.addi %add3A_321, %add3A_355 : i32
      %dma_start3A_357 = arith.constant 1 : i32
      %dma_start3A_358 = arith.constant 0 : i32
      %dma_start3A_359 = arith.constant 0 : i32
      %dma_start3A_360 = tpu.memref_slice %arg11[%dma_start3A_357, %dma_start3A_358, %dma_start3A_359] : memref<4x128x64xf32, #tpu.memory_space<vmem>> -> memref<1x128x64xf32, #tpu.memory_space<vmem>>
      %dma_start3A_361 = tpu.memref_squeeze %dma_start3A_360 : memref<1x128x64xf32, #tpu.memory_space<vmem>> -> memref<128x64xf32, #tpu.memory_space<vmem>>
      %dma_start3A_362 = arith.constant 0 : i32
      %dma_start3A_363 = tpu.memref_slice %arg9[%add3A_356, %dma_start3A_362] : memref<160x128xi32, #tpu.memory_space<vmem>> -> memref<1x128xi32, #tpu.memory_space<vmem>>
      %dma_start3A_364 = tpu.memref_squeeze %dma_start3A_363 : memref<1x128xi32, #tpu.memory_space<vmem>> -> memref<128xi32, #tpu.memory_space<vmem>>
      %dma_start3A_365 = arith.constant 0 : i32
      %dma_start3A_366 = arith.constant 0 : i32
      %dma_start3A_367 = tpu.memref_slice %arg2[%dma_start3A_365, %dma_start3A_366] : memref<20000x64xf32, #tpu.memory_space<hbm>> -> memref<20000x64xf32, #tpu.memory_space<hbm>>
      tpu.enqueue_indirect_dma source(%dma_start3A_367 : memref<20000x64xf32, #tpu.memory_space<hbm>>) target(%dma_start3A_361 : memref<128x64xf32, #tpu.memory_space<vmem>>) offsets(%dma_start3A_364 : memref<128xi32, #tpu.memory_space<vmem>>) semaphore(%arg14 : memref<!tpu.dma_semaphore, #tpu.memory_space<semaphore_mem>>)
      %mul3A_368 = arith.constant 4 : i32
      %mul3A_369 = arith.muli %while3A_267, %mul3A_368 : i32
      %add3A_370 = arith.constant 2 : i32
      %add3A_371 = arith.addi %mul3A_369, %add3A_370 : i32
      %dma_wait3A_372 = arith.constant 2 : i32
      %dma_wait3A_373 = arith.constant 0 : i32
      %dma_wait3A_374 = arith.constant 0 : i32
      %dma_wait3A_375 = tpu.memref_slice %arg11[%dma_wait3A_372, %dma_wait3A_373, %dma_wait3A_374] : memref<4x128x64xf32, #tpu.memory_space<vmem>> -> memref<1x128x64xf32, #tpu.memory_space<vmem>>
      %dma_wait3A_376 = tpu.memref_squeeze %dma_wait3A_375 : memref<1x128x64xf32, #tpu.memory_space<vmem>> -> memref<128x64xf32, #tpu.memory_space<vmem>>
      %dma_wait3A_377 = arith.constant 0 : i32
      %dma_wait3A_378 = tpu.memref_slice %arg9[%add3A_371, %dma_wait3A_377] : memref<160x128xi32, #tpu.memory_space<vmem>> -> memref<1x128xi32, #tpu.memory_space<vmem>>
      %dma_wait3A_379 = tpu.memref_squeeze %dma_wait3A_378 : memref<1x128xi32, #tpu.memory_space<vmem>> -> memref<128xi32, #tpu.memory_space<vmem>>
      %dma_wait3A_380 = arith.constant 0 : i32
      %dma_wait3A_381 = arith.constant 0 : i32
      %dma_wait3A_382 = tpu.memref_slice %arg2[%dma_wait3A_380, %dma_wait3A_381] : memref<20000x64xf32, #tpu.memory_space<hbm>> -> memref<20000x64xf32, #tpu.memory_space<hbm>>
      tpu.wait_indirect_dma semaphore(%arg15 : memref<!tpu.dma_semaphore, #tpu.memory_space<semaphore_mem>>) src(%dma_wait3A_382 : memref<20000x64xf32, #tpu.memory_space<hbm>>) dst(%dma_wait3A_376 : memref<128x64xf32, #tpu.memory_space<vmem>>)
      %dma_start3A_383 = arith.constant 2 : i32
      %dma_start3A_384 = arith.constant 0 : i32
      %dma_start3A_385 = arith.constant 0 : i32
      %dma_start3A_386 = tpu.memref_slice %arg11[%dma_start3A_383, %dma_start3A_384, %dma_start3A_385] : memref<4x128x64xf32, #tpu.memory_space<vmem>> -> memref<1x128x64xf32, #tpu.memory_space<vmem>>
      %dma_start3A_387 = tpu.memref_squeeze %dma_start3A_386 : memref<1x128x64xf32, #tpu.memory_space<vmem>> -> memref<128x64xf32, #tpu.memory_space<vmem>>
      %dma_start3A_388 = arith.constant 0 : i32
      %dma_start3A_389 = tpu.memref_slice %arg10[%add3A_371, %dma_start3A_388] : memref<160x128xi32, #tpu.memory_space<vmem>> -> memref<1x128xi32, #tpu.memory_space<vmem>>
      %dma_start3A_390 = tpu.memref_squeeze %dma_start3A_389 : memref<1x128xi32, #tpu.memory_space<vmem>> -> memref<128xi32, #tpu.memory_space<vmem>>
      %dma_start3A_391 = arith.constant 0 : i32
      %dma_start3A_392 = arith.constant 0 : i32
      %dma_start3A_393 = tpu.memref_slice %arg8[%dma_start3A_391, %dma_start3A_392] : memref<10000x64xf32, #tpu.memory_space<vmem_shared>> -> memref<10000x64xf32, #tpu.memory_space<vmem_shared>>
      tpu.enqueue_indirect_dma source(%dma_start3A_387 : memref<128x64xf32, #tpu.memory_space<vmem>>) target(%dma_start3A_393 : memref<10000x64xf32, #tpu.memory_space<vmem_shared>>) offsets(%dma_start3A_390 : memref<128xi32, #tpu.memory_space<vmem>>) semaphore(%arg19 : memref<!tpu.dma_semaphore, #tpu.memory_space<semaphore_mem>>) {add = true}
      %dma_wait3A_394 = arith.constant 2 : i32
      %dma_wait3A_395 = arith.constant 0 : i32
      %dma_wait3A_396 = arith.constant 0 : i32
      %dma_wait3A_397 = tpu.memref_slice %arg11[%dma_wait3A_394, %dma_wait3A_395, %dma_wait3A_396] : memref<4x128x64xf32, #tpu.memory_space<vmem>> -> memref<1x128x64xf32, #tpu.memory_space<vmem>>
      %dma_wait3A_398 = tpu.memref_squeeze %dma_wait3A_397 : memref<1x128x64xf32, #tpu.memory_space<vmem>> -> memref<128x64xf32, #tpu.memory_space<vmem>>
      %dma_wait3A_399 = arith.constant 0 : i32
      %dma_wait3A_400 = tpu.memref_slice %arg10[%add3A_371, %dma_wait3A_399] : memref<160x128xi32, #tpu.memory_space<vmem>> -> memref<1x128xi32, #tpu.memory_space<vmem>>
      %dma_wait3A_401 = tpu.memref_squeeze %dma_wait3A_400 : memref<1x128xi32, #tpu.memory_space<vmem>> -> memref<128xi32, #tpu.memory_space<vmem>>
      %dma_wait3A_402 = arith.constant 0 : i32
      %dma_wait3A_403 = arith.constant 0 : i32
      %dma_wait3A_404 = tpu.memref_slice %arg8[%dma_wait3A_402, %dma_wait3A_403] : memref<10000x64xf32, #tpu.memory_space<vmem_shared>> -> memref<10000x64xf32, #tpu.memory_space<vmem_shared>>
      tpu.wait_indirect_dma semaphore(%arg19 : memref<!tpu.dma_semaphore, #tpu.memory_space<semaphore_mem>>) src(%dma_wait3A_398 : memref<128x64xf32, #tpu.memory_space<vmem>>) dst(%dma_wait3A_404 : memref<10000x64xf32, #tpu.memory_space<vmem_shared>>)
      %add3A_405 = arith.constant 4 : i32
      %add3A_406 = arith.addi %add3A_371, %add3A_405 : i32
      %dma_start3A_407 = arith.constant 2 : i32
      %dma_start3A_408 = arith.constant 0 : i32
      %dma_start3A_409 = arith.constant 0 : i32
      %dma_start3A_410 = tpu.memref_slice %arg11[%dma_start3A_407, %dma_start3A_408, %dma_start3A_409] : memref<4x128x64xf32, #tpu.memory_space<vmem>> -> memref<1x128x64xf32, #tpu.memory_space<vmem>>
      %dma_start3A_411 = tpu.memref_squeeze %dma_start3A_410 : memref<1x128x64xf32, #tpu.memory_space<vmem>> -> memref<128x64xf32, #tpu.memory_space<vmem>>
      %dma_start3A_412 = arith.constant 0 : i32
      %dma_start3A_413 = tpu.memref_slice %arg9[%add3A_406, %dma_start3A_412] : memref<160x128xi32, #tpu.memory_space<vmem>> -> memref<1x128xi32, #tpu.memory_space<vmem>>
      %dma_start3A_414 = tpu.memref_squeeze %dma_start3A_413 : memref<1x128xi32, #tpu.memory_space<vmem>> -> memref<128xi32, #tpu.memory_space<vmem>>
      %dma_start3A_415 = arith.constant 0 : i32
      %dma_start3A_416 = arith.constant 0 : i32
      %dma_start3A_417 = tpu.memref_slice %arg2[%dma_start3A_415, %dma_start3A_416] : memref<20000x64xf32, #tpu.memory_space<hbm>> -> memref<20000x64xf32, #tpu.memory_space<hbm>>
      tpu.enqueue_indirect_dma source(%dma_start3A_417 : memref<20000x64xf32, #tpu.memory_space<hbm>>) target(%dma_start3A_411 : memref<128x64xf32, #tpu.memory_space<vmem>>) offsets(%dma_start3A_414 : memref<128xi32, #tpu.memory_space<vmem>>) semaphore(%arg15 : memref<!tpu.dma_semaphore, #tpu.memory_space<semaphore_mem>>)
      %mul3A_418 = arith.constant 4 : i32
      %mul3A_419 = arith.muli %while3A_267, %mul3A_418 : i32
      %add3A_420 = arith.constant 3 : i32
      %add3A_421 = arith.addi %mul3A_419, %add3A_420 : i32
      %dma_wait3A_422 = arith.constant 3 : i32
      %dma_wait3A_423 = arith.constant 0 : i32
      %dma_wait3A_424 = arith.constant 0 : i32
      %dma_wait3A_425 = tpu.memref_slice %arg11[%dma_wait3A_422, %dma_wait3A_423, %dma_wait3A_424] : memref<4x128x64xf32, #tpu.memory_space<vmem>> -> memref<1x128x64xf32, #tpu.memory_space<vmem>>
      %dma_wait3A_426 = tpu.memref_squeeze %dma_wait3A_425 : memref<1x128x64xf32, #tpu.memory_space<vmem>> -> memref<128x64xf32, #tpu.memory_space<vmem>>
      %dma_wait3A_427 = arith.constant 0 : i32
      %dma_wait3A_428 = tpu.memref_slice %arg9[%add3A_421, %dma_wait3A_427] : memref<160x128xi32, #tpu.memory_space<vmem>> -> memref<1x128xi32, #tpu.memory_space<vmem>>
      %dma_wait3A_429 = tpu.memref_squeeze %dma_wait3A_428 : memref<1x128xi32, #tpu.memory_space<vmem>> -> memref<128xi32, #tpu.memory_space<vmem>>
      %dma_wait3A_430 = arith.constant 0 : i32
      %dma_wait3A_431 = arith.constant 0 : i32
      %dma_wait3A_432 = tpu.memref_slice %arg2[%dma_wait3A_430, %dma_wait3A_431] : memref<20000x64xf32, #tpu.memory_space<hbm>> -> memref<20000x64xf32, #tpu.memory_space<hbm>>
      tpu.wait_indirect_dma semaphore(%arg16 : memref<!tpu.dma_semaphore, #tpu.memory_space<semaphore_mem>>) src(%dma_wait3A_432 : memref<20000x64xf32, #tpu.memory_space<hbm>>) dst(%dma_wait3A_426 : memref<128x64xf32, #tpu.memory_space<vmem>>)
      %dma_start3A_433 = arith.constant 3 : i32
      %dma_start3A_434 = arith.constant 0 : i32
      %dma_start3A_435 = arith.constant 0 : i32
      %dma_start3A_436 = tpu.memref_slice %arg11[%dma_start3A_433, %dma_start3A_434, %dma_start3A_435] : memref<4x128x64xf32, #tpu.memory_space<vmem>> -> memref<1x128x64xf32, #tpu.memory_space<vmem>>
      %dma_start3A_437 = tpu.memref_squeeze %dma_start3A_436 : memref<1x128x64xf32, #tpu.memory_space<vmem>> -> memref<128x64xf32, #tpu.memory_space<vmem>>
      %dma_start3A_438 = arith.constant 0 : i32
      %dma_start3A_439 = tpu.memref_slice %arg10[%add3A_421, %dma_start3A_438] : memref<160x128xi32, #tpu.memory_space<vmem>> -> memref<1x128xi32, #tpu.memory_space<vmem>>
      %dma_start3A_440 = tpu.memref_squeeze %dma_start3A_439 : memref<1x128xi32, #tpu.memory_space<vmem>> -> memref<128xi32, #tpu.memory_space<vmem>>
      %dma_start3A_441 = arith.constant 0 : i32
      %dma_start3A_442 = arith.constant 0 : i32
      %dma_start3A_443 = tpu.memref_slice %arg8[%dma_start3A_441, %dma_start3A_442] : memref<10000x64xf32, #tpu.memory_space<vmem_shared>> -> memref<10000x64xf32, #tpu.memory_space<vmem_shared>>
      tpu.enqueue_indirect_dma source(%dma_start3A_437 : memref<128x64xf32, #tpu.memory_space<vmem>>) target(%dma_start3A_443 : memref<10000x64xf32, #tpu.memory_space<vmem_shared>>) offsets(%dma_start3A_440 : memref<128xi32, #tpu.memory_space<vmem>>) semaphore(%arg20 : memref<!tpu.dma_semaphore, #tpu.memory_space<semaphore_mem>>) {add = true}
      %dma_wait3A_444 = arith.constant 3 : i32
      %dma_wait3A_445 = arith.constant 0 : i32
      %dma_wait3A_446 = arith.constant 0 : i32
      %dma_wait3A_447 = tpu.memref_slice %arg11[%dma_wait3A_444, %dma_wait3A_445, %dma_wait3A_446] : memref<4x128x64xf32, #tpu.memory_space<vmem>> -> memref<1x128x64xf32, #tpu.memory_space<vmem>>
      %dma_wait3A_448 = tpu.memref_squeeze %dma_wait3A_447 : memref<1x128x64xf32, #tpu.memory_space<vmem>> -> memref<128x64xf32, #tpu.memory_space<vmem>>
      %dma_wait3A_449 = arith.constant 0 : i32
      %dma_wait3A_450 = tpu.memref_slice %arg10[%add3A_421, %dma_wait3A_449] : memref<160x128xi32, #tpu.memory_space<vmem>> -> memref<1x128xi32, #tpu.memory_space<vmem>>
      %dma_wait3A_451 = tpu.memref_squeeze %dma_wait3A_450 : memref<1x128xi32, #tpu.memory_space<vmem>> -> memref<128xi32, #tpu.memory_space<vmem>>
      %dma_wait3A_452 = arith.constant 0 : i32
      %dma_wait3A_453 = arith.constant 0 : i32
      %dma_wait3A_454 = tpu.memref_slice %arg8[%dma_wait3A_452, %dma_wait3A_453] : memref<10000x64xf32, #tpu.memory_space<vmem_shared>> -> memref<10000x64xf32, #tpu.memory_space<vmem_shared>>
      tpu.wait_indirect_dma semaphore(%arg20 : memref<!tpu.dma_semaphore, #tpu.memory_space<semaphore_mem>>) src(%dma_wait3A_448 : memref<128x64xf32, #tpu.memory_space<vmem>>) dst(%dma_wait3A_454 : memref<10000x64xf32, #tpu.memory_space<vmem_shared>>)
      %add3A_455 = arith.constant 4 : i32
      %add3A_456 = arith.addi %add3A_421, %add3A_455 : i32
      %dma_start3A_457 = arith.constant 3 : i32
      %dma_start3A_458 = arith.constant 0 : i32
      %dma_start3A_459 = arith.constant 0 : i32
      %dma_start3A_460 = tpu.memref_slice %arg11[%dma_start3A_457, %dma_start3A_458, %dma_start3A_459] : memref<4x128x64xf32, #tpu.memory_space<vmem>> -> memref<1x128x64xf32, #tpu.memory_space<vmem>>
      %dma_start3A_461 = tpu.memref_squeeze %dma_start3A_460 : memref<1x128x64xf32, #tpu.memory_space<vmem>> -> memref<128x64xf32, #tpu.memory_space<vmem>>
      %dma_start3A_462 = arith.constant 0 : i32
      %dma_start3A_463 = tpu.memref_slice %arg9[%add3A_456, %dma_start3A_462] : memref<160x128xi32, #tpu.memory_space<vmem>> -> memref<1x128xi32, #tpu.memory_space<vmem>>
      %dma_start3A_464 = tpu.memref_squeeze %dma_start3A_463 : memref<1x128xi32, #tpu.memory_space<vmem>> -> memref<128xi32, #tpu.memory_space<vmem>>
      %dma_start3A_465 = arith.constant 0 : i32
      %dma_start3A_466 = arith.constant 0 : i32
      %dma_start3A_467 = tpu.memref_slice %arg2[%dma_start3A_465, %dma_start3A_466] : memref<20000x64xf32, #tpu.memory_space<hbm>> -> memref<20000x64xf32, #tpu.memory_space<hbm>>
      tpu.enqueue_indirect_dma source(%dma_start3A_467 : memref<20000x64xf32, #tpu.memory_space<hbm>>) target(%dma_start3A_461 : memref<128x64xf32, #tpu.memory_space<vmem>>) offsets(%dma_start3A_464 : memref<128xi32, #tpu.memory_space<vmem>>) semaphore(%arg16 : memref<!tpu.dma_semaphore, #tpu.memory_space<semaphore_mem>>)
    }
    %sub3A_113 = arith.constant 1 : i32
    %sub3A_114 = arith.subi %select_n3A, %sub3A_113 : i32
    %mul3A_115 = arith.constant 4 : i32
    %mul3A_116 = arith.muli %sub3A_114, %mul3A_115 : i32
    %add3A = arith.constant 0 : i32
    %add3A_117 = arith.addi %mul3A_116, %add3A : i32
    %dma_wait3A_118 = arith.constant 0 : i32
    %dma_wait3A_119 = arith.constant 0 : i32
    %dma_wait3A_120 = arith.constant 0 : i32
    %dma_wait3A_121 = tpu.memref_slice %arg11[%dma_wait3A_118, %dma_wait3A_119, %dma_wait3A_120] : memref<4x128x64xf32, #tpu.memory_space<vmem>> -> memref<1x128x64xf32, #tpu.memory_space<vmem>>
    %dma_wait3A_122 = tpu.memref_squeeze %dma_wait3A_121 : memref<1x128x64xf32, #tpu.memory_space<vmem>> -> memref<128x64xf32, #tpu.memory_space<vmem>>
    %dma_wait3A_123 = arith.constant 0 : i32
    %dma_wait3A_124 = tpu.memref_slice %arg9[%add3A_117, %dma_wait3A_123] : memref<160x128xi32, #tpu.memory_space<vmem>> -> memref<1x128xi32, #tpu.memory_space<vmem>>
    %dma_wait3A_125 = tpu.memref_squeeze %dma_wait3A_124 : memref<1x128xi32, #tpu.memory_space<vmem>> -> memref<128xi32, #tpu.memory_space<vmem>>
    %dma_wait3A_126 = arith.constant 0 : i32
    %dma_wait3A_127 = arith.constant 0 : i32
    %dma_wait3A_128 = tpu.memref_slice %arg2[%dma_wait3A_126, %dma_wait3A_127] : memref<20000x64xf32, #tpu.memory_space<hbm>> -> memref<20000x64xf32, #tpu.memory_space<hbm>>
    tpu.wait_indirect_dma semaphore(%arg13 : memref<!tpu.dma_semaphore, #tpu.memory_space<semaphore_mem>>) src(%dma_wait3A_128 : memref<20000x64xf32, #tpu.memory_space<hbm>>) dst(%dma_wait3A_122 : memref<128x64xf32, #tpu.memory_space<vmem>>)
    %dma_start3A_129 = arith.constant 0 : i32
    %dma_start3A_130 = arith.constant 0 : i32
    %dma_start3A_131 = arith.constant 0 : i32
    %dma_start3A_132 = tpu.memref_slice %arg11[%dma_start3A_129, %dma_start3A_130, %dma_start3A_131] : memref<4x128x64xf32, #tpu.memory_space<vmem>> -> memref<1x128x64xf32, #tpu.memory_space<vmem>>
    %dma_start3A_133 = tpu.memref_squeeze %dma_start3A_132 : memref<1x128x64xf32, #tpu.memory_space<vmem>> -> memref<128x64xf32, #tpu.memory_space<vmem>>
    %dma_start3A_134 = arith.constant 0 : i32
    %dma_start3A_135 = tpu.memref_slice %arg10[%add3A_117, %dma_start3A_134] : memref<160x128xi32, #tpu.memory_space<vmem>> -> memref<1x128xi32, #tpu.memory_space<vmem>>
    %dma_start3A_136 = tpu.memref_squeeze %dma_start3A_135 : memref<1x128xi32, #tpu.memory_space<vmem>> -> memref<128xi32, #tpu.memory_space<vmem>>
    %dma_start3A_137 = arith.constant 0 : i32
    %dma_start3A_138 = arith.constant 0 : i32
    %dma_start3A_139 = tpu.memref_slice %arg8[%dma_start3A_137, %dma_start3A_138] : memref<10000x64xf32, #tpu.memory_space<vmem_shared>> -> memref<10000x64xf32, #tpu.memory_space<vmem_shared>>
    tpu.enqueue_indirect_dma source(%dma_start3A_133 : memref<128x64xf32, #tpu.memory_space<vmem>>) target(%dma_start3A_139 : memref<10000x64xf32, #tpu.memory_space<vmem_shared>>) offsets(%dma_start3A_136 : memref<128xi32, #tpu.memory_space<vmem>>) semaphore(%arg17 : memref<!tpu.dma_semaphore, #tpu.memory_space<semaphore_mem>>) {add = true}
    %dma_wait3A_140 = arith.constant 0 : i32
    %dma_wait3A_141 = arith.constant 0 : i32
    %dma_wait3A_142 = arith.constant 0 : i32
    %dma_wait3A_143 = tpu.memref_slice %arg11[%dma_wait3A_140, %dma_wait3A_141, %dma_wait3A_142] : memref<4x128x64xf32, #tpu.memory_space<vmem>> -> memref<1x128x64xf32, #tpu.memory_space<vmem>>
    %dma_wait3A_144 = tpu.memref_squeeze %dma_wait3A_143 : memref<1x128x64xf32, #tpu.memory_space<vmem>> -> memref<128x64xf32, #tpu.memory_space<vmem>>
    %dma_wait3A_145 = arith.constant 0 : i32
    %dma_wait3A_146 = tpu.memref_slice %arg10[%add3A_117, %dma_wait3A_145] : memref<160x128xi32, #tpu.memory_space<vmem>> -> memref<1x128xi32, #tpu.memory_space<vmem>>
    %dma_wait3A_147 = tpu.memref_squeeze %dma_wait3A_146 : memref<1x128xi32, #tpu.memory_space<vmem>> -> memref<128xi32, #tpu.memory_space<vmem>>
    %dma_wait3A_148 = arith.constant 0 : i32
    %dma_wait3A_149 = arith.constant 0 : i32
    %dma_wait3A_150 = tpu.memref_slice %arg8[%dma_wait3A_148, %dma_wait3A_149] : memref<10000x64xf32, #tpu.memory_space<vmem_shared>> -> memref<10000x64xf32, #tpu.memory_space<vmem_shared>>
    tpu.wait_indirect_dma semaphore(%arg17 : memref<!tpu.dma_semaphore, #tpu.memory_space<semaphore_mem>>) src(%dma_wait3A_144 : memref<128x64xf32, #tpu.memory_space<vmem>>) dst(%dma_wait3A_150 : memref<10000x64xf32, #tpu.memory_space<vmem_shared>>)
    %add3A_151 = arith.constant 1 : i32
    %add3A_152 = arith.addi %mul3A_116, %add3A_151 : i32
    %dma_wait3A_153 = arith.constant 1 : i32
    %dma_wait3A_154 = arith.constant 0 : i32
    %dma_wait3A_155 = arith.constant 0 : i32
    %dma_wait3A_156 = tpu.memref_slice %arg11[%dma_wait3A_153, %dma_wait3A_154, %dma_wait3A_155] : memref<4x128x64xf32, #tpu.memory_space<vmem>> -> memref<1x128x64xf32, #tpu.memory_space<vmem>>
    %dma_wait3A_157 = tpu.memref_squeeze %dma_wait3A_156 : memref<1x128x64xf32, #tpu.memory_space<vmem>> -> memref<128x64xf32, #tpu.memory_space<vmem>>
    %dma_wait3A_158 = arith.constant 0 : i32
    %dma_wait3A_159 = tpu.memref_slice %arg9[%add3A_152, %dma_wait3A_158] : memref<160x128xi32, #tpu.memory_space<vmem>> -> memref<1x128xi32, #tpu.memory_space<vmem>>
    %dma_wait3A_160 = tpu.memref_squeeze %dma_wait3A_159 : memref<1x128xi32, #tpu.memory_space<vmem>> -> memref<128xi32, #tpu.memory_space<vmem>>
    %dma_wait3A_161 = arith.constant 0 : i32
    %dma_wait3A_162 = arith.constant 0 : i32
    %dma_wait3A_163 = tpu.memref_slice %arg2[%dma_wait3A_161, %dma_wait3A_162] : memref<20000x64xf32, #tpu.memory_space<hbm>> -> memref<20000x64xf32, #tpu.memory_space<hbm>>
    tpu.wait_indirect_dma semaphore(%arg14 : memref<!tpu.dma_semaphore, #tpu.memory_space<semaphore_mem>>) src(%dma_wait3A_163 : memref<20000x64xf32, #tpu.memory_space<hbm>>) dst(%dma_wait3A_157 : memref<128x64xf32, #tpu.memory_space<vmem>>)
    %dma_start3A_164 = arith.constant 1 : i32
    %dma_start3A_165 = arith.constant 0 : i32
    %dma_start3A_166 = arith.constant 0 : i32
    %dma_start3A_167 = tpu.memref_slice %arg11[%dma_start3A_164, %dma_start3A_165, %dma_start3A_166] : memref<4x128x64xf32, #tpu.memory_space<vmem>> -> memref<1x128x64xf32, #tpu.memory_space<vmem>>
    %dma_start3A_168 = tpu.memref_squeeze %dma_start3A_167 : memref<1x128x64xf32, #tpu.memory_space<vmem>> -> memref<128x64xf32, #tpu.memory_space<vmem>>
    %dma_start3A_169 = arith.constant 0 : i32
    %dma_start3A_170 = tpu.memref_slice %arg10[%add3A_152, %dma_start3A_169] : memref<160x128xi32, #tpu.memory_space<vmem>> -> memref<1x128xi32, #tpu.memory_space<vmem>>
    %dma_start3A_171 = tpu.memref_squeeze %dma_start3A_170 : memref<1x128xi32, #tpu.memory_space<vmem>> -> memref<128xi32, #tpu.memory_space<vmem>>
    %dma_start3A_172 = arith.constant 0 : i32
    %dma_start3A_173 = arith.constant 0 : i32
    %dma_start3A_174 = tpu.memref_slice %arg8[%dma_start3A_172, %dma_start3A_173] : memref<10000x64xf32, #tpu.memory_space<vmem_shared>> -> memref<10000x64xf32, #tpu.memory_space<vmem_shared>>
    tpu.enqueue_indirect_dma source(%dma_start3A_168 : memref<128x64xf32, #tpu.memory_space<vmem>>) target(%dma_start3A_174 : memref<10000x64xf32, #tpu.memory_space<vmem_shared>>) offsets(%dma_start3A_171 : memref<128xi32, #tpu.memory_space<vmem>>) semaphore(%arg18 : memref<!tpu.dma_semaphore, #tpu.memory_space<semaphore_mem>>) {add = true}
    %dma_wait3A_175 = arith.constant 1 : i32
    %dma_wait3A_176 = arith.constant 0 : i32
    %dma_wait3A_177 = arith.constant 0 : i32
    %dma_wait3A_178 = tpu.memref_slice %arg11[%dma_wait3A_175, %dma_wait3A_176, %dma_wait3A_177] : memref<4x128x64xf32, #tpu.memory_space<vmem>> -> memref<1x128x64xf32, #tpu.memory_space<vmem>>
    %dma_wait3A_179 = tpu.memref_squeeze %dma_wait3A_178 : memref<1x128x64xf32, #tpu.memory_space<vmem>> -> memref<128x64xf32, #tpu.memory_space<vmem>>
    %dma_wait3A_180 = arith.constant 0 : i32
    %dma_wait3A_181 = tpu.memref_slice %arg10[%add3A_152, %dma_wait3A_180] : memref<160x128xi32, #tpu.memory_space<vmem>> -> memref<1x128xi32, #tpu.memory_space<vmem>>
    %dma_wait3A_182 = tpu.memref_squeeze %dma_wait3A_181 : memref<1x128xi32, #tpu.memory_space<vmem>> -> memref<128xi32, #tpu.memory_space<vmem>>
    %dma_wait3A_183 = arith.constant 0 : i32
    %dma_wait3A_184 = arith.constant 0 : i32
    %dma_wait3A_185 = tpu.memref_slice %arg8[%dma_wait3A_183, %dma_wait3A_184] : memref<10000x64xf32, #tpu.memory_space<vmem_shared>> -> memref<10000x64xf32, #tpu.memory_space<vmem_shared>>
    tpu.wait_indirect_dma semaphore(%arg18 : memref<!tpu.dma_semaphore, #tpu.memory_space<semaphore_mem>>) src(%dma_wait3A_179 : memref<128x64xf32, #tpu.memory_space<vmem>>) dst(%dma_wait3A_185 : memref<10000x64xf32, #tpu.memory_space<vmem_shared>>)
    %add3A_186 = arith.constant 2 : i32
    %add3A_187 = arith.addi %mul3A_116, %add3A_186 : i32
    %dma_wait3A_188 = arith.constant 2 : i32
    %dma_wait3A_189 = arith.constant 0 : i32
    %dma_wait3A_190 = arith.constant 0 : i32
    %dma_wait3A_191 = tpu.memref_slice %arg11[%dma_wait3A_188, %dma_wait3A_189, %dma_wait3A_190] : memref<4x128x64xf32, #tpu.memory_space<vmem>> -> memref<1x128x64xf32, #tpu.memory_space<vmem>>
    %dma_wait3A_192 = tpu.memref_squeeze %dma_wait3A_191 : memref<1x128x64xf32, #tpu.memory_space<vmem>> -> memref<128x64xf32, #tpu.memory_space<vmem>>
    %dma_wait3A_193 = arith.constant 0 : i32
    %dma_wait3A_194 = tpu.memref_slice %arg9[%add3A_187, %dma_wait3A_193] : memref<160x128xi32, #tpu.memory_space<vmem>> -> memref<1x128xi32, #tpu.memory_space<vmem>>
    %dma_wait3A_195 = tpu.memref_squeeze %dma_wait3A_194 : memref<1x128xi32, #tpu.memory_space<vmem>> -> memref<128xi32, #tpu.memory_space<vmem>>
    %dma_wait3A_196 = arith.constant 0 : i32
    %dma_wait3A_197 = arith.constant 0 : i32
    %dma_wait3A_198 = tpu.memref_slice %arg2[%dma_wait3A_196, %dma_wait3A_197] : memref<20000x64xf32, #tpu.memory_space<hbm>> -> memref<20000x64xf32, #tpu.memory_space<hbm>>
    tpu.wait_indirect_dma semaphore(%arg15 : memref<!tpu.dma_semaphore, #tpu.memory_space<semaphore_mem>>) src(%dma_wait3A_198 : memref<20000x64xf32, #tpu.memory_space<hbm>>) dst(%dma_wait3A_192 : memref<128x64xf32, #tpu.memory_space<vmem>>)
    %dma_start3A_199 = arith.constant 2 : i32
    %dma_start3A_200 = arith.constant 0 : i32
    %dma_start3A_201 = arith.constant 0 : i32
    %dma_start3A_202 = tpu.memref_slice %arg11[%dma_start3A_199, %dma_start3A_200, %dma_start3A_201] : memref<4x128x64xf32, #tpu.memory_space<vmem>> -> memref<1x128x64xf32, #tpu.memory_space<vmem>>
    %dma_start3A_203 = tpu.memref_squeeze %dma_start3A_202 : memref<1x128x64xf32, #tpu.memory_space<vmem>> -> memref<128x64xf32, #tpu.memory_space<vmem>>
    %dma_start3A_204 = arith.constant 0 : i32
    %dma_start3A_205 = tpu.memref_slice %arg10[%add3A_187, %dma_start3A_204] : memref<160x128xi32, #tpu.memory_space<vmem>> -> memref<1x128xi32, #tpu.memory_space<vmem>>
    %dma_start3A_206 = tpu.memref_squeeze %dma_start3A_205 : memref<1x128xi32, #tpu.memory_space<vmem>> -> memref<128xi32, #tpu.memory_space<vmem>>
    %dma_start3A_207 = arith.constant 0 : i32
    %dma_start3A_208 = arith.constant 0 : i32
    %dma_start3A_209 = tpu.memref_slice %arg8[%dma_start3A_207, %dma_start3A_208] : memref<10000x64xf32, #tpu.memory_space<vmem_shared>> -> memref<10000x64xf32, #tpu.memory_space<vmem_shared>>
    tpu.enqueue_indirect_dma source(%dma_start3A_203 : memref<128x64xf32, #tpu.memory_space<vmem>>) target(%dma_start3A_209 : memref<10000x64xf32, #tpu.memory_space<vmem_shared>>) offsets(%dma_start3A_206 : memref<128xi32, #tpu.memory_space<vmem>>) semaphore(%arg19 : memref<!tpu.dma_semaphore, #tpu.memory_space<semaphore_mem>>) {add = true}
    %dma_wait3A_210 = arith.constant 2 : i32
    %dma_wait3A_211 = arith.constant 0 : i32
    %dma_wait3A_212 = arith.constant 0 : i32
    %dma_wait3A_213 = tpu.memref_slice %arg11[%dma_wait3A_210, %dma_wait3A_211, %dma_wait3A_212] : memref<4x128x64xf32, #tpu.memory_space<vmem>> -> memref<1x128x64xf32, #tpu.memory_space<vmem>>
    %dma_wait3A_214 = tpu.memref_squeeze %dma_wait3A_213 : memref<1x128x64xf32, #tpu.memory_space<vmem>> -> memref<128x64xf32, #tpu.memory_space<vmem>>
    %dma_wait3A_215 = arith.constant 0 : i32
    %dma_wait3A_216 = tpu.memref_slice %arg10[%add3A_187, %dma_wait3A_215] : memref<160x128xi32, #tpu.memory_space<vmem>> -> memref<1x128xi32, #tpu.memory_space<vmem>>
    %dma_wait3A_217 = tpu.memref_squeeze %dma_wait3A_216 : memref<1x128xi32, #tpu.memory_space<vmem>> -> memref<128xi32, #tpu.memory_space<vmem>>
    %dma_wait3A_218 = arith.constant 0 : i32
    %dma_wait3A_219 = arith.constant 0 : i32
    %dma_wait3A_220 = tpu.memref_slice %arg8[%dma_wait3A_218, %dma_wait3A_219] : memref<10000x64xf32, #tpu.memory_space<vmem_shared>> -> memref<10000x64xf32, #tpu.memory_space<vmem_shared>>
    tpu.wait_indirect_dma semaphore(%arg19 : memref<!tpu.dma_semaphore, #tpu.memory_space<semaphore_mem>>) src(%dma_wait3A_214 : memref<128x64xf32, #tpu.memory_space<vmem>>) dst(%dma_wait3A_220 : memref<10000x64xf32, #tpu.memory_space<vmem_shared>>)
    %add3A_221 = arith.constant 3 : i32
    %add3A_222 = arith.addi %mul3A_116, %add3A_221 : i32
    %dma_wait3A_223 = arith.constant 3 : i32
    %dma_wait3A_224 = arith.constant 0 : i32
    %dma_wait3A_225 = arith.constant 0 : i32
    %dma_wait3A_226 = tpu.memref_slice %arg11[%dma_wait3A_223, %dma_wait3A_224, %dma_wait3A_225] : memref<4x128x64xf32, #tpu.memory_space<vmem>> -> memref<1x128x64xf32, #tpu.memory_space<vmem>>
    %dma_wait3A_227 = tpu.memref_squeeze %dma_wait3A_226 : memref<1x128x64xf32, #tpu.memory_space<vmem>> -> memref<128x64xf32, #tpu.memory_space<vmem>>
    %dma_wait3A_228 = arith.constant 0 : i32
    %dma_wait3A_229 = tpu.memref_slice %arg9[%add3A_222, %dma_wait3A_228] : memref<160x128xi32, #tpu.memory_space<vmem>> -> memref<1x128xi32, #tpu.memory_space<vmem>>
    %dma_wait3A_230 = tpu.memref_squeeze %dma_wait3A_229 : memref<1x128xi32, #tpu.memory_space<vmem>> -> memref<128xi32, #tpu.memory_space<vmem>>
    %dma_wait3A_231 = arith.constant 0 : i32
    %dma_wait3A_232 = arith.constant 0 : i32
    %dma_wait3A_233 = tpu.memref_slice %arg2[%dma_wait3A_231, %dma_wait3A_232] : memref<20000x64xf32, #tpu.memory_space<hbm>> -> memref<20000x64xf32, #tpu.memory_space<hbm>>
    tpu.wait_indirect_dma semaphore(%arg16 : memref<!tpu.dma_semaphore, #tpu.memory_space<semaphore_mem>>) src(%dma_wait3A_233 : memref<20000x64xf32, #tpu.memory_space<hbm>>) dst(%dma_wait3A_227 : memref<128x64xf32, #tpu.memory_space<vmem>>)
    %dma_start3A_234 = arith.constant 3 : i32
    %dma_start3A_235 = arith.constant 0 : i32
    %dma_start3A_236 = arith.constant 0 : i32
    %dma_start3A_237 = tpu.memref_slice %arg11[%dma_start3A_234, %dma_start3A_235, %dma_start3A_236] : memref<4x128x64xf32, #tpu.memory_space<vmem>> -> memref<1x128x64xf32, #tpu.memory_space<vmem>>
    %dma_start3A_238 = tpu.memref_squeeze %dma_start3A_237 : memref<1x128x64xf32, #tpu.memory_space<vmem>> -> memref<128x64xf32, #tpu.memory_space<vmem>>
    %dma_start3A_239 = arith.constant 0 : i32
    %dma_start3A_240 = tpu.memref_slice %arg10[%add3A_222, %dma_start3A_239] : memref<160x128xi32, #tpu.memory_space<vmem>> -> memref<1x128xi32, #tpu.memory_space<vmem>>
    %dma_start3A_241 = tpu.memref_squeeze %dma_start3A_240 : memref<1x128xi32, #tpu.memory_space<vmem>> -> memref<128xi32, #tpu.memory_space<vmem>>
    %dma_start3A_242 = arith.constant 0 : i32
    %dma_start3A_243 = arith.constant 0 : i32
    %dma_start3A_244 = tpu.memref_slice %arg8[%dma_start3A_242, %dma_start3A_243] : memref<10000x64xf32, #tpu.memory_space<vmem_shared>> -> memref<10000x64xf32, #tpu.memory_space<vmem_shared>>
    tpu.enqueue_indirect_dma source(%dma_start3A_238 : memref<128x64xf32, #tpu.memory_space<vmem>>) target(%dma_start3A_244 : memref<10000x64xf32, #tpu.memory_space<vmem_shared>>) offsets(%dma_start3A_241 : memref<128xi32, #tpu.memory_space<vmem>>) semaphore(%arg20 : memref<!tpu.dma_semaphore, #tpu.memory_space<semaphore_mem>>) {add = true}
    %dma_wait3A_245 = arith.constant 3 : i32
    %dma_wait3A_246 = arith.constant 0 : i32
    %dma_wait3A_247 = arith.constant 0 : i32
    %dma_wait3A_248 = tpu.memref_slice %arg11[%dma_wait3A_245, %dma_wait3A_246, %dma_wait3A_247] : memref<4x128x64xf32, #tpu.memory_space<vmem>> -> memref<1x128x64xf32, #tpu.memory_space<vmem>>
    %dma_wait3A_249 = tpu.memref_squeeze %dma_wait3A_248 : memref<1x128x64xf32, #tpu.memory_space<vmem>> -> memref<128x64xf32, #tpu.memory_space<vmem>>
    %dma_wait3A_250 = arith.constant 0 : i32
    %dma_wait3A_251 = tpu.memref_slice %arg10[%add3A_222, %dma_wait3A_250] : memref<160x128xi32, #tpu.memory_space<vmem>> -> memref<1x128xi32, #tpu.memory_space<vmem>>
    %dma_wait3A_252 = tpu.memref_squeeze %dma_wait3A_251 : memref<1x128xi32, #tpu.memory_space<vmem>> -> memref<128xi32, #tpu.memory_space<vmem>>
    %dma_wait3A_253 = arith.constant 0 : i32
    %dma_wait3A_254 = arith.constant 0 : i32
    %dma_wait3A_255 = tpu.memref_slice %arg8[%dma_wait3A_253, %dma_wait3A_254] : memref<10000x64xf32, #tpu.memory_space<vmem_shared>> -> memref<10000x64xf32, #tpu.memory_space<vmem_shared>>
    tpu.wait_indirect_dma semaphore(%arg20 : memref<!tpu.dma_semaphore, #tpu.memory_space<semaphore_mem>>) src(%dma_wait3A_249 : memref<128x64xf32, #tpu.memory_space<vmem>>) dst(%dma_wait3A_255 : memref<10000x64xf32, #tpu.memory_space<vmem_shared>>)
    %barrier3A_256 = arith.constant 0 : index
    tpu.barrier barrier_id(%barrier3A_256)
    %eq3A_257 = arith.constant 0 : i32
    %eq3A_258 = arith.cmpi eq, %arg0, %eq3A_257 : i32
    %convert_element_type3A_259 = arith.extui %eq3A_258 : i1 to i32
    %cond3A_260 = arith.constant 0 : i32
    %cond3A_261 = arith.cmpi ne, %convert_element_type3A_259, %cond3A_260 : i32
    scf.if %cond3A_261 {
      %dma_start3A_267 = arith.constant 0 : i32
      %dma_start3A_268 = tpu.memref_slice %arg7[%mul3A_0, %dma_start3A_267] : memref<10000x128xf32, #tpu.memory_space<hbm>> -> memref<625x64xf32, #tpu.memory_space<hbm>>
      %dma_start3A_269 = arith.constant 0 : i32
      %dma_start3A_270 = tpu.memref_slice %arg8[%mul3A_0, %dma_start3A_269] : memref<10000x64xf32, #tpu.memory_space<vmem_shared>> -> memref<625x64xf32, #tpu.memory_space<vmem_shared>>
      tpu.enqueue_dma source(%dma_start3A_270 : memref<625x64xf32, #tpu.memory_space<vmem_shared>>) target(%dma_start3A_268 : memref<625x64xf32, #tpu.memory_space<hbm>>) target_semaphore(%arg12 : memref<!tpu.dma_semaphore, #tpu.memory_space<semaphore_mem>>)
      %dma_wait3A_271 = arith.constant 0 : i32
      %dma_wait3A_272 = tpu.memref_slice %arg7[%mul3A_0, %dma_wait3A_271] : memref<10000x128xf32, #tpu.memory_space<hbm>> -> memref<625x64xf32, #tpu.memory_space<hbm>>
      %dma_wait3A_273 = arith.constant 0 : i32
      %dma_wait3A_274 = tpu.memref_slice %arg8[%mul3A_0, %dma_wait3A_273] : memref<10000x64xf32, #tpu.memory_space<vmem_shared>> -> memref<625x64xf32, #tpu.memory_space<vmem_shared>>
      tpu.wait_dma2 semaphore(%arg12 : memref<!tpu.dma_semaphore, #tpu.memory_space<semaphore_mem>>) src(%dma_wait3A_274 : memref<625x64xf32, #tpu.memory_space<vmem_shared>>) dst(%dma_wait3A_272 : memref<625x64xf32, #tpu.memory_space<hbm>>)
    } else {
    }
    %eq3A_262 = arith.constant 1 : i32
    %eq3A_263 = arith.cmpi eq, %arg0, %eq3A_262 : i32
    %convert_element_type3A_264 = arith.extui %eq3A_263 : i1 to i32
    %cond3A_265 = arith.constant 0 : i32
    %cond3A_266 = arith.cmpi ne, %convert_element_type3A_264, %cond3A_265 : i32
    scf.if %cond3A_266 {
      %dma_start3A_267 = arith.constant 64 : i32
      %dma_start3A_268 = tpu.memref_slice %arg7[%mul3A_0, %dma_start3A_267] : memref<10000x128xf32, #tpu.memory_space<hbm>> -> memref<625x64xf32, #tpu.memory_space<hbm>>
      %dma_start3A_269 = arith.constant 0 : i32
      %dma_start3A_270 = tpu.memref_slice %arg8[%mul3A_0, %dma_start3A_269] : memref<10000x64xf32, #tpu.memory_space<vmem_shared>> -> memref<625x64xf32, #tpu.memory_space<vmem_shared>>
      tpu.enqueue_dma source(%dma_start3A_270 : memref<625x64xf32, #tpu.memory_space<vmem_shared>>) target(%dma_start3A_268 : memref<625x64xf32, #tpu.memory_space<hbm>>) target_semaphore(%arg12 : memref<!tpu.dma_semaphore, #tpu.memory_space<semaphore_mem>>)
      %dma_wait3A_271 = arith.constant 64 : i32
      %dma_wait3A_272 = tpu.memref_slice %arg7[%mul3A_0, %dma_wait3A_271] : memref<10000x128xf32, #tpu.memory_space<hbm>> -> memref<625x64xf32, #tpu.memory_space<hbm>>
      %dma_wait3A_273 = arith.constant 0 : i32
      %dma_wait3A_274 = tpu.memref_slice %arg8[%mul3A_0, %dma_wait3A_273] : memref<10000x64xf32, #tpu.memory_space<vmem_shared>> -> memref<625x64xf32, #tpu.memory_space<vmem_shared>>
      tpu.wait_dma2 semaphore(%arg12 : memref<!tpu.dma_semaphore, #tpu.memory_space<semaphore_mem>>) src(%dma_wait3A_274 : memref<625x64xf32, #tpu.memory_space<vmem_shared>>) dst(%dma_wait3A_272 : memref<625x64xf32, #tpu.memory_space<hbm>>)
    } else {
    }
    return
  }
}

#map = affine_map<(d0, d1) -> (0, 0)>
module attributes {stable_mosaic.version = 14 : i64} {
  func.func @_prop_body(%arg0: i32, %arg1: i32, %arg2: memref<20000x64xf32, #tpu.memory_space<hbm>>, %arg3: memref<625x64xf32, #tpu.memory_space<hbm>>, %arg4: memref<2500x128xi32, #tpu.memory_space<hbm>>, %arg5: memref<2500x128xi32, #tpu.memory_space<hbm>>, %arg6: memref<2500x128xi32, #tpu.memory_space<hbm>>, %arg7: memref<10000x128xf32, #tpu.memory_space<hbm>>, %arg8: memref<10000x64xf32, #tpu.memory_space<vmem_shared>>, %arg9: memref<160x128xi32, #tpu.memory_space<vmem>>, %arg10: memref<160x128xi32, #tpu.memory_space<vmem>>, %arg11: memref<4x128x64xf32, #tpu.memory_space<vmem>>, %arg12: memref<!tpu.dma_semaphore, #tpu.memory_space<semaphore_mem>>, %arg13: memref<!tpu.dma_semaphore, #tpu.memory_space<semaphore_mem>>, %arg14: memref<!tpu.dma_semaphore, #tpu.memory_space<semaphore_mem>>, %arg15: memref<!tpu.dma_semaphore, #tpu.memory_space<semaphore_mem>>, %arg16: memref<!tpu.dma_semaphore, #tpu.memory_space<semaphore_mem>>, %arg17: memref<!tpu.dma_semaphore, #tpu.memory_space<semaphore_mem>>, %arg18: memref<!tpu.dma_semaphore, #tpu.memory_space<semaphore_mem>>, %arg19: memref<!tpu.dma_semaphore, #tpu.memory_space<semaphore_mem>>, %arg20: memref<!tpu.dma_semaphore, #tpu.memory_space<semaphore_mem>>) attributes {dimension_semantics = [#tpu.dimension_semantics<core_parallel>, #tpu.dimension_semantics<subcore_parallel>], iteration_bounds = array<i64: 2, 16>, scalar_prefetch = 0 : i64, scratch_operands = 13 : i64, tpu.core_type = #tpu.core_type<sc_vector_subcore>, window_params = [{transform_indices = #map}, {transform_indices = #map}, {transform_indices = #map}, {transform_indices = #map}, {transform_indices = #map}, {transform_indices = #map}]} {
    %mul3A = arith.constant 625 : i32
    %mul3A_0 = arith.muli %arg1, %mul3A : i32
    %mul3A_1 = arith.constant 156 : i32
    %mul3A_2 = arith.muli %arg1, %mul3A_1 : i32
    %dma_start3A = arith.constant 0 : i32
    %dma_start3A_3 = tpu.memref_slice %arg8[%mul3A_0, %dma_start3A] : memref<10000x64xf32, #tpu.memory_space<vmem_shared>> -> memref<625x64xf32, #tpu.memory_space<vmem_shared>>
    tpu.enqueue_dma source(%arg3 : memref<625x64xf32, #tpu.memory_space<hbm>>) target(%dma_start3A_3 : memref<625x64xf32, #tpu.memory_space<vmem_shared>>) target_semaphore(%arg12 : memref<!tpu.dma_semaphore, #tpu.memory_space<semaphore_mem>>)
    %dma_wait3A = arith.constant 0 : i32
    %dma_wait3A_4 = tpu.memref_slice %arg8[%mul3A_0, %dma_wait3A] : memref<10000x64xf32, #tpu.memory_space<vmem_shared>> -> memref<625x64xf32, #tpu.memory_space<vmem_shared>>
    tpu.wait_dma2 semaphore(%arg12 : memref<!tpu.dma_semaphore, #tpu.memory_space<semaphore_mem>>) src(%arg3 : memref<625x64xf32, #tpu.memory_space<hbm>>) dst(%dma_wait3A_4 : memref<625x64xf32, #tpu.memory_space<vmem_shared>>)
    %eq3A = arith.constant 0 : i32
    %eq3A_5 = arith.cmpi eq, %arg0, %eq3A : i32
    %convert_element_type3A = arith.extui %eq3A_5 : i1 to i32
    %cond3A = arith.constant 0 : i32
    %cond3A_6 = arith.cmpi ne, %convert_element_type3A, %cond3A : i32
    scf.if %cond3A_6 {
      %dma_start3A_267 = arith.constant 0 : i32
      %dma_start3A_268 = arith.constant 0 : i32
      %dma_start3A_269 = tpu.memref_slice %arg9[%dma_start3A_267, %dma_start3A_268] : memref<160x128xi32, #tpu.memory_space<vmem>> -> memref<156x128xi32, #tpu.memory_space<vmem>>
      %dma_start3A_270 = arith.constant 0 : i32
      %dma_start3A_271 = tpu.memref_slice %arg4[%mul3A_2, %dma_start3A_270] : memref<2500x128xi32, #tpu.memory_space<hbm>> -> memref<156x128xi32, #tpu.memory_space<hbm>>
      %dma_start3A_272 = arith.constant 0 : i32
      %dma_start3A_273 = arith.constant 0 : i32
      %dma_start3A_274 = tpu.memref_slice %arg9[%dma_start3A_272, %dma_start3A_273] : memref<160x128xi32, #tpu.memory_space<vmem>> -> memref<156x128xi32, #tpu.memory_space<vmem>>
      %dma_start3A_275 = arith.constant 0 : i32
      %dma_start3A_276 = tpu.memref_slice %arg4[%mul3A_2, %dma_start3A_275] : memref<2500x128xi32, #tpu.memory_space<hbm>> -> memref<156x128xi32, #tpu.memory_space<hbm>>
      tpu.enqueue_dma source(%dma_start3A_276 : memref<156x128xi32, #tpu.memory_space<hbm>>) target(%dma_start3A_274 : memref<156x128xi32, #tpu.memory_space<vmem>>) target_semaphore(%arg12 : memref<!tpu.dma_semaphore, #tpu.memory_space<semaphore_mem>>)
      %dma_wait3A_277 = arith.constant 0 : i32
      %dma_wait3A_278 = arith.constant 0 : i32
      %dma_wait3A_279 = tpu.memref_slice %arg9[%dma_wait3A_277, %dma_wait3A_278] : memref<160x128xi32, #tpu.memory_space<vmem>> -> memref<156x128xi32, #tpu.memory_space<vmem>>
      %dma_wait3A_280 = arith.constant 0 : i32
      %dma_wait3A_281 = tpu.memref_slice %arg4[%mul3A_2, %dma_wait3A_280] : memref<2500x128xi32, #tpu.memory_space<hbm>> -> memref<156x128xi32, #tpu.memory_space<hbm>>
      %dma_wait3A_282 = arith.constant 0 : i32
      %dma_wait3A_283 = arith.constant 0 : i32
      %dma_wait3A_284 = tpu.memref_slice %arg9[%dma_wait3A_282, %dma_wait3A_283] : memref<160x128xi32, #tpu.memory_space<vmem>> -> memref<156x128xi32, #tpu.memory_space<vmem>>
      %dma_wait3A_285 = arith.constant 0 : i32
      %dma_wait3A_286 = tpu.memref_slice %arg4[%mul3A_2, %dma_wait3A_285] : memref<2500x128xi32, #tpu.memory_space<hbm>> -> memref<156x128xi32, #tpu.memory_space<hbm>>
      tpu.wait_dma2 semaphore(%arg12 : memref<!tpu.dma_semaphore, #tpu.memory_space<semaphore_mem>>) src(%dma_wait3A_286 : memref<156x128xi32, #tpu.memory_space<hbm>>) dst(%dma_wait3A_284 : memref<156x128xi32, #tpu.memory_space<vmem>>)
    } else {
    }
    %eq3A_7 = arith.constant 1 : i32
    %eq3A_8 = arith.cmpi eq, %arg0, %eq3A_7 : i32
    %convert_element_type3A_9 = arith.extui %eq3A_8 : i1 to i32
    %cond3A_10 = arith.constant 0 : i32
    %cond3A_11 = arith.cmpi ne, %convert_element_type3A_9, %cond3A_10 : i32
    scf.if %cond3A_11 {
      %dma_start3A_267 = arith.constant 0 : i32
      %dma_start3A_268 = arith.constant 0 : i32
      %dma_start3A_269 = tpu.memref_slice %arg9[%dma_start3A_267, %dma_start3A_268] : memref<160x128xi32, #tpu.memory_space<vmem>> -> memref<156x128xi32, #tpu.memory_space<vmem>>
      %dma_start3A_270 = arith.constant 0 : i32
      %dma_start3A_271 = tpu.memref_slice %arg5[%mul3A_2, %dma_start3A_270] : memref<2500x128xi32, #tpu.memory_space<hbm>> -> memref<156x128xi32, #tpu.memory_space<hbm>>
      %dma_start3A_272 = arith.constant 0 : i32
      %dma_start3A_273 = arith.constant 0 : i32
      %dma_start3A_274 = tpu.memref_slice %arg9[%dma_start3A_272, %dma_start3A_273] : memref<160x128xi32, #tpu.memory_space<vmem>> -> memref<156x128xi32, #tpu.memory_space<vmem>>
      %dma_start3A_275 = arith.constant 0 : i32
      %dma_start3A_276 = tpu.memref_slice %arg5[%mul3A_2, %dma_start3A_275] : memref<2500x128xi32, #tpu.memory_space<hbm>> -> memref<156x128xi32, #tpu.memory_space<hbm>>
      tpu.enqueue_dma source(%dma_start3A_276 : memref<156x128xi32, #tpu.memory_space<hbm>>) target(%dma_start3A_274 : memref<156x128xi32, #tpu.memory_space<vmem>>) target_semaphore(%arg12 : memref<!tpu.dma_semaphore, #tpu.memory_space<semaphore_mem>>)
      %dma_wait3A_277 = arith.constant 0 : i32
      %dma_wait3A_278 = arith.constant 0 : i32
      %dma_wait3A_279 = tpu.memref_slice %arg9[%dma_wait3A_277, %dma_wait3A_278] : memref<160x128xi32, #tpu.memory_space<vmem>> -> memref<156x128xi32, #tpu.memory_space<vmem>>
      %dma_wait3A_280 = arith.constant 0 : i32
      %dma_wait3A_281 = tpu.memref_slice %arg5[%mul3A_2, %dma_wait3A_280] : memref<2500x128xi32, #tpu.memory_space<hbm>> -> memref<156x128xi32, #tpu.memory_space<hbm>>
      %dma_wait3A_282 = arith.constant 0 : i32
      %dma_wait3A_283 = arith.constant 0 : i32
      %dma_wait3A_284 = tpu.memref_slice %arg9[%dma_wait3A_282, %dma_wait3A_283] : memref<160x128xi32, #tpu.memory_space<vmem>> -> memref<156x128xi32, #tpu.memory_space<vmem>>
      %dma_wait3A_285 = arith.constant 0 : i32
      %dma_wait3A_286 = tpu.memref_slice %arg5[%mul3A_2, %dma_wait3A_285] : memref<2500x128xi32, #tpu.memory_space<hbm>> -> memref<156x128xi32, #tpu.memory_space<hbm>>
      tpu.wait_dma2 semaphore(%arg12 : memref<!tpu.dma_semaphore, #tpu.memory_space<semaphore_mem>>) src(%dma_wait3A_286 : memref<156x128xi32, #tpu.memory_space<hbm>>) dst(%dma_wait3A_284 : memref<156x128xi32, #tpu.memory_space<vmem>>)
    } else {
    }
    %dma_start3A_12 = arith.constant 0 : i32
    %dma_start3A_13 = arith.constant 0 : i32
    %dma_start3A_14 = tpu.memref_slice %arg10[%dma_start3A_12, %dma_start3A_13] : memref<160x128xi32, #tpu.memory_space<vmem>> -> memref<156x128xi32, #tpu.memory_space<vmem>>
    %dma_start3A_15 = arith.constant 0 : i32
    %dma_start3A_16 = tpu.memref_slice %arg6[%mul3A_2, %dma_start3A_15] : memref<2500x128xi32, #tpu.memory_space<hbm>> -> memref<156x128xi32, #tpu.memory_space<hbm>>
    %dma_start3A_17 = arith.constant 0 : i32
    %dma_start3A_18 = arith.constant 0 : i32
    %dma_start3A_19 = tpu.memref_slice %arg10[%dma_start3A_17, %dma_start3A_18] : memref<160x128xi32, #tpu.memory_space<vmem>> -> memref<156x128xi32, #tpu.memory_space<vmem>>
    %dma_start3A_20 = arith.constant 0 : i32
    %dma_start3A_21 = tpu.memref_slice %arg6[%mul3A_2, %dma_start3A_20] : memref<2500x128xi32, #tpu.memory_space<hbm>> -> memref<156x128xi32, #tpu.memory_space<hbm>>
    tpu.enqueue_dma source(%dma_start3A_21 : memref<156x128xi32, #tpu.memory_space<hbm>>) target(%dma_start3A_19 : memref<156x128xi32, #tpu.memory_space<vmem>>) target_semaphore(%arg12 : memref<!tpu.dma_semaphore, #tpu.memory_space<semaphore_mem>>)
    %dma_wait3A_22 = arith.constant 0 : i32
    %dma_wait3A_23 = arith.constant 0 : i32
    %dma_wait3A_24 = tpu.memref_slice %arg10[%dma_wait3A_22, %dma_wait3A_23] : memref<160x128xi32, #tpu.memory_space<vmem>> -> memref<156x128xi32, #tpu.memory_space<vmem>>
    %dma_wait3A_25 = arith.constant 0 : i32
    %dma_wait3A_26 = tpu.memref_slice %arg6[%mul3A_2, %dma_wait3A_25] : memref<2500x128xi32, #tpu.memory_space<hbm>> -> memref<156x128xi32, #tpu.memory_space<hbm>>
    %dma_wait3A_27 = arith.constant 0 : i32
    %dma_wait3A_28 = arith.constant 0 : i32
    %dma_wait3A_29 = tpu.memref_slice %arg10[%dma_wait3A_27, %dma_wait3A_28] : memref<160x128xi32, #tpu.memory_space<vmem>> -> memref<156x128xi32, #tpu.memory_space<vmem>>
    %dma_wait3A_30 = arith.constant 0 : i32
    %dma_wait3A_31 = tpu.memref_slice %arg6[%mul3A_2, %dma_wait3A_30] : memref<2500x128xi32, #tpu.memory_space<hbm>> -> memref<156x128xi32, #tpu.memory_space<hbm>>
    tpu.wait_dma2 semaphore(%arg12 : memref<!tpu.dma_semaphore, #tpu.memory_space<semaphore_mem>>) src(%dma_wait3A_31 : memref<156x128xi32, #tpu.memory_space<hbm>>) dst(%dma_wait3A_29 : memref<156x128xi32, #tpu.memory_space<vmem>>)
    %eq3A_32 = arith.constant 15 : i32
    %eq3A_33 = arith.cmpi eq, %arg1, %eq3A_32 : i32
    %eq3A_34 = arith.constant 0 : i32
    %eq3A_35 = arith.cmpi eq, %arg0, %eq3A_34 : i32
    %and3A = arith.andi %eq3A_33, %eq3A_35 : i1
    %convert_element_type3A_36 = arith.extui %and3A : i1 to i32
    %cond3A_37 = arith.constant 0 : i32
    %cond3A_38 = arith.cmpi ne, %convert_element_type3A_36, %cond3A_37 : i32
    scf.if %cond3A_38 {
      %dma_start3A_267 = arith.constant 156 : i32
      %dma_start3A_268 = arith.constant 0 : i32
      %dma_start3A_269 = tpu.memref_slice %arg9[%dma_start3A_267, %dma_start3A_268] : memref<160x128xi32, #tpu.memory_space<vmem>> -> memref<4x128xi32, #tpu.memory_space<vmem>>
      %dma_start3A_270 = arith.constant 2496 : i32
      %dma_start3A_271 = arith.constant 0 : i32
      %dma_start3A_272 = tpu.memref_slice %arg4[%dma_start3A_270, %dma_start3A_271] : memref<2500x128xi32, #tpu.memory_space<hbm>> -> memref<4x128xi32, #tpu.memory_space<hbm>>
      %dma_start3A_273 = arith.constant 156 : i32
      %dma_start3A_274 = arith.constant 0 : i32
      %dma_start3A_275 = tpu.memref_slice %arg9[%dma_start3A_273, %dma_start3A_274] : memref<160x128xi32, #tpu.memory_space<vmem>> -> memref<4x128xi32, #tpu.memory_space<vmem>>
      %dma_start3A_276 = arith.constant 2496 : i32
      %dma_start3A_277 = arith.constant 0 : i32
      %dma_start3A_278 = tpu.memref_slice %arg4[%dma_start3A_276, %dma_start3A_277] : memref<2500x128xi32, #tpu.memory_space<hbm>> -> memref<4x128xi32, #tpu.memory_space<hbm>>
      tpu.enqueue_dma source(%dma_start3A_278 : memref<4x128xi32, #tpu.memory_space<hbm>>) target(%dma_start3A_275 : memref<4x128xi32, #tpu.memory_space<vmem>>) target_semaphore(%arg12 : memref<!tpu.dma_semaphore, #tpu.memory_space<semaphore_mem>>)
      %dma_wait3A_279 = arith.constant 156 : i32
      %dma_wait3A_280 = arith.constant 0 : i32
      %dma_wait3A_281 = tpu.memref_slice %arg9[%dma_wait3A_279, %dma_wait3A_280] : memref<160x128xi32, #tpu.memory_space<vmem>> -> memref<4x128xi32, #tpu.memory_space<vmem>>
      %dma_wait3A_282 = arith.constant 2496 : i32
      %dma_wait3A_283 = arith.constant 0 : i32
      %dma_wait3A_284 = tpu.memref_slice %arg4[%dma_wait3A_282, %dma_wait3A_283] : memref<2500x128xi32, #tpu.memory_space<hbm>> -> memref<4x128xi32, #tpu.memory_space<hbm>>
      %dma_wait3A_285 = arith.constant 156 : i32
      %dma_wait3A_286 = arith.constant 0 : i32
      %dma_wait3A_287 = tpu.memref_slice %arg9[%dma_wait3A_285, %dma_wait3A_286] : memref<160x128xi32, #tpu.memory_space<vmem>> -> memref<4x128xi32, #tpu.memory_space<vmem>>
      %dma_wait3A_288 = arith.constant 2496 : i32
      %dma_wait3A_289 = arith.constant 0 : i32
      %dma_wait3A_290 = tpu.memref_slice %arg4[%dma_wait3A_288, %dma_wait3A_289] : memref<2500x128xi32, #tpu.memory_space<hbm>> -> memref<4x128xi32, #tpu.memory_space<hbm>>
      tpu.wait_dma2 semaphore(%arg12 : memref<!tpu.dma_semaphore, #tpu.memory_space<semaphore_mem>>) src(%dma_wait3A_290 : memref<4x128xi32, #tpu.memory_space<hbm>>) dst(%dma_wait3A_287 : memref<4x128xi32, #tpu.memory_space<vmem>>)
    } else {
    }
    %eq3A_39 = arith.constant 15 : i32
    %eq3A_40 = arith.cmpi eq, %arg1, %eq3A_39 : i32
    %eq3A_41 = arith.constant 1 : i32
    %eq3A_42 = arith.cmpi eq, %arg0, %eq3A_41 : i32
    %and3A_43 = arith.andi %eq3A_40, %eq3A_42 : i1
    %convert_element_type3A_44 = arith.extui %and3A_43 : i1 to i32
    %cond3A_45 = arith.constant 0 : i32
    %cond3A_46 = arith.cmpi ne, %convert_element_type3A_44, %cond3A_45 : i32
    scf.if %cond3A_46 {
      %dma_start3A_267 = arith.constant 156 : i32
      %dma_start3A_268 = arith.constant 0 : i32
      %dma_start3A_269 = tpu.memref_slice %arg9[%dma_start3A_267, %dma_start3A_268] : memref<160x128xi32, #tpu.memory_space<vmem>> -> memref<4x128xi32, #tpu.memory_space<vmem>>
      %dma_start3A_270 = arith.constant 2496 : i32
      %dma_start3A_271 = arith.constant 0 : i32
      %dma_start3A_272 = tpu.memref_slice %arg5[%dma_start3A_270, %dma_start3A_271] : memref<2500x128xi32, #tpu.memory_space<hbm>> -> memref<4x128xi32, #tpu.memory_space<hbm>>
      %dma_start3A_273 = arith.constant 156 : i32
      %dma_start3A_274 = arith.constant 0 : i32
      %dma_start3A_275 = tpu.memref_slice %arg9[%dma_start3A_273, %dma_start3A_274] : memref<160x128xi32, #tpu.memory_space<vmem>> -> memref<4x128xi32, #tpu.memory_space<vmem>>
      %dma_start3A_276 = arith.constant 2496 : i32
      %dma_start3A_277 = arith.constant 0 : i32
      %dma_start3A_278 = tpu.memref_slice %arg5[%dma_start3A_276, %dma_start3A_277] : memref<2500x128xi32, #tpu.memory_space<hbm>> -> memref<4x128xi32, #tpu.memory_space<hbm>>
      tpu.enqueue_dma source(%dma_start3A_278 : memref<4x128xi32, #tpu.memory_space<hbm>>) target(%dma_start3A_275 : memref<4x128xi32, #tpu.memory_space<vmem>>) target_semaphore(%arg12 : memref<!tpu.dma_semaphore, #tpu.memory_space<semaphore_mem>>)
      %dma_wait3A_279 = arith.constant 156 : i32
      %dma_wait3A_280 = arith.constant 0 : i32
      %dma_wait3A_281 = tpu.memref_slice %arg9[%dma_wait3A_279, %dma_wait3A_280] : memref<160x128xi32, #tpu.memory_space<vmem>> -> memref<4x128xi32, #tpu.memory_space<vmem>>
      %dma_wait3A_282 = arith.constant 2496 : i32
      %dma_wait3A_283 = arith.constant 0 : i32
      %dma_wait3A_284 = tpu.memref_slice %arg5[%dma_wait3A_282, %dma_wait3A_283] : memref<2500x128xi32, #tpu.memory_space<hbm>> -> memref<4x128xi32, #tpu.memory_space<hbm>>
      %dma_wait3A_285 = arith.constant 156 : i32
      %dma_wait3A_286 = arith.constant 0 : i32
      %dma_wait3A_287 = tpu.memref_slice %arg9[%dma_wait3A_285, %dma_wait3A_286] : memref<160x128xi32, #tpu.memory_space<vmem>> -> memref<4x128xi32, #tpu.memory_space<vmem>>
      %dma_wait3A_288 = arith.constant 2496 : i32
      %dma_wait3A_289 = arith.constant 0 : i32
      %dma_wait3A_290 = tpu.memref_slice %arg5[%dma_wait3A_288, %dma_wait3A_289] : memref<2500x128xi32, #tpu.memory_space<hbm>> -> memref<4x128xi32, #tpu.memory_space<hbm>>
      tpu.wait_dma2 semaphore(%arg12 : memref<!tpu.dma_semaphore, #tpu.memory_space<semaphore_mem>>) src(%dma_wait3A_290 : memref<4x128xi32, #tpu.memory_space<hbm>>) dst(%dma_wait3A_287 : memref<4x128xi32, #tpu.memory_space<vmem>>)
    } else {
    }
    %eq3A_47 = arith.constant 15 : i32
    %eq3A_48 = arith.cmpi eq, %arg1, %eq3A_47 : i32
    %convert_element_type3A_49 = arith.extui %eq3A_48 : i1 to i32
    %cond3A_50 = arith.constant 0 : i32
    %cond3A_51 = arith.cmpi ne, %convert_element_type3A_49, %cond3A_50 : i32
    scf.if %cond3A_51 {
      %dma_start3A_267 = arith.constant 156 : i32
      %dma_start3A_268 = arith.constant 0 : i32
      %dma_start3A_269 = tpu.memref_slice %arg10[%dma_start3A_267, %dma_start3A_268] : memref<160x128xi32, #tpu.memory_space<vmem>> -> memref<4x128xi32, #tpu.memory_space<vmem>>
      %dma_start3A_270 = arith.constant 2496 : i32
      %dma_start3A_271 = arith.constant 0 : i32
      %dma_start3A_272 = tpu.memref_slice %arg6[%dma_start3A_270, %dma_start3A_271] : memref<2500x128xi32, #tpu.memory_space<hbm>> -> memref<4x128xi32, #tpu.memory_space<hbm>>
      %dma_start3A_273 = arith.constant 156 : i32
      %dma_start3A_274 = arith.constant 0 : i32
      %dma_start3A_275 = tpu.memref_slice %arg10[%dma_start3A_273, %dma_start3A_274] : memref<160x128xi32, #tpu.memory_space<vmem>> -> memref<4x128xi32, #tpu.memory_space<vmem>>
      %dma_start3A_276 = arith.constant 2496 : i32
      %dma_start3A_277 = arith.constant 0 : i32
      %dma_start3A_278 = tpu.memref_slice %arg6[%dma_start3A_276, %dma_start3A_277] : memref<2500x128xi32, #tpu.memory_space<hbm>> -> memref<4x128xi32, #tpu.memory_space<hbm>>
      tpu.enqueue_dma source(%dma_start3A_278 : memref<4x128xi32, #tpu.memory_space<hbm>>) target(%dma_start3A_275 : memref<4x128xi32, #tpu.memory_space<vmem>>) target_semaphore(%arg12 : memref<!tpu.dma_semaphore, #tpu.memory_space<semaphore_mem>>)
      %dma_wait3A_279 = arith.constant 156 : i32
      %dma_wait3A_280 = arith.constant 0 : i32
      %dma_wait3A_281 = tpu.memref_slice %arg10[%dma_wait3A_279, %dma_wait3A_280] : memref<160x128xi32, #tpu.memory_space<vmem>> -> memref<4x128xi32, #tpu.memory_space<vmem>>
      %dma_wait3A_282 = arith.constant 2496 : i32
      %dma_wait3A_283 = arith.constant 0 : i32
      %dma_wait3A_284 = tpu.memref_slice %arg6[%dma_wait3A_282, %dma_wait3A_283] : memref<2500x128xi32, #tpu.memory_space<hbm>> -> memref<4x128xi32, #tpu.memory_space<hbm>>
      %dma_wait3A_285 = arith.constant 156 : i32
      %dma_wait3A_286 = arith.constant 0 : i32
      %dma_wait3A_287 = tpu.memref_slice %arg10[%dma_wait3A_285, %dma_wait3A_286] : memref<160x128xi32, #tpu.memory_space<vmem>> -> memref<4x128xi32, #tpu.memory_space<vmem>>
      %dma_wait3A_288 = arith.constant 2496 : i32
      %dma_wait3A_289 = arith.constant 0 : i32
      %dma_wait3A_290 = tpu.memref_slice %arg6[%dma_wait3A_288, %dma_wait3A_289] : memref<2500x128xi32, #tpu.memory_space<hbm>> -> memref<4x128xi32, #tpu.memory_space<hbm>>
      tpu.wait_dma2 semaphore(%arg12 : memref<!tpu.dma_semaphore, #tpu.memory_space<semaphore_mem>>) src(%dma_wait3A_290 : memref<4x128xi32, #tpu.memory_space<hbm>>) dst(%dma_wait3A_287 : memref<4x128xi32, #tpu.memory_space<vmem>>)
    } else {
    }
    %barrier3A = arith.constant 0 : index
    tpu.barrier barrier_id(%barrier3A)
    %dma_start3A_52 = arith.constant 0 : i32
    %dma_start3A_53 = arith.constant 0 : i32
    %dma_start3A_54 = arith.constant 0 : i32
    %dma_start3A_55 = arith.constant 0 : i32
    %dma_start3A_56 = tpu.memref_slice %arg11[%dma_start3A_53, %dma_start3A_54, %dma_start3A_55] : memref<4x128x64xf32, #tpu.memory_space<vmem>> -> memref<1x128x64xf32, #tpu.memory_space<vmem>>
    %dma_start3A_57 = tpu.memref_squeeze %dma_start3A_56 : memref<1x128x64xf32, #tpu.memory_space<vmem>> -> memref<128x64xf32, #tpu.memory_space<vmem>>
    %dma_start3A_58 = arith.constant 0 : i32
    %dma_start3A_59 = tpu.memref_slice %arg9[%dma_start3A_52, %dma_start3A_58] : memref<160x128xi32, #tpu.memory_space<vmem>> -> memref<1x128xi32, #tpu.memory_space<vmem>>
    %dma_start3A_60 = tpu.memref_squeeze %dma_start3A_59 : memref<1x128xi32, #tpu.memory_space<vmem>> -> memref<128xi32, #tpu.memory_space<vmem>>
    %dma_start3A_61 = arith.constant 0 : i32
    %dma_start3A_62 = arith.constant 0 : i32
    %dma_start3A_63 = tpu.memref_slice %arg2[%dma_start3A_61, %dma_start3A_62] : memref<20000x64xf32, #tpu.memory_space<hbm>> -> memref<20000x64xf32, #tpu.memory_space<hbm>>
    tpu.enqueue_indirect_dma source(%dma_start3A_63 : memref<20000x64xf32, #tpu.memory_space<hbm>>) target(%dma_start3A_57 : memref<128x64xf32, #tpu.memory_space<vmem>>) offsets(%dma_start3A_60 : memref<128xi32, #tpu.memory_space<vmem>>) semaphore(%arg13 : memref<!tpu.dma_semaphore, #tpu.memory_space<semaphore_mem>>)
    %dma_start3A_64 = arith.constant 1 : i32
    %dma_start3A_65 = arith.constant 1 : i32
    %dma_start3A_66 = arith.constant 0 : i32
    %dma_start3A_67 = arith.constant 0 : i32
    %dma_start3A_68 = tpu.memref_slice %arg11[%dma_start3A_65, %dma_start3A_66, %dma_start3A_67] : memref<4x128x64xf32, #tpu.memory_space<vmem>> -> memref<1x128x64xf32, #tpu.memory_space<vmem>>
    %dma_start3A_69 = tpu.memref_squeeze %dma_start3A_68 : memref<1x128x64xf32, #tpu.memory_space<vmem>> -> memref<128x64xf32, #tpu.memory_space<vmem>>
    %dma_start3A_70 = arith.constant 0 : i32
    %dma_start3A_71 = tpu.memref_slice %arg9[%dma_start3A_64, %dma_start3A_70] : memref<160x128xi32, #tpu.memory_space<vmem>> -> memref<1x128xi32, #tpu.memory_space<vmem>>
    %dma_start3A_72 = tpu.memref_squeeze %dma_start3A_71 : memref<1x128xi32, #tpu.memory_space<vmem>> -> memref<128xi32, #tpu.memory_space<vmem>>
    %dma_start3A_73 = arith.constant 0 : i32
    %dma_start3A_74 = arith.constant 0 : i32
    %dma_start3A_75 = tpu.memref_slice %arg2[%dma_start3A_73, %dma_start3A_74] : memref<20000x64xf32, #tpu.memory_space<hbm>> -> memref<20000x64xf32, #tpu.memory_space<hbm>>
    tpu.enqueue_indirect_dma source(%dma_start3A_75 : memref<20000x64xf32, #tpu.memory_space<hbm>>) target(%dma_start3A_69 : memref<128x64xf32, #tpu.memory_space<vmem>>) offsets(%dma_start3A_72 : memref<128xi32, #tpu.memory_space<vmem>>) semaphore(%arg14 : memref<!tpu.dma_semaphore, #tpu.memory_space<semaphore_mem>>)
    %dma_start3A_76 = arith.constant 2 : i32
    %dma_start3A_77 = arith.constant 2 : i32
    %dma_start3A_78 = arith.constant 0 : i32
    %dma_start3A_79 = arith.constant 0 : i32
    %dma_start3A_80 = tpu.memref_slice %arg11[%dma_start3A_77, %dma_start3A_78, %dma_start3A_79] : memref<4x128x64xf32, #tpu.memory_space<vmem>> -> memref<1x128x64xf32, #tpu.memory_space<vmem>>
    %dma_start3A_81 = tpu.memref_squeeze %dma_start3A_80 : memref<1x128x64xf32, #tpu.memory_space<vmem>> -> memref<128x64xf32, #tpu.memory_space<vmem>>
    %dma_start3A_82 = arith.constant 0 : i32
    %dma_start3A_83 = tpu.memref_slice %arg9[%dma_start3A_76, %dma_start3A_82] : memref<160x128xi32, #tpu.memory_space<vmem>> -> memref<1x128xi32, #tpu.memory_space<vmem>>
    %dma_start3A_84 = tpu.memref_squeeze %dma_start3A_83 : memref<1x128xi32, #tpu.memory_space<vmem>> -> memref<128xi32, #tpu.memory_space<vmem>>
    %dma_start3A_85 = arith.constant 0 : i32
    %dma_start3A_86 = arith.constant 0 : i32
    %dma_start3A_87 = tpu.memref_slice %arg2[%dma_start3A_85, %dma_start3A_86] : memref<20000x64xf32, #tpu.memory_space<hbm>> -> memref<20000x64xf32, #tpu.memory_space<hbm>>
    tpu.enqueue_indirect_dma source(%dma_start3A_87 : memref<20000x64xf32, #tpu.memory_space<hbm>>) target(%dma_start3A_81 : memref<128x64xf32, #tpu.memory_space<vmem>>) offsets(%dma_start3A_84 : memref<128xi32, #tpu.memory_space<vmem>>) semaphore(%arg15 : memref<!tpu.dma_semaphore, #tpu.memory_space<semaphore_mem>>)
    %dma_start3A_88 = arith.constant 3 : i32
    %dma_start3A_89 = arith.constant 3 : i32
    %dma_start3A_90 = arith.constant 0 : i32
    %dma_start3A_91 = arith.constant 0 : i32
    %dma_start3A_92 = tpu.memref_slice %arg11[%dma_start3A_89, %dma_start3A_90, %dma_start3A_91] : memref<4x128x64xf32, #tpu.memory_space<vmem>> -> memref<1x128x64xf32, #tpu.memory_space<vmem>>
    %dma_start3A_93 = tpu.memref_squeeze %dma_start3A_92 : memref<1x128x64xf32, #tpu.memory_space<vmem>> -> memref<128x64xf32, #tpu.memory_space<vmem>>
    %dma_start3A_94 = arith.constant 0 : i32
    %dma_start3A_95 = tpu.memref_slice %arg9[%dma_start3A_88, %dma_start3A_94] : memref<160x128xi32, #tpu.memory_space<vmem>> -> memref<1x128xi32, #tpu.memory_space<vmem>>
    %dma_start3A_96 = tpu.memref_squeeze %dma_start3A_95 : memref<1x128xi32, #tpu.memory_space<vmem>> -> memref<128xi32, #tpu.memory_space<vmem>>
    %dma_start3A_97 = arith.constant 0 : i32
    %dma_start3A_98 = arith.constant 0 : i32
    %dma_start3A_99 = tpu.memref_slice %arg2[%dma_start3A_97, %dma_start3A_98] : memref<20000x64xf32, #tpu.memory_space<hbm>> -> memref<20000x64xf32, #tpu.memory_space<hbm>>
    tpu.enqueue_indirect_dma source(%dma_start3A_99 : memref<20000x64xf32, #tpu.memory_space<hbm>>) target(%dma_start3A_93 : memref<128x64xf32, #tpu.memory_space<vmem>>) offsets(%dma_start3A_96 : memref<128xi32, #tpu.memory_space<vmem>>) semaphore(%arg16 : memref<!tpu.dma_semaphore, #tpu.memory_space<semaphore_mem>>)
    %eq3A_100 = arith.constant 15 : i32
    %eq3A_101 = arith.cmpi eq, %arg1, %eq3A_100 : i32
    %jit3A = arith.constant 40 : i32
    %jit3A_102 = arith.constant 39 : i32
    %select_n3A = arith.select %eq3A_101, %jit3A, %jit3A_102 : i32
    %sub3A = arith.constant 1 : i32
    %sub3A_103 = arith.subi %select_n3A, %sub3A : i32
    %while3A = arith.constant 0 : i32
    %while3A_104 = arith.constant 0 : i32
    %while3A_105 = arith.subi %sub3A_103, %while3A_104 : i32
    %while3A_106 = arith.addi %while3A_104, %while3A_105 : i32
    %while3A_107 = arith.constant 1 : i32
    %while3A_108 = arith.divsi %while3A_105, %while3A_107 : i32
    %while3A_109 = arith.muli %while3A_108, %while3A_107 : i32
    %while3A_110 = arith.addi %while3A_104, %while3A_109 : i32
    %while3A_111 = arith.constant 1 : i32
    scf.for %while3A_267 = %while3A_104 to %while3A_110 step %while3A_111  : i32 {
      %mul3A_268 = arith.constant 4 : i32
      %mul3A_269 = arith.muli %while3A_267, %mul3A_268 : i32
      %add3A_270 = arith.constant 0 : i32
      %add3A_271 = arith.addi %mul3A_269, %add3A_270 : i32
      %dma_wait3A_272 = arith.constant 0 : i32
      %dma_wait3A_273 = arith.constant 0 : i32
      %dma_wait3A_274 = arith.constant 0 : i32
      %dma_wait3A_275 = tpu.memref_slice %arg11[%dma_wait3A_272, %dma_wait3A_273, %dma_wait3A_274] : memref<4x128x64xf32, #tpu.memory_space<vmem>> -> memref<1x128x64xf32, #tpu.memory_space<vmem>>
      %dma_wait3A_276 = tpu.memref_squeeze %dma_wait3A_275 : memref<1x128x64xf32, #tpu.memory_space<vmem>> -> memref<128x64xf32, #tpu.memory_space<vmem>>
      %dma_wait3A_277 = arith.constant 0 : i32
      %dma_wait3A_278 = tpu.memref_slice %arg9[%add3A_271, %dma_wait3A_277] : memref<160x128xi32, #tpu.memory_space<vmem>> -> memref<1x128xi32, #tpu.memory_space<vmem>>
      %dma_wait3A_279 = tpu.memref_squeeze %dma_wait3A_278 : memref<1x128xi32, #tpu.memory_space<vmem>> -> memref<128xi32, #tpu.memory_space<vmem>>
      %dma_wait3A_280 = arith.constant 0 : i32
      %dma_wait3A_281 = arith.constant 0 : i32
      %dma_wait3A_282 = tpu.memref_slice %arg2[%dma_wait3A_280, %dma_wait3A_281] : memref<20000x64xf32, #tpu.memory_space<hbm>> -> memref<20000x64xf32, #tpu.memory_space<hbm>>
      tpu.wait_indirect_dma semaphore(%arg13 : memref<!tpu.dma_semaphore, #tpu.memory_space<semaphore_mem>>) src(%dma_wait3A_282 : memref<20000x64xf32, #tpu.memory_space<hbm>>) dst(%dma_wait3A_276 : memref<128x64xf32, #tpu.memory_space<vmem>>)
      %dma_start3A_283 = arith.constant 0 : i32
      %dma_start3A_284 = arith.constant 0 : i32
      %dma_start3A_285 = arith.constant 0 : i32
      %dma_start3A_286 = tpu.memref_slice %arg11[%dma_start3A_283, %dma_start3A_284, %dma_start3A_285] : memref<4x128x64xf32, #tpu.memory_space<vmem>> -> memref<1x128x64xf32, #tpu.memory_space<vmem>>
      %dma_start3A_287 = tpu.memref_squeeze %dma_start3A_286 : memref<1x128x64xf32, #tpu.memory_space<vmem>> -> memref<128x64xf32, #tpu.memory_space<vmem>>
      %dma_start3A_288 = arith.constant 0 : i32
      %dma_start3A_289 = tpu.memref_slice %arg10[%add3A_271, %dma_start3A_288] : memref<160x128xi32, #tpu.memory_space<vmem>> -> memref<1x128xi32, #tpu.memory_space<vmem>>
      %dma_start3A_290 = tpu.memref_squeeze %dma_start3A_289 : memref<1x128xi32, #tpu.memory_space<vmem>> -> memref<128xi32, #tpu.memory_space<vmem>>
      %dma_start3A_291 = arith.constant 0 : i32
      %dma_start3A_292 = arith.constant 0 : i32
      %dma_start3A_293 = tpu.memref_slice %arg8[%dma_start3A_291, %dma_start3A_292] : memref<10000x64xf32, #tpu.memory_space<vmem_shared>> -> memref<10000x64xf32, #tpu.memory_space<vmem_shared>>
      tpu.enqueue_indirect_dma source(%dma_start3A_287 : memref<128x64xf32, #tpu.memory_space<vmem>>) target(%dma_start3A_293 : memref<10000x64xf32, #tpu.memory_space<vmem_shared>>) offsets(%dma_start3A_290 : memref<128xi32, #tpu.memory_space<vmem>>) semaphore(%arg17 : memref<!tpu.dma_semaphore, #tpu.memory_space<semaphore_mem>>) {add = true}
      %dma_wait3A_294 = arith.constant 0 : i32
      %dma_wait3A_295 = arith.constant 0 : i32
      %dma_wait3A_296 = arith.constant 0 : i32
      %dma_wait3A_297 = tpu.memref_slice %arg11[%dma_wait3A_294, %dma_wait3A_295, %dma_wait3A_296] : memref<4x128x64xf32, #tpu.memory_space<vmem>> -> memref<1x128x64xf32, #tpu.memory_space<vmem>>
      %dma_wait3A_298 = tpu.memref_squeeze %dma_wait3A_297 : memref<1x128x64xf32, #tpu.memory_space<vmem>> -> memref<128x64xf32, #tpu.memory_space<vmem>>
      %dma_wait3A_299 = arith.constant 0 : i32
      %dma_wait3A_300 = tpu.memref_slice %arg10[%add3A_271, %dma_wait3A_299] : memref<160x128xi32, #tpu.memory_space<vmem>> -> memref<1x128xi32, #tpu.memory_space<vmem>>
      %dma_wait3A_301 = tpu.memref_squeeze %dma_wait3A_300 : memref<1x128xi32, #tpu.memory_space<vmem>> -> memref<128xi32, #tpu.memory_space<vmem>>
      %dma_wait3A_302 = arith.constant 0 : i32
      %dma_wait3A_303 = arith.constant 0 : i32
      %dma_wait3A_304 = tpu.memref_slice %arg8[%dma_wait3A_302, %dma_wait3A_303] : memref<10000x64xf32, #tpu.memory_space<vmem_shared>> -> memref<10000x64xf32, #tpu.memory_space<vmem_shared>>
      tpu.wait_indirect_dma semaphore(%arg17 : memref<!tpu.dma_semaphore, #tpu.memory_space<semaphore_mem>>) src(%dma_wait3A_298 : memref<128x64xf32, #tpu.memory_space<vmem>>) dst(%dma_wait3A_304 : memref<10000x64xf32, #tpu.memory_space<vmem_shared>>)
      %add3A_305 = arith.constant 4 : i32
      %add3A_306 = arith.addi %add3A_271, %add3A_305 : i32
      %dma_start3A_307 = arith.constant 0 : i32
      %dma_start3A_308 = arith.constant 0 : i32
      %dma_start3A_309 = arith.constant 0 : i32
      %dma_start3A_310 = tpu.memref_slice %arg11[%dma_start3A_307, %dma_start3A_308, %dma_start3A_309] : memref<4x128x64xf32, #tpu.memory_space<vmem>> -> memref<1x128x64xf32, #tpu.memory_space<vmem>>
      %dma_start3A_311 = tpu.memref_squeeze %dma_start3A_310 : memref<1x128x64xf32, #tpu.memory_space<vmem>> -> memref<128x64xf32, #tpu.memory_space<vmem>>
      %dma_start3A_312 = arith.constant 0 : i32
      %dma_start3A_313 = tpu.memref_slice %arg9[%add3A_306, %dma_start3A_312] : memref<160x128xi32, #tpu.memory_space<vmem>> -> memref<1x128xi32, #tpu.memory_space<vmem>>
      %dma_start3A_314 = tpu.memref_squeeze %dma_start3A_313 : memref<1x128xi32, #tpu.memory_space<vmem>> -> memref<128xi32, #tpu.memory_space<vmem>>
      %dma_start3A_315 = arith.constant 0 : i32
      %dma_start3A_316 = arith.constant 0 : i32
      %dma_start3A_317 = tpu.memref_slice %arg2[%dma_start3A_315, %dma_start3A_316] : memref<20000x64xf32, #tpu.memory_space<hbm>> -> memref<20000x64xf32, #tpu.memory_space<hbm>>
      tpu.enqueue_indirect_dma source(%dma_start3A_317 : memref<20000x64xf32, #tpu.memory_space<hbm>>) target(%dma_start3A_311 : memref<128x64xf32, #tpu.memory_space<vmem>>) offsets(%dma_start3A_314 : memref<128xi32, #tpu.memory_space<vmem>>) semaphore(%arg13 : memref<!tpu.dma_semaphore, #tpu.memory_space<semaphore_mem>>)
      %mul3A_318 = arith.constant 4 : i32
      %mul3A_319 = arith.muli %while3A_267, %mul3A_318 : i32
      %add3A_320 = arith.constant 1 : i32
      %add3A_321 = arith.addi %mul3A_319, %add3A_320 : i32
      %dma_wait3A_322 = arith.constant 1 : i32
      %dma_wait3A_323 = arith.constant 0 : i32
      %dma_wait3A_324 = arith.constant 0 : i32
      %dma_wait3A_325 = tpu.memref_slice %arg11[%dma_wait3A_322, %dma_wait3A_323, %dma_wait3A_324] : memref<4x128x64xf32, #tpu.memory_space<vmem>> -> memref<1x128x64xf32, #tpu.memory_space<vmem>>
      %dma_wait3A_326 = tpu.memref_squeeze %dma_wait3A_325 : memref<1x128x64xf32, #tpu.memory_space<vmem>> -> memref<128x64xf32, #tpu.memory_space<vmem>>
      %dma_wait3A_327 = arith.constant 0 : i32
      %dma_wait3A_328 = tpu.memref_slice %arg9[%add3A_321, %dma_wait3A_327] : memref<160x128xi32, #tpu.memory_space<vmem>> -> memref<1x128xi32, #tpu.memory_space<vmem>>
      %dma_wait3A_329 = tpu.memref_squeeze %dma_wait3A_328 : memref<1x128xi32, #tpu.memory_space<vmem>> -> memref<128xi32, #tpu.memory_space<vmem>>
      %dma_wait3A_330 = arith.constant 0 : i32
      %dma_wait3A_331 = arith.constant 0 : i32
      %dma_wait3A_332 = tpu.memref_slice %arg2[%dma_wait3A_330, %dma_wait3A_331] : memref<20000x64xf32, #tpu.memory_space<hbm>> -> memref<20000x64xf32, #tpu.memory_space<hbm>>
      tpu.wait_indirect_dma semaphore(%arg14 : memref<!tpu.dma_semaphore, #tpu.memory_space<semaphore_mem>>) src(%dma_wait3A_332 : memref<20000x64xf32, #tpu.memory_space<hbm>>) dst(%dma_wait3A_326 : memref<128x64xf32, #tpu.memory_space<vmem>>)
      %dma_start3A_333 = arith.constant 1 : i32
      %dma_start3A_334 = arith.constant 0 : i32
      %dma_start3A_335 = arith.constant 0 : i32
      %dma_start3A_336 = tpu.memref_slice %arg11[%dma_start3A_333, %dma_start3A_334, %dma_start3A_335] : memref<4x128x64xf32, #tpu.memory_space<vmem>> -> memref<1x128x64xf32, #tpu.memory_space<vmem>>
      %dma_start3A_337 = tpu.memref_squeeze %dma_start3A_336 : memref<1x128x64xf32, #tpu.memory_space<vmem>> -> memref<128x64xf32, #tpu.memory_space<vmem>>
      %dma_start3A_338 = arith.constant 0 : i32
      %dma_start3A_339 = tpu.memref_slice %arg10[%add3A_321, %dma_start3A_338] : memref<160x128xi32, #tpu.memory_space<vmem>> -> memref<1x128xi32, #tpu.memory_space<vmem>>
      %dma_start3A_340 = tpu.memref_squeeze %dma_start3A_339 : memref<1x128xi32, #tpu.memory_space<vmem>> -> memref<128xi32, #tpu.memory_space<vmem>>
      %dma_start3A_341 = arith.constant 0 : i32
      %dma_start3A_342 = arith.constant 0 : i32
      %dma_start3A_343 = tpu.memref_slice %arg8[%dma_start3A_341, %dma_start3A_342] : memref<10000x64xf32, #tpu.memory_space<vmem_shared>> -> memref<10000x64xf32, #tpu.memory_space<vmem_shared>>
      tpu.enqueue_indirect_dma source(%dma_start3A_337 : memref<128x64xf32, #tpu.memory_space<vmem>>) target(%dma_start3A_343 : memref<10000x64xf32, #tpu.memory_space<vmem_shared>>) offsets(%dma_start3A_340 : memref<128xi32, #tpu.memory_space<vmem>>) semaphore(%arg18 : memref<!tpu.dma_semaphore, #tpu.memory_space<semaphore_mem>>) {add = true}
      %dma_wait3A_344 = arith.constant 1 : i32
      %dma_wait3A_345 = arith.constant 0 : i32
      %dma_wait3A_346 = arith.constant 0 : i32
      %dma_wait3A_347 = tpu.memref_slice %arg11[%dma_wait3A_344, %dma_wait3A_345, %dma_wait3A_346] : memref<4x128x64xf32, #tpu.memory_space<vmem>> -> memref<1x128x64xf32, #tpu.memory_space<vmem>>
      %dma_wait3A_348 = tpu.memref_squeeze %dma_wait3A_347 : memref<1x128x64xf32, #tpu.memory_space<vmem>> -> memref<128x64xf32, #tpu.memory_space<vmem>>
      %dma_wait3A_349 = arith.constant 0 : i32
      %dma_wait3A_350 = tpu.memref_slice %arg10[%add3A_321, %dma_wait3A_349] : memref<160x128xi32, #tpu.memory_space<vmem>> -> memref<1x128xi32, #tpu.memory_space<vmem>>
      %dma_wait3A_351 = tpu.memref_squeeze %dma_wait3A_350 : memref<1x128xi32, #tpu.memory_space<vmem>> -> memref<128xi32, #tpu.memory_space<vmem>>
      %dma_wait3A_352 = arith.constant 0 : i32
      %dma_wait3A_353 = arith.constant 0 : i32
      %dma_wait3A_354 = tpu.memref_slice %arg8[%dma_wait3A_352, %dma_wait3A_353] : memref<10000x64xf32, #tpu.memory_space<vmem_shared>> -> memref<10000x64xf32, #tpu.memory_space<vmem_shared>>
      tpu.wait_indirect_dma semaphore(%arg18 : memref<!tpu.dma_semaphore, #tpu.memory_space<semaphore_mem>>) src(%dma_wait3A_348 : memref<128x64xf32, #tpu.memory_space<vmem>>) dst(%dma_wait3A_354 : memref<10000x64xf32, #tpu.memory_space<vmem_shared>>)
      %add3A_355 = arith.constant 4 : i32
      %add3A_356 = arith.addi %add3A_321, %add3A_355 : i32
      %dma_start3A_357 = arith.constant 1 : i32
      %dma_start3A_358 = arith.constant 0 : i32
      %dma_start3A_359 = arith.constant 0 : i32
      %dma_start3A_360 = tpu.memref_slice %arg11[%dma_start3A_357, %dma_start3A_358, %dma_start3A_359] : memref<4x128x64xf32, #tpu.memory_space<vmem>> -> memref<1x128x64xf32, #tpu.memory_space<vmem>>
      %dma_start3A_361 = tpu.memref_squeeze %dma_start3A_360 : memref<1x128x64xf32, #tpu.memory_space<vmem>> -> memref<128x64xf32, #tpu.memory_space<vmem>>
      %dma_start3A_362 = arith.constant 0 : i32
      %dma_start3A_363 = tpu.memref_slice %arg9[%add3A_356, %dma_start3A_362] : memref<160x128xi32, #tpu.memory_space<vmem>> -> memref<1x128xi32, #tpu.memory_space<vmem>>
      %dma_start3A_364 = tpu.memref_squeeze %dma_start3A_363 : memref<1x128xi32, #tpu.memory_space<vmem>> -> memref<128xi32, #tpu.memory_space<vmem>>
      %dma_start3A_365 = arith.constant 0 : i32
      %dma_start3A_366 = arith.constant 0 : i32
      %dma_start3A_367 = tpu.memref_slice %arg2[%dma_start3A_365, %dma_start3A_366] : memref<20000x64xf32, #tpu.memory_space<hbm>> -> memref<20000x64xf32, #tpu.memory_space<hbm>>
      tpu.enqueue_indirect_dma source(%dma_start3A_367 : memref<20000x64xf32, #tpu.memory_space<hbm>>) target(%dma_start3A_361 : memref<128x64xf32, #tpu.memory_space<vmem>>) offsets(%dma_start3A_364 : memref<128xi32, #tpu.memory_space<vmem>>) semaphore(%arg14 : memref<!tpu.dma_semaphore, #tpu.memory_space<semaphore_mem>>)
      %mul3A_368 = arith.constant 4 : i32
      %mul3A_369 = arith.muli %while3A_267, %mul3A_368 : i32
      %add3A_370 = arith.constant 2 : i32
      %add3A_371 = arith.addi %mul3A_369, %add3A_370 : i32
      %dma_wait3A_372 = arith.constant 2 : i32
      %dma_wait3A_373 = arith.constant 0 : i32
      %dma_wait3A_374 = arith.constant 0 : i32
      %dma_wait3A_375 = tpu.memref_slice %arg11[%dma_wait3A_372, %dma_wait3A_373, %dma_wait3A_374] : memref<4x128x64xf32, #tpu.memory_space<vmem>> -> memref<1x128x64xf32, #tpu.memory_space<vmem>>
      %dma_wait3A_376 = tpu.memref_squeeze %dma_wait3A_375 : memref<1x128x64xf32, #tpu.memory_space<vmem>> -> memref<128x64xf32, #tpu.memory_space<vmem>>
      %dma_wait3A_377 = arith.constant 0 : i32
      %dma_wait3A_378 = tpu.memref_slice %arg9[%add3A_371, %dma_wait3A_377] : memref<160x128xi32, #tpu.memory_space<vmem>> -> memref<1x128xi32, #tpu.memory_space<vmem>>
      %dma_wait3A_379 = tpu.memref_squeeze %dma_wait3A_378 : memref<1x128xi32, #tpu.memory_space<vmem>> -> memref<128xi32, #tpu.memory_space<vmem>>
      %dma_wait3A_380 = arith.constant 0 : i32
      %dma_wait3A_381 = arith.constant 0 : i32
      %dma_wait3A_382 = tpu.memref_slice %arg2[%dma_wait3A_380, %dma_wait3A_381] : memref<20000x64xf32, #tpu.memory_space<hbm>> -> memref<20000x64xf32, #tpu.memory_space<hbm>>
      tpu.wait_indirect_dma semaphore(%arg15 : memref<!tpu.dma_semaphore, #tpu.memory_space<semaphore_mem>>) src(%dma_wait3A_382 : memref<20000x64xf32, #tpu.memory_space<hbm>>) dst(%dma_wait3A_376 : memref<128x64xf32, #tpu.memory_space<vmem>>)
      %dma_start3A_383 = arith.constant 2 : i32
      %dma_start3A_384 = arith.constant 0 : i32
      %dma_start3A_385 = arith.constant 0 : i32
      %dma_start3A_386 = tpu.memref_slice %arg11[%dma_start3A_383, %dma_start3A_384, %dma_start3A_385] : memref<4x128x64xf32, #tpu.memory_space<vmem>> -> memref<1x128x64xf32, #tpu.memory_space<vmem>>
      %dma_start3A_387 = tpu.memref_squeeze %dma_start3A_386 : memref<1x128x64xf32, #tpu.memory_space<vmem>> -> memref<128x64xf32, #tpu.memory_space<vmem>>
      %dma_start3A_388 = arith.constant 0 : i32
      %dma_start3A_389 = tpu.memref_slice %arg10[%add3A_371, %dma_start3A_388] : memref<160x128xi32, #tpu.memory_space<vmem>> -> memref<1x128xi32, #tpu.memory_space<vmem>>
      %dma_start3A_390 = tpu.memref_squeeze %dma_start3A_389 : memref<1x128xi32, #tpu.memory_space<vmem>> -> memref<128xi32, #tpu.memory_space<vmem>>
      %dma_start3A_391 = arith.constant 0 : i32
      %dma_start3A_392 = arith.constant 0 : i32
      %dma_start3A_393 = tpu.memref_slice %arg8[%dma_start3A_391, %dma_start3A_392] : memref<10000x64xf32, #tpu.memory_space<vmem_shared>> -> memref<10000x64xf32, #tpu.memory_space<vmem_shared>>
      tpu.enqueue_indirect_dma source(%dma_start3A_387 : memref<128x64xf32, #tpu.memory_space<vmem>>) target(%dma_start3A_393 : memref<10000x64xf32, #tpu.memory_space<vmem_shared>>) offsets(%dma_start3A_390 : memref<128xi32, #tpu.memory_space<vmem>>) semaphore(%arg19 : memref<!tpu.dma_semaphore, #tpu.memory_space<semaphore_mem>>) {add = true}
      %dma_wait3A_394 = arith.constant 2 : i32
      %dma_wait3A_395 = arith.constant 0 : i32
      %dma_wait3A_396 = arith.constant 0 : i32
      %dma_wait3A_397 = tpu.memref_slice %arg11[%dma_wait3A_394, %dma_wait3A_395, %dma_wait3A_396] : memref<4x128x64xf32, #tpu.memory_space<vmem>> -> memref<1x128x64xf32, #tpu.memory_space<vmem>>
      %dma_wait3A_398 = tpu.memref_squeeze %dma_wait3A_397 : memref<1x128x64xf32, #tpu.memory_space<vmem>> -> memref<128x64xf32, #tpu.memory_space<vmem>>
      %dma_wait3A_399 = arith.constant 0 : i32
      %dma_wait3A_400 = tpu.memref_slice %arg10[%add3A_371, %dma_wait3A_399] : memref<160x128xi32, #tpu.memory_space<vmem>> -> memref<1x128xi32, #tpu.memory_space<vmem>>
      %dma_wait3A_401 = tpu.memref_squeeze %dma_wait3A_400 : memref<1x128xi32, #tpu.memory_space<vmem>> -> memref<128xi32, #tpu.memory_space<vmem>>
      %dma_wait3A_402 = arith.constant 0 : i32
      %dma_wait3A_403 = arith.constant 0 : i32
      %dma_wait3A_404 = tpu.memref_slice %arg8[%dma_wait3A_402, %dma_wait3A_403] : memref<10000x64xf32, #tpu.memory_space<vmem_shared>> -> memref<10000x64xf32, #tpu.memory_space<vmem_shared>>
      tpu.wait_indirect_dma semaphore(%arg19 : memref<!tpu.dma_semaphore, #tpu.memory_space<semaphore_mem>>) src(%dma_wait3A_398 : memref<128x64xf32, #tpu.memory_space<vmem>>) dst(%dma_wait3A_404 : memref<10000x64xf32, #tpu.memory_space<vmem_shared>>)
      %add3A_405 = arith.constant 4 : i32
      %add3A_406 = arith.addi %add3A_371, %add3A_405 : i32
      %dma_start3A_407 = arith.constant 2 : i32
      %dma_start3A_408 = arith.constant 0 : i32
      %dma_start3A_409 = arith.constant 0 : i32
      %dma_start3A_410 = tpu.memref_slice %arg11[%dma_start3A_407, %dma_start3A_408, %dma_start3A_409] : memref<4x128x64xf32, #tpu.memory_space<vmem>> -> memref<1x128x64xf32, #tpu.memory_space<vmem>>
      %dma_start3A_411 = tpu.memref_squeeze %dma_start3A_410 : memref<1x128x64xf32, #tpu.memory_space<vmem>> -> memref<128x64xf32, #tpu.memory_space<vmem>>
      %dma_start3A_412 = arith.constant 0 : i32
      %dma_start3A_413 = tpu.memref_slice %arg9[%add3A_406, %dma_start3A_412] : memref<160x128xi32, #tpu.memory_space<vmem>> -> memref<1x128xi32, #tpu.memory_space<vmem>>
      %dma_start3A_414 = tpu.memref_squeeze %dma_start3A_413 : memref<1x128xi32, #tpu.memory_space<vmem>> -> memref<128xi32, #tpu.memory_space<vmem>>
      %dma_start3A_415 = arith.constant 0 : i32
      %dma_start3A_416 = arith.constant 0 : i32
      %dma_start3A_417 = tpu.memref_slice %arg2[%dma_start3A_415, %dma_start3A_416] : memref<20000x64xf32, #tpu.memory_space<hbm>> -> memref<20000x64xf32, #tpu.memory_space<hbm>>
      tpu.enqueue_indirect_dma source(%dma_start3A_417 : memref<20000x64xf32, #tpu.memory_space<hbm>>) target(%dma_start3A_411 : memref<128x64xf32, #tpu.memory_space<vmem>>) offsets(%dma_start3A_414 : memref<128xi32, #tpu.memory_space<vmem>>) semaphore(%arg15 : memref<!tpu.dma_semaphore, #tpu.memory_space<semaphore_mem>>)
      %mul3A_418 = arith.constant 4 : i32
      %mul3A_419 = arith.muli %while3A_267, %mul3A_418 : i32
      %add3A_420 = arith.constant 3 : i32
      %add3A_421 = arith.addi %mul3A_419, %add3A_420 : i32
      %dma_wait3A_422 = arith.constant 3 : i32
      %dma_wait3A_423 = arith.constant 0 : i32
      %dma_wait3A_424 = arith.constant 0 : i32
      %dma_wait3A_425 = tpu.memref_slice %arg11[%dma_wait3A_422, %dma_wait3A_423, %dma_wait3A_424] : memref<4x128x64xf32, #tpu.memory_space<vmem>> -> memref<1x128x64xf32, #tpu.memory_space<vmem>>
      %dma_wait3A_426 = tpu.memref_squeeze %dma_wait3A_425 : memref<1x128x64xf32, #tpu.memory_space<vmem>> -> memref<128x64xf32, #tpu.memory_space<vmem>>
      %dma_wait3A_427 = arith.constant 0 : i32
      %dma_wait3A_428 = tpu.memref_slice %arg9[%add3A_421, %dma_wait3A_427] : memref<160x128xi32, #tpu.memory_space<vmem>> -> memref<1x128xi32, #tpu.memory_space<vmem>>
      %dma_wait3A_429 = tpu.memref_squeeze %dma_wait3A_428 : memref<1x128xi32, #tpu.memory_space<vmem>> -> memref<128xi32, #tpu.memory_space<vmem>>
      %dma_wait3A_430 = arith.constant 0 : i32
      %dma_wait3A_431 = arith.constant 0 : i32
      %dma_wait3A_432 = tpu.memref_slice %arg2[%dma_wait3A_430, %dma_wait3A_431] : memref<20000x64xf32, #tpu.memory_space<hbm>> -> memref<20000x64xf32, #tpu.memory_space<hbm>>
      tpu.wait_indirect_dma semaphore(%arg16 : memref<!tpu.dma_semaphore, #tpu.memory_space<semaphore_mem>>) src(%dma_wait3A_432 : memref<20000x64xf32, #tpu.memory_space<hbm>>) dst(%dma_wait3A_426 : memref<128x64xf32, #tpu.memory_space<vmem>>)
      %dma_start3A_433 = arith.constant 3 : i32
      %dma_start3A_434 = arith.constant 0 : i32
      %dma_start3A_435 = arith.constant 0 : i32
      %dma_start3A_436 = tpu.memref_slice %arg11[%dma_start3A_433, %dma_start3A_434, %dma_start3A_435] : memref<4x128x64xf32, #tpu.memory_space<vmem>> -> memref<1x128x64xf32, #tpu.memory_space<vmem>>
      %dma_start3A_437 = tpu.memref_squeeze %dma_start3A_436 : memref<1x128x64xf32, #tpu.memory_space<vmem>> -> memref<128x64xf32, #tpu.memory_space<vmem>>
      %dma_start3A_438 = arith.constant 0 : i32
      %dma_start3A_439 = tpu.memref_slice %arg10[%add3A_421, %dma_start3A_438] : memref<160x128xi32, #tpu.memory_space<vmem>> -> memref<1x128xi32, #tpu.memory_space<vmem>>
      %dma_start3A_440 = tpu.memref_squeeze %dma_start3A_439 : memref<1x128xi32, #tpu.memory_space<vmem>> -> memref<128xi32, #tpu.memory_space<vmem>>
      %dma_start3A_441 = arith.constant 0 : i32
      %dma_start3A_442 = arith.constant 0 : i32
      %dma_start3A_443 = tpu.memref_slice %arg8[%dma_start3A_441, %dma_start3A_442] : memref<10000x64xf32, #tpu.memory_space<vmem_shared>> -> memref<10000x64xf32, #tpu.memory_space<vmem_shared>>
      tpu.enqueue_indirect_dma source(%dma_start3A_437 : memref<128x64xf32, #tpu.memory_space<vmem>>) target(%dma_start3A_443 : memref<10000x64xf32, #tpu.memory_space<vmem_shared>>) offsets(%dma_start3A_440 : memref<128xi32, #tpu.memory_space<vmem>>) semaphore(%arg20 : memref<!tpu.dma_semaphore, #tpu.memory_space<semaphore_mem>>) {add = true}
      %dma_wait3A_444 = arith.constant 3 : i32
      %dma_wait3A_445 = arith.constant 0 : i32
      %dma_wait3A_446 = arith.constant 0 : i32
      %dma_wait3A_447 = tpu.memref_slice %arg11[%dma_wait3A_444, %dma_wait3A_445, %dma_wait3A_446] : memref<4x128x64xf32, #tpu.memory_space<vmem>> -> memref<1x128x64xf32, #tpu.memory_space<vmem>>
      %dma_wait3A_448 = tpu.memref_squeeze %dma_wait3A_447 : memref<1x128x64xf32, #tpu.memory_space<vmem>> -> memref<128x64xf32, #tpu.memory_space<vmem>>
      %dma_wait3A_449 = arith.constant 0 : i32
      %dma_wait3A_450 = tpu.memref_slice %arg10[%add3A_421, %dma_wait3A_449] : memref<160x128xi32, #tpu.memory_space<vmem>> -> memref<1x128xi32, #tpu.memory_space<vmem>>
      %dma_wait3A_451 = tpu.memref_squeeze %dma_wait3A_450 : memref<1x128xi32, #tpu.memory_space<vmem>> -> memref<128xi32, #tpu.memory_space<vmem>>
      %dma_wait3A_452 = arith.constant 0 : i32
      %dma_wait3A_453 = arith.constant 0 : i32
      %dma_wait3A_454 = tpu.memref_slice %arg8[%dma_wait3A_452, %dma_wait3A_453] : memref<10000x64xf32, #tpu.memory_space<vmem_shared>> -> memref<10000x64xf32, #tpu.memory_space<vmem_shared>>
      tpu.wait_indirect_dma semaphore(%arg20 : memref<!tpu.dma_semaphore, #tpu.memory_space<semaphore_mem>>) src(%dma_wait3A_448 : memref<128x64xf32, #tpu.memory_space<vmem>>) dst(%dma_wait3A_454 : memref<10000x64xf32, #tpu.memory_space<vmem_shared>>)
      %add3A_455 = arith.constant 4 : i32
      %add3A_456 = arith.addi %add3A_421, %add3A_455 : i32
      %dma_start3A_457 = arith.constant 3 : i32
      %dma_start3A_458 = arith.constant 0 : i32
      %dma_start3A_459 = arith.constant 0 : i32
      %dma_start3A_460 = tpu.memref_slice %arg11[%dma_start3A_457, %dma_start3A_458, %dma_start3A_459] : memref<4x128x64xf32, #tpu.memory_space<vmem>> -> memref<1x128x64xf32, #tpu.memory_space<vmem>>
      %dma_start3A_461 = tpu.memref_squeeze %dma_start3A_460 : memref<1x128x64xf32, #tpu.memory_space<vmem>> -> memref<128x64xf32, #tpu.memory_space<vmem>>
      %dma_start3A_462 = arith.constant 0 : i32
      %dma_start3A_463 = tpu.memref_slice %arg9[%add3A_456, %dma_start3A_462] : memref<160x128xi32, #tpu.memory_space<vmem>> -> memref<1x128xi32, #tpu.memory_space<vmem>>
      %dma_start3A_464 = tpu.memref_squeeze %dma_start3A_463 : memref<1x128xi32, #tpu.memory_space<vmem>> -> memref<128xi32, #tpu.memory_space<vmem>>
      %dma_start3A_465 = arith.constant 0 : i32
      %dma_start3A_466 = arith.constant 0 : i32
      %dma_start3A_467 = tpu.memref_slice %arg2[%dma_start3A_465, %dma_start3A_466] : memref<20000x64xf32, #tpu.memory_space<hbm>> -> memref<20000x64xf32, #tpu.memory_space<hbm>>
      tpu.enqueue_indirect_dma source(%dma_start3A_467 : memref<20000x64xf32, #tpu.memory_space<hbm>>) target(%dma_start3A_461 : memref<128x64xf32, #tpu.memory_space<vmem>>) offsets(%dma_start3A_464 : memref<128xi32, #tpu.memory_space<vmem>>) semaphore(%arg16 : memref<!tpu.dma_semaphore, #tpu.memory_space<semaphore_mem>>)
    }
    %while3A_112 = arith.constant 1 : i32
    scf.for %while3A_267 = %while3A_110 to %while3A_106 step %while3A_112  : i32 {
      %mul3A_268 = arith.constant 4 : i32
      %mul3A_269 = arith.muli %while3A_267, %mul3A_268 : i32
      %add3A_270 = arith.constant 0 : i32
      %add3A_271 = arith.addi %mul3A_269, %add3A_270 : i32
      %dma_wait3A_272 = arith.constant 0 : i32
      %dma_wait3A_273 = arith.constant 0 : i32
      %dma_wait3A_274 = arith.constant 0 : i32
      %dma_wait3A_275 = tpu.memref_slice %arg11[%dma_wait3A_272, %dma_wait3A_273, %dma_wait3A_274] : memref<4x128x64xf32, #tpu.memory_space<vmem>> -> memref<1x128x64xf32, #tpu.memory_space<vmem>>
      %dma_wait3A_276 = tpu.memref_squeeze %dma_wait3A_275 : memref<1x128x64xf32, #tpu.memory_space<vmem>> -> memref<128x64xf32, #tpu.memory_space<vmem>>
      %dma_wait3A_277 = arith.constant 0 : i32
      %dma_wait3A_278 = tpu.memref_slice %arg9[%add3A_271, %dma_wait3A_277] : memref<160x128xi32, #tpu.memory_space<vmem>> -> memref<1x128xi32, #tpu.memory_space<vmem>>
      %dma_wait3A_279 = tpu.memref_squeeze %dma_wait3A_278 : memref<1x128xi32, #tpu.memory_space<vmem>> -> memref<128xi32, #tpu.memory_space<vmem>>
      %dma_wait3A_280 = arith.constant 0 : i32
      %dma_wait3A_281 = arith.constant 0 : i32
      %dma_wait3A_282 = tpu.memref_slice %arg2[%dma_wait3A_280, %dma_wait3A_281] : memref<20000x64xf32, #tpu.memory_space<hbm>> -> memref<20000x64xf32, #tpu.memory_space<hbm>>
      tpu.wait_indirect_dma semaphore(%arg13 : memref<!tpu.dma_semaphore, #tpu.memory_space<semaphore_mem>>) src(%dma_wait3A_282 : memref<20000x64xf32, #tpu.memory_space<hbm>>) dst(%dma_wait3A_276 : memref<128x64xf32, #tpu.memory_space<vmem>>)
      %dma_start3A_283 = arith.constant 0 : i32
      %dma_start3A_284 = arith.constant 0 : i32
      %dma_start3A_285 = arith.constant 0 : i32
      %dma_start3A_286 = tpu.memref_slice %arg11[%dma_start3A_283, %dma_start3A_284, %dma_start3A_285] : memref<4x128x64xf32, #tpu.memory_space<vmem>> -> memref<1x128x64xf32, #tpu.memory_space<vmem>>
      %dma_start3A_287 = tpu.memref_squeeze %dma_start3A_286 : memref<1x128x64xf32, #tpu.memory_space<vmem>> -> memref<128x64xf32, #tpu.memory_space<vmem>>
      %dma_start3A_288 = arith.constant 0 : i32
      %dma_start3A_289 = tpu.memref_slice %arg10[%add3A_271, %dma_start3A_288] : memref<160x128xi32, #tpu.memory_space<vmem>> -> memref<1x128xi32, #tpu.memory_space<vmem>>
      %dma_start3A_290 = tpu.memref_squeeze %dma_start3A_289 : memref<1x128xi32, #tpu.memory_space<vmem>> -> memref<128xi32, #tpu.memory_space<vmem>>
      %dma_start3A_291 = arith.constant 0 : i32
      %dma_start3A_292 = arith.constant 0 : i32
      %dma_start3A_293 = tpu.memref_slice %arg8[%dma_start3A_291, %dma_start3A_292] : memref<10000x64xf32, #tpu.memory_space<vmem_shared>> -> memref<10000x64xf32, #tpu.memory_space<vmem_shared>>
      tpu.enqueue_indirect_dma source(%dma_start3A_287 : memref<128x64xf32, #tpu.memory_space<vmem>>) target(%dma_start3A_293 : memref<10000x64xf32, #tpu.memory_space<vmem_shared>>) offsets(%dma_start3A_290 : memref<128xi32, #tpu.memory_space<vmem>>) semaphore(%arg17 : memref<!tpu.dma_semaphore, #tpu.memory_space<semaphore_mem>>) {add = true}
      %dma_wait3A_294 = arith.constant 0 : i32
      %dma_wait3A_295 = arith.constant 0 : i32
      %dma_wait3A_296 = arith.constant 0 : i32
      %dma_wait3A_297 = tpu.memref_slice %arg11[%dma_wait3A_294, %dma_wait3A_295, %dma_wait3A_296] : memref<4x128x64xf32, #tpu.memory_space<vmem>> -> memref<1x128x64xf32, #tpu.memory_space<vmem>>
      %dma_wait3A_298 = tpu.memref_squeeze %dma_wait3A_297 : memref<1x128x64xf32, #tpu.memory_space<vmem>> -> memref<128x64xf32, #tpu.memory_space<vmem>>
      %dma_wait3A_299 = arith.constant 0 : i32
      %dma_wait3A_300 = tpu.memref_slice %arg10[%add3A_271, %dma_wait3A_299] : memref<160x128xi32, #tpu.memory_space<vmem>> -> memref<1x128xi32, #tpu.memory_space<vmem>>
      %dma_wait3A_301 = tpu.memref_squeeze %dma_wait3A_300 : memref<1x128xi32, #tpu.memory_space<vmem>> -> memref<128xi32, #tpu.memory_space<vmem>>
      %dma_wait3A_302 = arith.constant 0 : i32
      %dma_wait3A_303 = arith.constant 0 : i32
      %dma_wait3A_304 = tpu.memref_slice %arg8[%dma_wait3A_302, %dma_wait3A_303] : memref<10000x64xf32, #tpu.memory_space<vmem_shared>> -> memref<10000x64xf32, #tpu.memory_space<vmem_shared>>
      tpu.wait_indirect_dma semaphore(%arg17 : memref<!tpu.dma_semaphore, #tpu.memory_space<semaphore_mem>>) src(%dma_wait3A_298 : memref<128x64xf32, #tpu.memory_space<vmem>>) dst(%dma_wait3A_304 : memref<10000x64xf32, #tpu.memory_space<vmem_shared>>)
      %add3A_305 = arith.constant 4 : i32
      %add3A_306 = arith.addi %add3A_271, %add3A_305 : i32
      %dma_start3A_307 = arith.constant 0 : i32
      %dma_start3A_308 = arith.constant 0 : i32
      %dma_start3A_309 = arith.constant 0 : i32
      %dma_start3A_310 = tpu.memref_slice %arg11[%dma_start3A_307, %dma_start3A_308, %dma_start3A_309] : memref<4x128x64xf32, #tpu.memory_space<vmem>> -> memref<1x128x64xf32, #tpu.memory_space<vmem>>
      %dma_start3A_311 = tpu.memref_squeeze %dma_start3A_310 : memref<1x128x64xf32, #tpu.memory_space<vmem>> -> memref<128x64xf32, #tpu.memory_space<vmem>>
      %dma_start3A_312 = arith.constant 0 : i32
      %dma_start3A_313 = tpu.memref_slice %arg9[%add3A_306, %dma_start3A_312] : memref<160x128xi32, #tpu.memory_space<vmem>> -> memref<1x128xi32, #tpu.memory_space<vmem>>
      %dma_start3A_314 = tpu.memref_squeeze %dma_start3A_313 : memref<1x128xi32, #tpu.memory_space<vmem>> -> memref<128xi32, #tpu.memory_space<vmem>>
      %dma_start3A_315 = arith.constant 0 : i32
      %dma_start3A_316 = arith.constant 0 : i32
      %dma_start3A_317 = tpu.memref_slice %arg2[%dma_start3A_315, %dma_start3A_316] : memref<20000x64xf32, #tpu.memory_space<hbm>> -> memref<20000x64xf32, #tpu.memory_space<hbm>>
      tpu.enqueue_indirect_dma source(%dma_start3A_317 : memref<20000x64xf32, #tpu.memory_space<hbm>>) target(%dma_start3A_311 : memref<128x64xf32, #tpu.memory_space<vmem>>) offsets(%dma_start3A_314 : memref<128xi32, #tpu.memory_space<vmem>>) semaphore(%arg13 : memref<!tpu.dma_semaphore, #tpu.memory_space<semaphore_mem>>)
      %mul3A_318 = arith.constant 4 : i32
      %mul3A_319 = arith.muli %while3A_267, %mul3A_318 : i32
      %add3A_320 = arith.constant 1 : i32
      %add3A_321 = arith.addi %mul3A_319, %add3A_320 : i32
      %dma_wait3A_322 = arith.constant 1 : i32
      %dma_wait3A_323 = arith.constant 0 : i32
      %dma_wait3A_324 = arith.constant 0 : i32
      %dma_wait3A_325 = tpu.memref_slice %arg11[%dma_wait3A_322, %dma_wait3A_323, %dma_wait3A_324] : memref<4x128x64xf32, #tpu.memory_space<vmem>> -> memref<1x128x64xf32, #tpu.memory_space<vmem>>
      %dma_wait3A_326 = tpu.memref_squeeze %dma_wait3A_325 : memref<1x128x64xf32, #tpu.memory_space<vmem>> -> memref<128x64xf32, #tpu.memory_space<vmem>>
      %dma_wait3A_327 = arith.constant 0 : i32
      %dma_wait3A_328 = tpu.memref_slice %arg9[%add3A_321, %dma_wait3A_327] : memref<160x128xi32, #tpu.memory_space<vmem>> -> memref<1x128xi32, #tpu.memory_space<vmem>>
      %dma_wait3A_329 = tpu.memref_squeeze %dma_wait3A_328 : memref<1x128xi32, #tpu.memory_space<vmem>> -> memref<128xi32, #tpu.memory_space<vmem>>
      %dma_wait3A_330 = arith.constant 0 : i32
      %dma_wait3A_331 = arith.constant 0 : i32
      %dma_wait3A_332 = tpu.memref_slice %arg2[%dma_wait3A_330, %dma_wait3A_331] : memref<20000x64xf32, #tpu.memory_space<hbm>> -> memref<20000x64xf32, #tpu.memory_space<hbm>>
      tpu.wait_indirect_dma semaphore(%arg14 : memref<!tpu.dma_semaphore, #tpu.memory_space<semaphore_mem>>) src(%dma_wait3A_332 : memref<20000x64xf32, #tpu.memory_space<hbm>>) dst(%dma_wait3A_326 : memref<128x64xf32, #tpu.memory_space<vmem>>)
      %dma_start3A_333 = arith.constant 1 : i32
      %dma_start3A_334 = arith.constant 0 : i32
      %dma_start3A_335 = arith.constant 0 : i32
      %dma_start3A_336 = tpu.memref_slice %arg11[%dma_start3A_333, %dma_start3A_334, %dma_start3A_335] : memref<4x128x64xf32, #tpu.memory_space<vmem>> -> memref<1x128x64xf32, #tpu.memory_space<vmem>>
      %dma_start3A_337 = tpu.memref_squeeze %dma_start3A_336 : memref<1x128x64xf32, #tpu.memory_space<vmem>> -> memref<128x64xf32, #tpu.memory_space<vmem>>
      %dma_start3A_338 = arith.constant 0 : i32
      %dma_start3A_339 = tpu.memref_slice %arg10[%add3A_321, %dma_start3A_338] : memref<160x128xi32, #tpu.memory_space<vmem>> -> memref<1x128xi32, #tpu.memory_space<vmem>>
      %dma_start3A_340 = tpu.memref_squeeze %dma_start3A_339 : memref<1x128xi32, #tpu.memory_space<vmem>> -> memref<128xi32, #tpu.memory_space<vmem>>
      %dma_start3A_341 = arith.constant 0 : i32
      %dma_start3A_342 = arith.constant 0 : i32
      %dma_start3A_343 = tpu.memref_slice %arg8[%dma_start3A_341, %dma_start3A_342] : memref<10000x64xf32, #tpu.memory_space<vmem_shared>> -> memref<10000x64xf32, #tpu.memory_space<vmem_shared>>
      tpu.enqueue_indirect_dma source(%dma_start3A_337 : memref<128x64xf32, #tpu.memory_space<vmem>>) target(%dma_start3A_343 : memref<10000x64xf32, #tpu.memory_space<vmem_shared>>) offsets(%dma_start3A_340 : memref<128xi32, #tpu.memory_space<vmem>>) semaphore(%arg18 : memref<!tpu.dma_semaphore, #tpu.memory_space<semaphore_mem>>) {add = true}
      %dma_wait3A_344 = arith.constant 1 : i32
      %dma_wait3A_345 = arith.constant 0 : i32
      %dma_wait3A_346 = arith.constant 0 : i32
      %dma_wait3A_347 = tpu.memref_slice %arg11[%dma_wait3A_344, %dma_wait3A_345, %dma_wait3A_346] : memref<4x128x64xf32, #tpu.memory_space<vmem>> -> memref<1x128x64xf32, #tpu.memory_space<vmem>>
      %dma_wait3A_348 = tpu.memref_squeeze %dma_wait3A_347 : memref<1x128x64xf32, #tpu.memory_space<vmem>> -> memref<128x64xf32, #tpu.memory_space<vmem>>
      %dma_wait3A_349 = arith.constant 0 : i32
      %dma_wait3A_350 = tpu.memref_slice %arg10[%add3A_321, %dma_wait3A_349] : memref<160x128xi32, #tpu.memory_space<vmem>> -> memref<1x128xi32, #tpu.memory_space<vmem>>
      %dma_wait3A_351 = tpu.memref_squeeze %dma_wait3A_350 : memref<1x128xi32, #tpu.memory_space<vmem>> -> memref<128xi32, #tpu.memory_space<vmem>>
      %dma_wait3A_352 = arith.constant 0 : i32
      %dma_wait3A_353 = arith.constant 0 : i32
      %dma_wait3A_354 = tpu.memref_slice %arg8[%dma_wait3A_352, %dma_wait3A_353] : memref<10000x64xf32, #tpu.memory_space<vmem_shared>> -> memref<10000x64xf32, #tpu.memory_space<vmem_shared>>
      tpu.wait_indirect_dma semaphore(%arg18 : memref<!tpu.dma_semaphore, #tpu.memory_space<semaphore_mem>>) src(%dma_wait3A_348 : memref<128x64xf32, #tpu.memory_space<vmem>>) dst(%dma_wait3A_354 : memref<10000x64xf32, #tpu.memory_space<vmem_shared>>)
      %add3A_355 = arith.constant 4 : i32
      %add3A_356 = arith.addi %add3A_321, %add3A_355 : i32
      %dma_start3A_357 = arith.constant 1 : i32
      %dma_start3A_358 = arith.constant 0 : i32
      %dma_start3A_359 = arith.constant 0 : i32
      %dma_start3A_360 = tpu.memref_slice %arg11[%dma_start3A_357, %dma_start3A_358, %dma_start3A_359] : memref<4x128x64xf32, #tpu.memory_space<vmem>> -> memref<1x128x64xf32, #tpu.memory_space<vmem>>
      %dma_start3A_361 = tpu.memref_squeeze %dma_start3A_360 : memref<1x128x64xf32, #tpu.memory_space<vmem>> -> memref<128x64xf32, #tpu.memory_space<vmem>>
      %dma_start3A_362 = arith.constant 0 : i32
      %dma_start3A_363 = tpu.memref_slice %arg9[%add3A_356, %dma_start3A_362] : memref<160x128xi32, #tpu.memory_space<vmem>> -> memref<1x128xi32, #tpu.memory_space<vmem>>
      %dma_start3A_364 = tpu.memref_squeeze %dma_start3A_363 : memref<1x128xi32, #tpu.memory_space<vmem>> -> memref<128xi32, #tpu.memory_space<vmem>>
      %dma_start3A_365 = arith.constant 0 : i32
      %dma_start3A_366 = arith.constant 0 : i32
      %dma_start3A_367 = tpu.memref_slice %arg2[%dma_start3A_365, %dma_start3A_366] : memref<20000x64xf32, #tpu.memory_space<hbm>> -> memref<20000x64xf32, #tpu.memory_space<hbm>>
      tpu.enqueue_indirect_dma source(%dma_start3A_367 : memref<20000x64xf32, #tpu.memory_space<hbm>>) target(%dma_start3A_361 : memref<128x64xf32, #tpu.memory_space<vmem>>) offsets(%dma_start3A_364 : memref<128xi32, #tpu.memory_space<vmem>>) semaphore(%arg14 : memref<!tpu.dma_semaphore, #tpu.memory_space<semaphore_mem>>)
      %mul3A_368 = arith.constant 4 : i32
      %mul3A_369 = arith.muli %while3A_267, %mul3A_368 : i32
      %add3A_370 = arith.constant 2 : i32
      %add3A_371 = arith.addi %mul3A_369, %add3A_370 : i32
      %dma_wait3A_372 = arith.constant 2 : i32
      %dma_wait3A_373 = arith.constant 0 : i32
      %dma_wait3A_374 = arith.constant 0 : i32
      %dma_wait3A_375 = tpu.memref_slice %arg11[%dma_wait3A_372, %dma_wait3A_373, %dma_wait3A_374] : memref<4x128x64xf32, #tpu.memory_space<vmem>> -> memref<1x128x64xf32, #tpu.memory_space<vmem>>
      %dma_wait3A_376 = tpu.memref_squeeze %dma_wait3A_375 : memref<1x128x64xf32, #tpu.memory_space<vmem>> -> memref<128x64xf32, #tpu.memory_space<vmem>>
      %dma_wait3A_377 = arith.constant 0 : i32
      %dma_wait3A_378 = tpu.memref_slice %arg9[%add3A_371, %dma_wait3A_377] : memref<160x128xi32, #tpu.memory_space<vmem>> -> memref<1x128xi32, #tpu.memory_space<vmem>>
      %dma_wait3A_379 = tpu.memref_squeeze %dma_wait3A_378 : memref<1x128xi32, #tpu.memory_space<vmem>> -> memref<128xi32, #tpu.memory_space<vmem>>
      %dma_wait3A_380 = arith.constant 0 : i32
      %dma_wait3A_381 = arith.constant 0 : i32
      %dma_wait3A_382 = tpu.memref_slice %arg2[%dma_wait3A_380, %dma_wait3A_381] : memref<20000x64xf32, #tpu.memory_space<hbm>> -> memref<20000x64xf32, #tpu.memory_space<hbm>>
      tpu.wait_indirect_dma semaphore(%arg15 : memref<!tpu.dma_semaphore, #tpu.memory_space<semaphore_mem>>) src(%dma_wait3A_382 : memref<20000x64xf32, #tpu.memory_space<hbm>>) dst(%dma_wait3A_376 : memref<128x64xf32, #tpu.memory_space<vmem>>)
      %dma_start3A_383 = arith.constant 2 : i32
      %dma_start3A_384 = arith.constant 0 : i32
      %dma_start3A_385 = arith.constant 0 : i32
      %dma_start3A_386 = tpu.memref_slice %arg11[%dma_start3A_383, %dma_start3A_384, %dma_start3A_385] : memref<4x128x64xf32, #tpu.memory_space<vmem>> -> memref<1x128x64xf32, #tpu.memory_space<vmem>>
      %dma_start3A_387 = tpu.memref_squeeze %dma_start3A_386 : memref<1x128x64xf32, #tpu.memory_space<vmem>> -> memref<128x64xf32, #tpu.memory_space<vmem>>
      %dma_start3A_388 = arith.constant 0 : i32
      %dma_start3A_389 = tpu.memref_slice %arg10[%add3A_371, %dma_start3A_388] : memref<160x128xi32, #tpu.memory_space<vmem>> -> memref<1x128xi32, #tpu.memory_space<vmem>>
      %dma_start3A_390 = tpu.memref_squeeze %dma_start3A_389 : memref<1x128xi32, #tpu.memory_space<vmem>> -> memref<128xi32, #tpu.memory_space<vmem>>
      %dma_start3A_391 = arith.constant 0 : i32
      %dma_start3A_392 = arith.constant 0 : i32
      %dma_start3A_393 = tpu.memref_slice %arg8[%dma_start3A_391, %dma_start3A_392] : memref<10000x64xf32, #tpu.memory_space<vmem_shared>> -> memref<10000x64xf32, #tpu.memory_space<vmem_shared>>
      tpu.enqueue_indirect_dma source(%dma_start3A_387 : memref<128x64xf32, #tpu.memory_space<vmem>>) target(%dma_start3A_393 : memref<10000x64xf32, #tpu.memory_space<vmem_shared>>) offsets(%dma_start3A_390 : memref<128xi32, #tpu.memory_space<vmem>>) semaphore(%arg19 : memref<!tpu.dma_semaphore, #tpu.memory_space<semaphore_mem>>) {add = true}
      %dma_wait3A_394 = arith.constant 2 : i32
      %dma_wait3A_395 = arith.constant 0 : i32
      %dma_wait3A_396 = arith.constant 0 : i32
      %dma_wait3A_397 = tpu.memref_slice %arg11[%dma_wait3A_394, %dma_wait3A_395, %dma_wait3A_396] : memref<4x128x64xf32, #tpu.memory_space<vmem>> -> memref<1x128x64xf32, #tpu.memory_space<vmem>>
      %dma_wait3A_398 = tpu.memref_squeeze %dma_wait3A_397 : memref<1x128x64xf32, #tpu.memory_space<vmem>> -> memref<128x64xf32, #tpu.memory_space<vmem>>
      %dma_wait3A_399 = arith.constant 0 : i32
      %dma_wait3A_400 = tpu.memref_slice %arg10[%add3A_371, %dma_wait3A_399] : memref<160x128xi32, #tpu.memory_space<vmem>> -> memref<1x128xi32, #tpu.memory_space<vmem>>
      %dma_wait3A_401 = tpu.memref_squeeze %dma_wait3A_400 : memref<1x128xi32, #tpu.memory_space<vmem>> -> memref<128xi32, #tpu.memory_space<vmem>>
      %dma_wait3A_402 = arith.constant 0 : i32
      %dma_wait3A_403 = arith.constant 0 : i32
      %dma_wait3A_404 = tpu.memref_slice %arg8[%dma_wait3A_402, %dma_wait3A_403] : memref<10000x64xf32, #tpu.memory_space<vmem_shared>> -> memref<10000x64xf32, #tpu.memory_space<vmem_shared>>
      tpu.wait_indirect_dma semaphore(%arg19 : memref<!tpu.dma_semaphore, #tpu.memory_space<semaphore_mem>>) src(%dma_wait3A_398 : memref<128x64xf32, #tpu.memory_space<vmem>>) dst(%dma_wait3A_404 : memref<10000x64xf32, #tpu.memory_space<vmem_shared>>)
      %add3A_405 = arith.constant 4 : i32
      %add3A_406 = arith.addi %add3A_371, %add3A_405 : i32
      %dma_start3A_407 = arith.constant 2 : i32
      %dma_start3A_408 = arith.constant 0 : i32
      %dma_start3A_409 = arith.constant 0 : i32
      %dma_start3A_410 = tpu.memref_slice %arg11[%dma_start3A_407, %dma_start3A_408, %dma_start3A_409] : memref<4x128x64xf32, #tpu.memory_space<vmem>> -> memref<1x128x64xf32, #tpu.memory_space<vmem>>
      %dma_start3A_411 = tpu.memref_squeeze %dma_start3A_410 : memref<1x128x64xf32, #tpu.memory_space<vmem>> -> memref<128x64xf32, #tpu.memory_space<vmem>>
      %dma_start3A_412 = arith.constant 0 : i32
      %dma_start3A_413 = tpu.memref_slice %arg9[%add3A_406, %dma_start3A_412] : memref<160x128xi32, #tpu.memory_space<vmem>> -> memref<1x128xi32, #tpu.memory_space<vmem>>
      %dma_start3A_414 = tpu.memref_squeeze %dma_start3A_413 : memref<1x128xi32, #tpu.memory_space<vmem>> -> memref<128xi32, #tpu.memory_space<vmem>>
      %dma_start3A_415 = arith.constant 0 : i32
      %dma_start3A_416 = arith.constant 0 : i32
      %dma_start3A_417 = tpu.memref_slice %arg2[%dma_start3A_415, %dma_start3A_416] : memref<20000x64xf32, #tpu.memory_space<hbm>> -> memref<20000x64xf32, #tpu.memory_space<hbm>>
      tpu.enqueue_indirect_dma source(%dma_start3A_417 : memref<20000x64xf32, #tpu.memory_space<hbm>>) target(%dma_start3A_411 : memref<128x64xf32, #tpu.memory_space<vmem>>) offsets(%dma_start3A_414 : memref<128xi32, #tpu.memory_space<vmem>>) semaphore(%arg15 : memref<!tpu.dma_semaphore, #tpu.memory_space<semaphore_mem>>)
      %mul3A_418 = arith.constant 4 : i32
      %mul3A_419 = arith.muli %while3A_267, %mul3A_418 : i32
      %add3A_420 = arith.constant 3 : i32
      %add3A_421 = arith.addi %mul3A_419, %add3A_420 : i32
      %dma_wait3A_422 = arith.constant 3 : i32
      %dma_wait3A_423 = arith.constant 0 : i32
      %dma_wait3A_424 = arith.constant 0 : i32
      %dma_wait3A_425 = tpu.memref_slice %arg11[%dma_wait3A_422, %dma_wait3A_423, %dma_wait3A_424] : memref<4x128x64xf32, #tpu.memory_space<vmem>> -> memref<1x128x64xf32, #tpu.memory_space<vmem>>
      %dma_wait3A_426 = tpu.memref_squeeze %dma_wait3A_425 : memref<1x128x64xf32, #tpu.memory_space<vmem>> -> memref<128x64xf32, #tpu.memory_space<vmem>>
      %dma_wait3A_427 = arith.constant 0 : i32
      %dma_wait3A_428 = tpu.memref_slice %arg9[%add3A_421, %dma_wait3A_427] : memref<160x128xi32, #tpu.memory_space<vmem>> -> memref<1x128xi32, #tpu.memory_space<vmem>>
      %dma_wait3A_429 = tpu.memref_squeeze %dma_wait3A_428 : memref<1x128xi32, #tpu.memory_space<vmem>> -> memref<128xi32, #tpu.memory_space<vmem>>
      %dma_wait3A_430 = arith.constant 0 : i32
      %dma_wait3A_431 = arith.constant 0 : i32
      %dma_wait3A_432 = tpu.memref_slice %arg2[%dma_wait3A_430, %dma_wait3A_431] : memref<20000x64xf32, #tpu.memory_space<hbm>> -> memref<20000x64xf32, #tpu.memory_space<hbm>>
      tpu.wait_indirect_dma semaphore(%arg16 : memref<!tpu.dma_semaphore, #tpu.memory_space<semaphore_mem>>) src(%dma_wait3A_432 : memref<20000x64xf32, #tpu.memory_space<hbm>>) dst(%dma_wait3A_426 : memref<128x64xf32, #tpu.memory_space<vmem>>)
      %dma_start3A_433 = arith.constant 3 : i32
      %dma_start3A_434 = arith.constant 0 : i32
      %dma_start3A_435 = arith.constant 0 : i32
      %dma_start3A_436 = tpu.memref_slice %arg11[%dma_start3A_433, %dma_start3A_434, %dma_start3A_435] : memref<4x128x64xf32, #tpu.memory_space<vmem>> -> memref<1x128x64xf32, #tpu.memory_space<vmem>>
      %dma_start3A_437 = tpu.memref_squeeze %dma_start3A_436 : memref<1x128x64xf32, #tpu.memory_space<vmem>> -> memref<128x64xf32, #tpu.memory_space<vmem>>
      %dma_start3A_438 = arith.constant 0 : i32
      %dma_start3A_439 = tpu.memref_slice %arg10[%add3A_421, %dma_start3A_438] : memref<160x128xi32, #tpu.memory_space<vmem>> -> memref<1x128xi32, #tpu.memory_space<vmem>>
      %dma_start3A_440 = tpu.memref_squeeze %dma_start3A_439 : memref<1x128xi32, #tpu.memory_space<vmem>> -> memref<128xi32, #tpu.memory_space<vmem>>
      %dma_start3A_441 = arith.constant 0 : i32
      %dma_start3A_442 = arith.constant 0 : i32
      %dma_start3A_443 = tpu.memref_slice %arg8[%dma_start3A_441, %dma_start3A_442] : memref<10000x64xf32, #tpu.memory_space<vmem_shared>> -> memref<10000x64xf32, #tpu.memory_space<vmem_shared>>
      tpu.enqueue_indirect_dma source(%dma_start3A_437 : memref<128x64xf32, #tpu.memory_space<vmem>>) target(%dma_start3A_443 : memref<10000x64xf32, #tpu.memory_space<vmem_shared>>) offsets(%dma_start3A_440 : memref<128xi32, #tpu.memory_space<vmem>>) semaphore(%arg20 : memref<!tpu.dma_semaphore, #tpu.memory_space<semaphore_mem>>) {add = true}
      %dma_wait3A_444 = arith.constant 3 : i32
      %dma_wait3A_445 = arith.constant 0 : i32
      %dma_wait3A_446 = arith.constant 0 : i32
      %dma_wait3A_447 = tpu.memref_slice %arg11[%dma_wait3A_444, %dma_wait3A_445, %dma_wait3A_446] : memref<4x128x64xf32, #tpu.memory_space<vmem>> -> memref<1x128x64xf32, #tpu.memory_space<vmem>>
      %dma_wait3A_448 = tpu.memref_squeeze %dma_wait3A_447 : memref<1x128x64xf32, #tpu.memory_space<vmem>> -> memref<128x64xf32, #tpu.memory_space<vmem>>
      %dma_wait3A_449 = arith.constant 0 : i32
      %dma_wait3A_450 = tpu.memref_slice %arg10[%add3A_421, %dma_wait3A_449] : memref<160x128xi32, #tpu.memory_space<vmem>> -> memref<1x128xi32, #tpu.memory_space<vmem>>
      %dma_wait3A_451 = tpu.memref_squeeze %dma_wait3A_450 : memref<1x128xi32, #tpu.memory_space<vmem>> -> memref<128xi32, #tpu.memory_space<vmem>>
      %dma_wait3A_452 = arith.constant 0 : i32
      %dma_wait3A_453 = arith.constant 0 : i32
      %dma_wait3A_454 = tpu.memref_slice %arg8[%dma_wait3A_452, %dma_wait3A_453] : memref<10000x64xf32, #tpu.memory_space<vmem_shared>> -> memref<10000x64xf32, #tpu.memory_space<vmem_shared>>
      tpu.wait_indirect_dma semaphore(%arg20 : memref<!tpu.dma_semaphore, #tpu.memory_space<semaphore_mem>>) src(%dma_wait3A_448 : memref<128x64xf32, #tpu.memory_space<vmem>>) dst(%dma_wait3A_454 : memref<10000x64xf32, #tpu.memory_space<vmem_shared>>)
      %add3A_455 = arith.constant 4 : i32
      %add3A_456 = arith.addi %add3A_421, %add3A_455 : i32
      %dma_start3A_457 = arith.constant 3 : i32
      %dma_start3A_458 = arith.constant 0 : i32
      %dma_start3A_459 = arith.constant 0 : i32
      %dma_start3A_460 = tpu.memref_slice %arg11[%dma_start3A_457, %dma_start3A_458, %dma_start3A_459] : memref<4x128x64xf32, #tpu.memory_space<vmem>> -> memref<1x128x64xf32, #tpu.memory_space<vmem>>
      %dma_start3A_461 = tpu.memref_squeeze %dma_start3A_460 : memref<1x128x64xf32, #tpu.memory_space<vmem>> -> memref<128x64xf32, #tpu.memory_space<vmem>>
      %dma_start3A_462 = arith.constant 0 : i32
      %dma_start3A_463 = tpu.memref_slice %arg9[%add3A_456, %dma_start3A_462] : memref<160x128xi32, #tpu.memory_space<vmem>> -> memref<1x128xi32, #tpu.memory_space<vmem>>
      %dma_start3A_464 = tpu.memref_squeeze %dma_start3A_463 : memref<1x128xi32, #tpu.memory_space<vmem>> -> memref<128xi32, #tpu.memory_space<vmem>>
      %dma_start3A_465 = arith.constant 0 : i32
      %dma_start3A_466 = arith.constant 0 : i32
      %dma_start3A_467 = tpu.memref_slice %arg2[%dma_start3A_465, %dma_start3A_466] : memref<20000x64xf32, #tpu.memory_space<hbm>> -> memref<20000x64xf32, #tpu.memory_space<hbm>>
      tpu.enqueue_indirect_dma source(%dma_start3A_467 : memref<20000x64xf32, #tpu.memory_space<hbm>>) target(%dma_start3A_461 : memref<128x64xf32, #tpu.memory_space<vmem>>) offsets(%dma_start3A_464 : memref<128xi32, #tpu.memory_space<vmem>>) semaphore(%arg16 : memref<!tpu.dma_semaphore, #tpu.memory_space<semaphore_mem>>)
    }
    %sub3A_113 = arith.constant 1 : i32
    %sub3A_114 = arith.subi %select_n3A, %sub3A_113 : i32
    %mul3A_115 = arith.constant 4 : i32
    %mul3A_116 = arith.muli %sub3A_114, %mul3A_115 : i32
    %add3A = arith.constant 0 : i32
    %add3A_117 = arith.addi %mul3A_116, %add3A : i32
    %dma_wait3A_118 = arith.constant 0 : i32
    %dma_wait3A_119 = arith.constant 0 : i32
    %dma_wait3A_120 = arith.constant 0 : i32
    %dma_wait3A_121 = tpu.memref_slice %arg11[%dma_wait3A_118, %dma_wait3A_119, %dma_wait3A_120] : memref<4x128x64xf32, #tpu.memory_space<vmem>> -> memref<1x128x64xf32, #tpu.memory_space<vmem>>
    %dma_wait3A_122 = tpu.memref_squeeze %dma_wait3A_121 : memref<1x128x64xf32, #tpu.memory_space<vmem>> -> memref<128x64xf32, #tpu.memory_space<vmem>>
    %dma_wait3A_123 = arith.constant 0 : i32
    %dma_wait3A_124 = tpu.memref_slice %arg9[%add3A_117, %dma_wait3A_123] : memref<160x128xi32, #tpu.memory_space<vmem>> -> memref<1x128xi32, #tpu.memory_space<vmem>>
    %dma_wait3A_125 = tpu.memref_squeeze %dma_wait3A_124 : memref<1x128xi32, #tpu.memory_space<vmem>> -> memref<128xi32, #tpu.memory_space<vmem>>
    %dma_wait3A_126 = arith.constant 0 : i32
    %dma_wait3A_127 = arith.constant 0 : i32
    %dma_wait3A_128 = tpu.memref_slice %arg2[%dma_wait3A_126, %dma_wait3A_127] : memref<20000x64xf32, #tpu.memory_space<hbm>> -> memref<20000x64xf32, #tpu.memory_space<hbm>>
    tpu.wait_indirect_dma semaphore(%arg13 : memref<!tpu.dma_semaphore, #tpu.memory_space<semaphore_mem>>) src(%dma_wait3A_128 : memref<20000x64xf32, #tpu.memory_space<hbm>>) dst(%dma_wait3A_122 : memref<128x64xf32, #tpu.memory_space<vmem>>)
    %dma_start3A_129 = arith.constant 0 : i32
    %dma_start3A_130 = arith.constant 0 : i32
    %dma_start3A_131 = arith.constant 0 : i32
    %dma_start3A_132 = tpu.memref_slice %arg11[%dma_start3A_129, %dma_start3A_130, %dma_start3A_131] : memref<4x128x64xf32, #tpu.memory_space<vmem>> -> memref<1x128x64xf32, #tpu.memory_space<vmem>>
    %dma_start3A_133 = tpu.memref_squeeze %dma_start3A_132 : memref<1x128x64xf32, #tpu.memory_space<vmem>> -> memref<128x64xf32, #tpu.memory_space<vmem>>
    %dma_start3A_134 = arith.constant 0 : i32
    %dma_start3A_135 = tpu.memref_slice %arg10[%add3A_117, %dma_start3A_134] : memref<160x128xi32, #tpu.memory_space<vmem>> -> memref<1x128xi32, #tpu.memory_space<vmem>>
    %dma_start3A_136 = tpu.memref_squeeze %dma_start3A_135 : memref<1x128xi32, #tpu.memory_space<vmem>> -> memref<128xi32, #tpu.memory_space<vmem>>
    %dma_start3A_137 = arith.constant 0 : i32
    %dma_start3A_138 = arith.constant 0 : i32
    %dma_start3A_139 = tpu.memref_slice %arg8[%dma_start3A_137, %dma_start3A_138] : memref<10000x64xf32, #tpu.memory_space<vmem_shared>> -> memref<10000x64xf32, #tpu.memory_space<vmem_shared>>
    tpu.enqueue_indirect_dma source(%dma_start3A_133 : memref<128x64xf32, #tpu.memory_space<vmem>>) target(%dma_start3A_139 : memref<10000x64xf32, #tpu.memory_space<vmem_shared>>) offsets(%dma_start3A_136 : memref<128xi32, #tpu.memory_space<vmem>>) semaphore(%arg17 : memref<!tpu.dma_semaphore, #tpu.memory_space<semaphore_mem>>) {add = true}
    %dma_wait3A_140 = arith.constant 0 : i32
    %dma_wait3A_141 = arith.constant 0 : i32
    %dma_wait3A_142 = arith.constant 0 : i32
    %dma_wait3A_143 = tpu.memref_slice %arg11[%dma_wait3A_140, %dma_wait3A_141, %dma_wait3A_142] : memref<4x128x64xf32, #tpu.memory_space<vmem>> -> memref<1x128x64xf32, #tpu.memory_space<vmem>>
    %dma_wait3A_144 = tpu.memref_squeeze %dma_wait3A_143 : memref<1x128x64xf32, #tpu.memory_space<vmem>> -> memref<128x64xf32, #tpu.memory_space<vmem>>
    %dma_wait3A_145 = arith.constant 0 : i32
    %dma_wait3A_146 = tpu.memref_slice %arg10[%add3A_117, %dma_wait3A_145] : memref<160x128xi32, #tpu.memory_space<vmem>> -> memref<1x128xi32, #tpu.memory_space<vmem>>
    %dma_wait3A_147 = tpu.memref_squeeze %dma_wait3A_146 : memref<1x128xi32, #tpu.memory_space<vmem>> -> memref<128xi32, #tpu.memory_space<vmem>>
    %dma_wait3A_148 = arith.constant 0 : i32
    %dma_wait3A_149 = arith.constant 0 : i32
    %dma_wait3A_150 = tpu.memref_slice %arg8[%dma_wait3A_148, %dma_wait3A_149] : memref<10000x64xf32, #tpu.memory_space<vmem_shared>> -> memref<10000x64xf32, #tpu.memory_space<vmem_shared>>
    tpu.wait_indirect_dma semaphore(%arg17 : memref<!tpu.dma_semaphore, #tpu.memory_space<semaphore_mem>>) src(%dma_wait3A_144 : memref<128x64xf32, #tpu.memory_space<vmem>>) dst(%dma_wait3A_150 : memref<10000x64xf32, #tpu.memory_space<vmem_shared>>)
    %add3A_151 = arith.constant 1 : i32
    %add3A_152 = arith.addi %mul3A_116, %add3A_151 : i32
    %dma_wait3A_153 = arith.constant 1 : i32
    %dma_wait3A_154 = arith.constant 0 : i32
    %dma_wait3A_155 = arith.constant 0 : i32
    %dma_wait3A_156 = tpu.memref_slice %arg11[%dma_wait3A_153, %dma_wait3A_154, %dma_wait3A_155] : memref<4x128x64xf32, #tpu.memory_space<vmem>> -> memref<1x128x64xf32, #tpu.memory_space<vmem>>
    %dma_wait3A_157 = tpu.memref_squeeze %dma_wait3A_156 : memref<1x128x64xf32, #tpu.memory_space<vmem>> -> memref<128x64xf32, #tpu.memory_space<vmem>>
    %dma_wait3A_158 = arith.constant 0 : i32
    %dma_wait3A_159 = tpu.memref_slice %arg9[%add3A_152, %dma_wait3A_158] : memref<160x128xi32, #tpu.memory_space<vmem>> -> memref<1x128xi32, #tpu.memory_space<vmem>>
    %dma_wait3A_160 = tpu.memref_squeeze %dma_wait3A_159 : memref<1x128xi32, #tpu.memory_space<vmem>> -> memref<128xi32, #tpu.memory_space<vmem>>
    %dma_wait3A_161 = arith.constant 0 : i32
    %dma_wait3A_162 = arith.constant 0 : i32
    %dma_wait3A_163 = tpu.memref_slice %arg2[%dma_wait3A_161, %dma_wait3A_162] : memref<20000x64xf32, #tpu.memory_space<hbm>> -> memref<20000x64xf32, #tpu.memory_space<hbm>>
    tpu.wait_indirect_dma semaphore(%arg14 : memref<!tpu.dma_semaphore, #tpu.memory_space<semaphore_mem>>) src(%dma_wait3A_163 : memref<20000x64xf32, #tpu.memory_space<hbm>>) dst(%dma_wait3A_157 : memref<128x64xf32, #tpu.memory_space<vmem>>)
    %dma_start3A_164 = arith.constant 1 : i32
    %dma_start3A_165 = arith.constant 0 : i32
    %dma_start3A_166 = arith.constant 0 : i32
    %dma_start3A_167 = tpu.memref_slice %arg11[%dma_start3A_164, %dma_start3A_165, %dma_start3A_166] : memref<4x128x64xf32, #tpu.memory_space<vmem>> -> memref<1x128x64xf32, #tpu.memory_space<vmem>>
    %dma_start3A_168 = tpu.memref_squeeze %dma_start3A_167 : memref<1x128x64xf32, #tpu.memory_space<vmem>> -> memref<128x64xf32, #tpu.memory_space<vmem>>
    %dma_start3A_169 = arith.constant 0 : i32
    %dma_start3A_170 = tpu.memref_slice %arg10[%add3A_152, %dma_start3A_169] : memref<160x128xi32, #tpu.memory_space<vmem>> -> memref<1x128xi32, #tpu.memory_space<vmem>>
    %dma_start3A_171 = tpu.memref_squeeze %dma_start3A_170 : memref<1x128xi32, #tpu.memory_space<vmem>> -> memref<128xi32, #tpu.memory_space<vmem>>
    %dma_start3A_172 = arith.constant 0 : i32
    %dma_start3A_173 = arith.constant 0 : i32
    %dma_start3A_174 = tpu.memref_slice %arg8[%dma_start3A_172, %dma_start3A_173] : memref<10000x64xf32, #tpu.memory_space<vmem_shared>> -> memref<10000x64xf32, #tpu.memory_space<vmem_shared>>
    tpu.enqueue_indirect_dma source(%dma_start3A_168 : memref<128x64xf32, #tpu.memory_space<vmem>>) target(%dma_start3A_174 : memref<10000x64xf32, #tpu.memory_space<vmem_shared>>) offsets(%dma_start3A_171 : memref<128xi32, #tpu.memory_space<vmem>>) semaphore(%arg18 : memref<!tpu.dma_semaphore, #tpu.memory_space<semaphore_mem>>) {add = true}
    %dma_wait3A_175 = arith.constant 1 : i32
    %dma_wait3A_176 = arith.constant 0 : i32
    %dma_wait3A_177 = arith.constant 0 : i32
    %dma_wait3A_178 = tpu.memref_slice %arg11[%dma_wait3A_175, %dma_wait3A_176, %dma_wait3A_177] : memref<4x128x64xf32, #tpu.memory_space<vmem>> -> memref<1x128x64xf32, #tpu.memory_space<vmem>>
    %dma_wait3A_179 = tpu.memref_squeeze %dma_wait3A_178 : memref<1x128x64xf32, #tpu.memory_space<vmem>> -> memref<128x64xf32, #tpu.memory_space<vmem>>
    %dma_wait3A_180 = arith.constant 0 : i32
    %dma_wait3A_181 = tpu.memref_slice %arg10[%add3A_152, %dma_wait3A_180] : memref<160x128xi32, #tpu.memory_space<vmem>> -> memref<1x128xi32, #tpu.memory_space<vmem>>
    %dma_wait3A_182 = tpu.memref_squeeze %dma_wait3A_181 : memref<1x128xi32, #tpu.memory_space<vmem>> -> memref<128xi32, #tpu.memory_space<vmem>>
    %dma_wait3A_183 = arith.constant 0 : i32
    %dma_wait3A_184 = arith.constant 0 : i32
    %dma_wait3A_185 = tpu.memref_slice %arg8[%dma_wait3A_183, %dma_wait3A_184] : memref<10000x64xf32, #tpu.memory_space<vmem_shared>> -> memref<10000x64xf32, #tpu.memory_space<vmem_shared>>
    tpu.wait_indirect_dma semaphore(%arg18 : memref<!tpu.dma_semaphore, #tpu.memory_space<semaphore_mem>>) src(%dma_wait3A_179 : memref<128x64xf32, #tpu.memory_space<vmem>>) dst(%dma_wait3A_185 : memref<10000x64xf32, #tpu.memory_space<vmem_shared>>)
    %add3A_186 = arith.constant 2 : i32
    %add3A_187 = arith.addi %mul3A_116, %add3A_186 : i32
    %dma_wait3A_188 = arith.constant 2 : i32
    %dma_wait3A_189 = arith.constant 0 : i32
    %dma_wait3A_190 = arith.constant 0 : i32
    %dma_wait3A_191 = tpu.memref_slice %arg11[%dma_wait3A_188, %dma_wait3A_189, %dma_wait3A_190] : memref<4x128x64xf32, #tpu.memory_space<vmem>> -> memref<1x128x64xf32, #tpu.memory_space<vmem>>
    %dma_wait3A_192 = tpu.memref_squeeze %dma_wait3A_191 : memref<1x128x64xf32, #tpu.memory_space<vmem>> -> memref<128x64xf32, #tpu.memory_space<vmem>>
    %dma_wait3A_193 = arith.constant 0 : i32
    %dma_wait3A_194 = tpu.memref_slice %arg9[%add3A_187, %dma_wait3A_193] : memref<160x128xi32, #tpu.memory_space<vmem>> -> memref<1x128xi32, #tpu.memory_space<vmem>>
    %dma_wait3A_195 = tpu.memref_squeeze %dma_wait3A_194 : memref<1x128xi32, #tpu.memory_space<vmem>> -> memref<128xi32, #tpu.memory_space<vmem>>
    %dma_wait3A_196 = arith.constant 0 : i32
    %dma_wait3A_197 = arith.constant 0 : i32
    %dma_wait3A_198 = tpu.memref_slice %arg2[%dma_wait3A_196, %dma_wait3A_197] : memref<20000x64xf32, #tpu.memory_space<hbm>> -> memref<20000x64xf32, #tpu.memory_space<hbm>>
    tpu.wait_indirect_dma semaphore(%arg15 : memref<!tpu.dma_semaphore, #tpu.memory_space<semaphore_mem>>) src(%dma_wait3A_198 : memref<20000x64xf32, #tpu.memory_space<hbm>>) dst(%dma_wait3A_192 : memref<128x64xf32, #tpu.memory_space<vmem>>)
    %dma_start3A_199 = arith.constant 2 : i32
    %dma_start3A_200 = arith.constant 0 : i32
    %dma_start3A_201 = arith.constant 0 : i32
    %dma_start3A_202 = tpu.memref_slice %arg11[%dma_start3A_199, %dma_start3A_200, %dma_start3A_201] : memref<4x128x64xf32, #tpu.memory_space<vmem>> -> memref<1x128x64xf32, #tpu.memory_space<vmem>>
    %dma_start3A_203 = tpu.memref_squeeze %dma_start3A_202 : memref<1x128x64xf32, #tpu.memory_space<vmem>> -> memref<128x64xf32, #tpu.memory_space<vmem>>
    %dma_start3A_204 = arith.constant 0 : i32
    %dma_start3A_205 = tpu.memref_slice %arg10[%add3A_187, %dma_start3A_204] : memref<160x128xi32, #tpu.memory_space<vmem>> -> memref<1x128xi32, #tpu.memory_space<vmem>>
    %dma_start3A_206 = tpu.memref_squeeze %dma_start3A_205 : memref<1x128xi32, #tpu.memory_space<vmem>> -> memref<128xi32, #tpu.memory_space<vmem>>
    %dma_start3A_207 = arith.constant 0 : i32
    %dma_start3A_208 = arith.constant 0 : i32
    %dma_start3A_209 = tpu.memref_slice %arg8[%dma_start3A_207, %dma_start3A_208] : memref<10000x64xf32, #tpu.memory_space<vmem_shared>> -> memref<10000x64xf32, #tpu.memory_space<vmem_shared>>
    tpu.enqueue_indirect_dma source(%dma_start3A_203 : memref<128x64xf32, #tpu.memory_space<vmem>>) target(%dma_start3A_209 : memref<10000x64xf32, #tpu.memory_space<vmem_shared>>) offsets(%dma_start3A_206 : memref<128xi32, #tpu.memory_space<vmem>>) semaphore(%arg19 : memref<!tpu.dma_semaphore, #tpu.memory_space<semaphore_mem>>) {add = true}
    %dma_wait3A_210 = arith.constant 2 : i32
    %dma_wait3A_211 = arith.constant 0 : i32
    %dma_wait3A_212 = arith.constant 0 : i32
    %dma_wait3A_213 = tpu.memref_slice %arg11[%dma_wait3A_210, %dma_wait3A_211, %dma_wait3A_212] : memref<4x128x64xf32, #tpu.memory_space<vmem>> -> memref<1x128x64xf32, #tpu.memory_space<vmem>>
    %dma_wait3A_214 = tpu.memref_squeeze %dma_wait3A_213 : memref<1x128x64xf32, #tpu.memory_space<vmem>> -> memref<128x64xf32, #tpu.memory_space<vmem>>
    %dma_wait3A_215 = arith.constant 0 : i32
    %dma_wait3A_216 = tpu.memref_slice %arg10[%add3A_187, %dma_wait3A_215] : memref<160x128xi32, #tpu.memory_space<vmem>> -> memref<1x128xi32, #tpu.memory_space<vmem>>
    %dma_wait3A_217 = tpu.memref_squeeze %dma_wait3A_216 : memref<1x128xi32, #tpu.memory_space<vmem>> -> memref<128xi32, #tpu.memory_space<vmem>>
    %dma_wait3A_218 = arith.constant 0 : i32
    %dma_wait3A_219 = arith.constant 0 : i32
    %dma_wait3A_220 = tpu.memref_slice %arg8[%dma_wait3A_218, %dma_wait3A_219] : memref<10000x64xf32, #tpu.memory_space<vmem_shared>> -> memref<10000x64xf32, #tpu.memory_space<vmem_shared>>
    tpu.wait_indirect_dma semaphore(%arg19 : memref<!tpu.dma_semaphore, #tpu.memory_space<semaphore_mem>>) src(%dma_wait3A_214 : memref<128x64xf32, #tpu.memory_space<vmem>>) dst(%dma_wait3A_220 : memref<10000x64xf32, #tpu.memory_space<vmem_shared>>)
    %add3A_221 = arith.constant 3 : i32
    %add3A_222 = arith.addi %mul3A_116, %add3A_221 : i32
    %dma_wait3A_223 = arith.constant 3 : i32
    %dma_wait3A_224 = arith.constant 0 : i32
    %dma_wait3A_225 = arith.constant 0 : i32
    %dma_wait3A_226 = tpu.memref_slice %arg11[%dma_wait3A_223, %dma_wait3A_224, %dma_wait3A_225] : memref<4x128x64xf32, #tpu.memory_space<vmem>> -> memref<1x128x64xf32, #tpu.memory_space<vmem>>
    %dma_wait3A_227 = tpu.memref_squeeze %dma_wait3A_226 : memref<1x128x64xf32, #tpu.memory_space<vmem>> -> memref<128x64xf32, #tpu.memory_space<vmem>>
    %dma_wait3A_228 = arith.constant 0 : i32
    %dma_wait3A_229 = tpu.memref_slice %arg9[%add3A_222, %dma_wait3A_228] : memref<160x128xi32, #tpu.memory_space<vmem>> -> memref<1x128xi32, #tpu.memory_space<vmem>>
    %dma_wait3A_230 = tpu.memref_squeeze %dma_wait3A_229 : memref<1x128xi32, #tpu.memory_space<vmem>> -> memref<128xi32, #tpu.memory_space<vmem>>
    %dma_wait3A_231 = arith.constant 0 : i32
    %dma_wait3A_232 = arith.constant 0 : i32
    %dma_wait3A_233 = tpu.memref_slice %arg2[%dma_wait3A_231, %dma_wait3A_232] : memref<20000x64xf32, #tpu.memory_space<hbm>> -> memref<20000x64xf32, #tpu.memory_space<hbm>>
    tpu.wait_indirect_dma semaphore(%arg16 : memref<!tpu.dma_semaphore, #tpu.memory_space<semaphore_mem>>) src(%dma_wait3A_233 : memref<20000x64xf32, #tpu.memory_space<hbm>>) dst(%dma_wait3A_227 : memref<128x64xf32, #tpu.memory_space<vmem>>)
    %dma_start3A_234 = arith.constant 3 : i32
    %dma_start3A_235 = arith.constant 0 : i32
    %dma_start3A_236 = arith.constant 0 : i32
    %dma_start3A_237 = tpu.memref_slice %arg11[%dma_start3A_234, %dma_start3A_235, %dma_start3A_236] : memref<4x128x64xf32, #tpu.memory_space<vmem>> -> memref<1x128x64xf32, #tpu.memory_space<vmem>>
    %dma_start3A_238 = tpu.memref_squeeze %dma_start3A_237 : memref<1x128x64xf32, #tpu.memory_space<vmem>> -> memref<128x64xf32, #tpu.memory_space<vmem>>
    %dma_start3A_239 = arith.constant 0 : i32
    %dma_start3A_240 = tpu.memref_slice %arg10[%add3A_222, %dma_start3A_239] : memref<160x128xi32, #tpu.memory_space<vmem>> -> memref<1x128xi32, #tpu.memory_space<vmem>>
    %dma_start3A_241 = tpu.memref_squeeze %dma_start3A_240 : memref<1x128xi32, #tpu.memory_space<vmem>> -> memref<128xi32, #tpu.memory_space<vmem>>
    %dma_start3A_242 = arith.constant 0 : i32
    %dma_start3A_243 = arith.constant 0 : i32
    %dma_start3A_244 = tpu.memref_slice %arg8[%dma_start3A_242, %dma_start3A_243] : memref<10000x64xf32, #tpu.memory_space<vmem_shared>> -> memref<10000x64xf32, #tpu.memory_space<vmem_shared>>
    tpu.enqueue_indirect_dma source(%dma_start3A_238 : memref<128x64xf32, #tpu.memory_space<vmem>>) target(%dma_start3A_244 : memref<10000x64xf32, #tpu.memory_space<vmem_shared>>) offsets(%dma_start3A_241 : memref<128xi32, #tpu.memory_space<vmem>>) semaphore(%arg20 : memref<!tpu.dma_semaphore, #tpu.memory_space<semaphore_mem>>) {add = true}
    %dma_wait3A_245 = arith.constant 3 : i32
    %dma_wait3A_246 = arith.constant 0 : i32
    %dma_wait3A_247 = arith.constant 0 : i32
    %dma_wait3A_248 = tpu.memref_slice %arg11[%dma_wait3A_245, %dma_wait3A_246, %dma_wait3A_247] : memref<4x128x64xf32, #tpu.memory_space<vmem>> -> memref<1x128x64xf32, #tpu.memory_space<vmem>>
    %dma_wait3A_249 = tpu.memref_squeeze %dma_wait3A_248 : memref<1x128x64xf32, #tpu.memory_space<vmem>> -> memref<128x64xf32, #tpu.memory_space<vmem>>
    %dma_wait3A_250 = arith.constant 0 : i32
    %dma_wait3A_251 = tpu.memref_slice %arg10[%add3A_222, %dma_wait3A_250] : memref<160x128xi32, #tpu.memory_space<vmem>> -> memref<1x128xi32, #tpu.memory_space<vmem>>
    %dma_wait3A_252 = tpu.memref_squeeze %dma_wait3A_251 : memref<1x128xi32, #tpu.memory_space<vmem>> -> memref<128xi32, #tpu.memory_space<vmem>>
    %dma_wait3A_253 = arith.constant 0 : i32
    %dma_wait3A_254 = arith.constant 0 : i32
    %dma_wait3A_255 = tpu.memref_slice %arg8[%dma_wait3A_253, %dma_wait3A_254] : memref<10000x64xf32, #tpu.memory_space<vmem_shared>> -> memref<10000x64xf32, #tpu.memory_space<vmem_shared>>
    tpu.wait_indirect_dma semaphore(%arg20 : memref<!tpu.dma_semaphore, #tpu.memory_space<semaphore_mem>>) src(%dma_wait3A_249 : memref<128x64xf32, #tpu.memory_space<vmem>>) dst(%dma_wait3A_255 : memref<10000x64xf32, #tpu.memory_space<vmem_shared>>)
    %barrier3A_256 = arith.constant 0 : index
    tpu.barrier barrier_id(%barrier3A_256)
    %eq3A_257 = arith.constant 0 : i32
    %eq3A_258 = arith.cmpi eq, %arg0, %eq3A_257 : i32
    %convert_element_type3A_259 = arith.extui %eq3A_258 : i1 to i32
    %cond3A_260 = arith.constant 0 : i32
    %cond3A_261 = arith.cmpi ne, %convert_element_type3A_259, %cond3A_260 : i32
    scf.if %cond3A_261 {
      %dma_start3A_267 = arith.constant 0 : i32
      %dma_start3A_268 = tpu.memref_slice %arg7[%mul3A_0, %dma_start3A_267] : memref<10000x128xf32, #tpu.memory_space<hbm>> -> memref<625x64xf32, #tpu.memory_space<hbm>>
      %dma_start3A_269 = arith.constant 0 : i32
      %dma_start3A_270 = tpu.memref_slice %arg8[%mul3A_0, %dma_start3A_269] : memref<10000x64xf32, #tpu.memory_space<vmem_shared>> -> memref<625x64xf32, #tpu.memory_space<vmem_shared>>
      tpu.enqueue_dma source(%dma_start3A_270 : memref<625x64xf32, #tpu.memory_space<vmem_shared>>) target(%dma_start3A_268 : memref<625x64xf32, #tpu.memory_space<hbm>>) target_semaphore(%arg12 : memref<!tpu.dma_semaphore, #tpu.memory_space<semaphore_mem>>)
      %dma_wait3A_271 = arith.constant 0 : i32
      %dma_wait3A_272 = tpu.memref_slice %arg7[%mul3A_0, %dma_wait3A_271] : memref<10000x128xf32, #tpu.memory_space<hbm>> -> memref<625x64xf32, #tpu.memory_space<hbm>>
      %dma_wait3A_273 = arith.constant 0 : i32
      %dma_wait3A_274 = tpu.memref_slice %arg8[%mul3A_0, %dma_wait3A_273] : memref<10000x64xf32, #tpu.memory_space<vmem_shared>> -> memref<625x64xf32, #tpu.memory_space<vmem_shared>>
      tpu.wait_dma2 semaphore(%arg12 : memref<!tpu.dma_semaphore, #tpu.memory_space<semaphore_mem>>) src(%dma_wait3A_274 : memref<625x64xf32, #tpu.memory_space<vmem_shared>>) dst(%dma_wait3A_272 : memref<625x64xf32, #tpu.memory_space<hbm>>)
    } else {
    }
    %eq3A_262 = arith.constant 1 : i32
    %eq3A_263 = arith.cmpi eq, %arg0, %eq3A_262 : i32
    %convert_element_type3A_264 = arith.extui %eq3A_263 : i1 to i32
    %cond3A_265 = arith.constant 0 : i32
    %cond3A_266 = arith.cmpi ne, %convert_element_type3A_264, %cond3A_265 : i32
    scf.if %cond3A_266 {
      %dma_start3A_267 = arith.constant 64 : i32
      %dma_start3A_268 = tpu.memref_slice %arg7[%mul3A_0, %dma_start3A_267] : memref<10000x128xf32, #tpu.memory_space<hbm>> -> memref<625x64xf32, #tpu.memory_space<hbm>>
      %dma_start3A_269 = arith.constant 0 : i32
      %dma_start3A_270 = tpu.memref_slice %arg8[%mul3A_0, %dma_start3A_269] : memref<10000x64xf32, #tpu.memory_space<vmem_shared>> -> memref<625x64xf32, #tpu.memory_space<vmem_shared>>
      tpu.enqueue_dma source(%dma_start3A_270 : memref<625x64xf32, #tpu.memory_space<vmem_shared>>) target(%dma_start3A_268 : memref<625x64xf32, #tpu.memory_space<hbm>>) target_semaphore(%arg12 : memref<!tpu.dma_semaphore, #tpu.memory_space<semaphore_mem>>)
      %dma_wait3A_271 = arith.constant 64 : i32
      %dma_wait3A_272 = tpu.memref_slice %arg7[%mul3A_0, %dma_wait3A_271] : memref<10000x128xf32, #tpu.memory_space<hbm>> -> memref<625x64xf32, #tpu.memory_space<hbm>>
      %dma_wait3A_273 = arith.constant 0 : i32
      %dma_wait3A_274 = tpu.memref_slice %arg8[%mul3A_0, %dma_wait3A_273] : memref<10000x64xf32, #tpu.memory_space<vmem_shared>> -> memref<625x64xf32, #tpu.memory_space<vmem_shared>>
      tpu.wait_dma2 semaphore(%arg12 : memref<!tpu.dma_semaphore, #tpu.memory_space<semaphore_mem>>) src(%dma_wait3A_274 : memref<625x64xf32, #tpu.memory_space<vmem_shared>>) dst(%dma_wait3A_272 : memref<625x64xf32, #tpu.memory_space<hbm>>)
    } else {
    }
    return
  }
}

#map = affine_map<(d0, d1) -> (0, 0)>
#map1 = affine_map<(d0, d1) -> (0)>
module attributes {stable_mosaic.version = 14 : i64} {
  func.func @_deg_body(%arg0: i32, %arg1: i32, %arg2: memref<2500x128xi32, #tpu.memory_space<hbm>>, %arg3: memref<128xf32, #tpu.memory_space<hbm>>, %arg4: memref<640xf32, #tpu.memory_space<hbm>>, %arg5: memref<2x10240xf32, #tpu.memory_space<hbm>>, %arg6: memref<10240xf32, #tpu.memory_space<vmem_shared>>, %arg7: memref<82x128xi32, #tpu.memory_space<vmem>>, %arg8: memref<128xf32, #tpu.memory_space<vmem>>, %arg9: memref<!tpu.dma_semaphore, #tpu.memory_space<semaphore_mem>>) attributes {dimension_semantics = [#tpu.dimension_semantics<core_parallel>, #tpu.dimension_semantics<subcore_parallel>], iteration_bounds = array<i64: 2, 16>, scalar_prefetch = 0 : i64, scratch_operands = 4 : i64, tpu.core_type = #tpu.core_type<sc_vector_subcore>, window_params = [{transform_indices = #map}, {transform_indices = #map1}, {transform_indices = #map1}, {transform_indices = #map}]} {
    %mul3A = arith.constant 16 : i32
    %mul3A_0 = arith.muli %arg0, %mul3A : i32
    %add3A = arith.addi %mul3A_0, %arg1 : i32
    tpu.enqueue_dma source(%arg3 : memref<128xf32, #tpu.memory_space<hbm>>) target(%arg8 : memref<128xf32, #tpu.memory_space<vmem>>) target_semaphore(%arg9 : memref<!tpu.dma_semaphore, #tpu.memory_space<semaphore_mem>>)
    tpu.wait_dma2 semaphore(%arg9 : memref<!tpu.dma_semaphore, #tpu.memory_space<semaphore_mem>>) src(%arg3 : memref<128xf32, #tpu.memory_space<hbm>>) dst(%arg8 : memref<128xf32, #tpu.memory_space<vmem>>)
    %mul3A_1 = arith.constant 640 : i32
    %mul3A_2 = arith.muli %arg1, %mul3A_1 : i32
    "tpu.region"() ({
      %run_scoped3A = tpu.sem_alloc : memref<!tpu.dma_semaphore, #tpu.memory_space<semaphore_mem>>
      %dma_start3A_42 = tpu.memref_slice %arg6[%mul3A_2] : memref<10240xf32, #tpu.memory_space<vmem_shared>> -> memref<640xf32, #tpu.memory_space<vmem_shared>>
      tpu.enqueue_dma source(%arg4 : memref<640xf32, #tpu.memory_space<hbm>>) target(%dma_start3A_42 : memref<640xf32, #tpu.memory_space<vmem_shared>>) target_semaphore(%run_scoped3A : memref<!tpu.dma_semaphore, #tpu.memory_space<semaphore_mem>>)
      %dma_wait3A_43 = tpu.memref_slice %arg6[%mul3A_2] : memref<10240xf32, #tpu.memory_space<vmem_shared>> -> memref<640xf32, #tpu.memory_space<vmem_shared>>
      tpu.wait_dma2 semaphore(%run_scoped3A : memref<!tpu.dma_semaphore, #tpu.memory_space<semaphore_mem>>) src(%arg4 : memref<640xf32, #tpu.memory_space<hbm>>) dst(%dma_wait3A_43 : memref<640xf32, #tpu.memory_space<vmem_shared>>)
      tpu.yield
    }) : () -> ()
    %barrier3A = arith.constant 0 : index
    tpu.barrier barrier_id(%barrier3A)
    %mul3A_3 = arith.constant 78 : i32
    %mul3A_4 = arith.muli %add3A, %mul3A_3 : i32
    %dma_start3A = arith.constant 0 : i32
    %dma_start3A_5 = arith.constant 0 : i32
    %dma_start3A_6 = tpu.memref_slice %arg7[%dma_start3A, %dma_start3A_5] : memref<82x128xi32, #tpu.memory_space<vmem>> -> memref<78x128xi32, #tpu.memory_space<vmem>>
    %dma_start3A_7 = arith.constant 0 : i32
    %dma_start3A_8 = tpu.memref_slice %arg2[%mul3A_4, %dma_start3A_7] : memref<2500x128xi32, #tpu.memory_space<hbm>> -> memref<78x128xi32, #tpu.memory_space<hbm>>
    %dma_start3A_9 = arith.constant 0 : i32
    %dma_start3A_10 = arith.constant 0 : i32
    %dma_start3A_11 = tpu.memref_slice %arg7[%dma_start3A_9, %dma_start3A_10] : memref<82x128xi32, #tpu.memory_space<vmem>> -> memref<78x128xi32, #tpu.memory_space<vmem>>
    %dma_start3A_12 = arith.constant 0 : i32
    %dma_start3A_13 = tpu.memref_slice %arg2[%mul3A_4, %dma_start3A_12] : memref<2500x128xi32, #tpu.memory_space<hbm>> -> memref<78x128xi32, #tpu.memory_space<hbm>>
    tpu.enqueue_dma source(%dma_start3A_13 : memref<78x128xi32, #tpu.memory_space<hbm>>) target(%dma_start3A_11 : memref<78x128xi32, #tpu.memory_space<vmem>>) target_semaphore(%arg9 : memref<!tpu.dma_semaphore, #tpu.memory_space<semaphore_mem>>)
    %dma_wait3A = arith.constant 0 : i32
    %dma_wait3A_14 = arith.constant 0 : i32
    %dma_wait3A_15 = tpu.memref_slice %arg7[%dma_wait3A, %dma_wait3A_14] : memref<82x128xi32, #tpu.memory_space<vmem>> -> memref<78x128xi32, #tpu.memory_space<vmem>>
    %dma_wait3A_16 = arith.constant 0 : i32
    %dma_wait3A_17 = tpu.memref_slice %arg2[%mul3A_4, %dma_wait3A_16] : memref<2500x128xi32, #tpu.memory_space<hbm>> -> memref<78x128xi32, #tpu.memory_space<hbm>>
    %dma_wait3A_18 = arith.constant 0 : i32
    %dma_wait3A_19 = arith.constant 0 : i32
    %dma_wait3A_20 = tpu.memref_slice %arg7[%dma_wait3A_18, %dma_wait3A_19] : memref<82x128xi32, #tpu.memory_space<vmem>> -> memref<78x128xi32, #tpu.memory_space<vmem>>
    %dma_wait3A_21 = arith.constant 0 : i32
    %dma_wait3A_22 = tpu.memref_slice %arg2[%mul3A_4, %dma_wait3A_21] : memref<2500x128xi32, #tpu.memory_space<hbm>> -> memref<78x128xi32, #tpu.memory_space<hbm>>
    tpu.wait_dma2 semaphore(%arg9 : memref<!tpu.dma_semaphore, #tpu.memory_space<semaphore_mem>>) src(%dma_wait3A_22 : memref<78x128xi32, #tpu.memory_space<hbm>>) dst(%dma_wait3A_20 : memref<78x128xi32, #tpu.memory_space<vmem>>)
    %eq3A = arith.constant 31 : i32
    %eq3A_23 = arith.cmpi eq, %add3A, %eq3A : i32
    %convert_element_type3A = arith.extui %eq3A_23 : i1 to i32
    %cond3A = arith.constant 0 : i32
    %cond3A_24 = arith.cmpi ne, %convert_element_type3A, %cond3A : i32
    scf.if %cond3A_24 {
      %dma_start3A_42 = arith.constant 78 : i32
      %dma_start3A_43 = arith.constant 0 : i32
      %dma_start3A_44 = tpu.memref_slice %arg7[%dma_start3A_42, %dma_start3A_43] : memref<82x128xi32, #tpu.memory_space<vmem>> -> memref<4x128xi32, #tpu.memory_space<vmem>>
      %dma_start3A_45 = arith.constant 2496 : i32
      %dma_start3A_46 = arith.constant 0 : i32
      %dma_start3A_47 = tpu.memref_slice %arg2[%dma_start3A_45, %dma_start3A_46] : memref<2500x128xi32, #tpu.memory_space<hbm>> -> memref<4x128xi32, #tpu.memory_space<hbm>>
      %dma_start3A_48 = arith.constant 78 : i32
      %dma_start3A_49 = arith.constant 0 : i32
      %dma_start3A_50 = tpu.memref_slice %arg7[%dma_start3A_48, %dma_start3A_49] : memref<82x128xi32, #tpu.memory_space<vmem>> -> memref<4x128xi32, #tpu.memory_space<vmem>>
      %dma_start3A_51 = arith.constant 2496 : i32
      %dma_start3A_52 = arith.constant 0 : i32
      %dma_start3A_53 = tpu.memref_slice %arg2[%dma_start3A_51, %dma_start3A_52] : memref<2500x128xi32, #tpu.memory_space<hbm>> -> memref<4x128xi32, #tpu.memory_space<hbm>>
      tpu.enqueue_dma source(%dma_start3A_53 : memref<4x128xi32, #tpu.memory_space<hbm>>) target(%dma_start3A_50 : memref<4x128xi32, #tpu.memory_space<vmem>>) target_semaphore(%arg9 : memref<!tpu.dma_semaphore, #tpu.memory_space<semaphore_mem>>)
      %dma_wait3A_54 = arith.constant 78 : i32
      %dma_wait3A_55 = arith.constant 0 : i32
      %dma_wait3A_56 = tpu.memref_slice %arg7[%dma_wait3A_54, %dma_wait3A_55] : memref<82x128xi32, #tpu.memory_space<vmem>> -> memref<4x128xi32, #tpu.memory_space<vmem>>
      %dma_wait3A_57 = arith.constant 2496 : i32
      %dma_wait3A_58 = arith.constant 0 : i32
      %dma_wait3A_59 = tpu.memref_slice %arg2[%dma_wait3A_57, %dma_wait3A_58] : memref<2500x128xi32, #tpu.memory_space<hbm>> -> memref<4x128xi32, #tpu.memory_space<hbm>>
      %dma_wait3A_60 = arith.constant 78 : i32
      %dma_wait3A_61 = arith.constant 0 : i32
      %dma_wait3A_62 = tpu.memref_slice %arg7[%dma_wait3A_60, %dma_wait3A_61] : memref<82x128xi32, #tpu.memory_space<vmem>> -> memref<4x128xi32, #tpu.memory_space<vmem>>
      %dma_wait3A_63 = arith.constant 2496 : i32
      %dma_wait3A_64 = arith.constant 0 : i32
      %dma_wait3A_65 = tpu.memref_slice %arg2[%dma_wait3A_63, %dma_wait3A_64] : memref<2500x128xi32, #tpu.memory_space<hbm>> -> memref<4x128xi32, #tpu.memory_space<hbm>>
      tpu.wait_dma2 semaphore(%arg9 : memref<!tpu.dma_semaphore, #tpu.memory_space<semaphore_mem>>) src(%dma_wait3A_65 : memref<4x128xi32, #tpu.memory_space<hbm>>) dst(%dma_wait3A_62 : memref<4x128xi32, #tpu.memory_space<vmem>>)
    } else {
    }
    %eq3A_25 = arith.constant 31 : i32
    %eq3A_26 = arith.cmpi eq, %add3A, %eq3A_25 : i32
    %jit3A = arith.constant 82 : i32
    %jit3A_27 = arith.constant 78 : i32
    %select_n3A = arith.select %eq3A_26, %jit3A, %jit3A_27 : i32
    %while3A = arith.constant 0 : i32
    %while3A_28 = arith.constant 0 : i32
    %while3A_29 = arith.subi %select_n3A, %while3A_28 : i32
    %while3A_30 = arith.addi %while3A_28, %while3A_29 : i32
    %while3A_31 = arith.constant 1 : i32
    %while3A_32 = arith.divsi %while3A_29, %while3A_31 : i32
    %while3A_33 = arith.muli %while3A_32, %while3A_31 : i32
    %while3A_34 = arith.addi %while3A_28, %while3A_33 : i32
    %while3A_35 = arith.constant 1 : i32
    scf.for %while3A_42 = %while3A_28 to %while3A_34 step %while3A_35  : i32 {
      "tpu.region"() ({
        %run_scoped3A = tpu.sem_alloc : memref<!tpu.dma_semaphore, #tpu.memory_space<semaphore_mem>>
        %dma_start3A_43 = arith.constant 0 : i32
        %dma_start3A_44 = tpu.memref_slice %arg7[%while3A_42, %dma_start3A_43] : memref<82x128xi32, #tpu.memory_space<vmem>> -> memref<1x128xi32, #tpu.memory_space<vmem>>
        %dma_start3A_45 = tpu.memref_squeeze %dma_start3A_44 : memref<1x128xi32, #tpu.memory_space<vmem>> -> memref<128xi32, #tpu.memory_space<vmem>>
        %dma_start3A_46 = arith.constant 0 : i32
        %dma_start3A_47 = tpu.memref_slice %arg6[%dma_start3A_46] : memref<10240xf32, #tpu.memory_space<vmem_shared>> -> memref<10240xf32, #tpu.memory_space<vmem_shared>>
        tpu.enqueue_indirect_dma source(%arg8 : memref<128xf32, #tpu.memory_space<vmem>>) target(%dma_start3A_47 : memref<10240xf32, #tpu.memory_space<vmem_shared>>) offsets(%dma_start3A_45 : memref<128xi32, #tpu.memory_space<vmem>>) semaphore(%run_scoped3A : memref<!tpu.dma_semaphore, #tpu.memory_space<semaphore_mem>>) {add = true}
        %dma_wait3A_48 = arith.constant 0 : i32
        %dma_wait3A_49 = tpu.memref_slice %arg7[%while3A_42, %dma_wait3A_48] : memref<82x128xi32, #tpu.memory_space<vmem>> -> memref<1x128xi32, #tpu.memory_space<vmem>>
        %dma_wait3A_50 = tpu.memref_squeeze %dma_wait3A_49 : memref<1x128xi32, #tpu.memory_space<vmem>> -> memref<128xi32, #tpu.memory_space<vmem>>
        %dma_wait3A_51 = arith.constant 0 : i32
        %dma_wait3A_52 = tpu.memref_slice %arg6[%dma_wait3A_51] : memref<10240xf32, #tpu.memory_space<vmem_shared>> -> memref<10240xf32, #tpu.memory_space<vmem_shared>>
        tpu.wait_indirect_dma semaphore(%run_scoped3A : memref<!tpu.dma_semaphore, #tpu.memory_space<semaphore_mem>>) src(%arg8 : memref<128xf32, #tpu.memory_space<vmem>>) dst(%dma_wait3A_52 : memref<10240xf32, #tpu.memory_space<vmem_shared>>)
        tpu.yield
      }) : () -> ()
    }
    %while3A_36 = arith.constant 1 : i32
    scf.for %while3A_42 = %while3A_34 to %while3A_30 step %while3A_36  : i32 {
      "tpu.region"() ({
        %run_scoped3A = tpu.sem_alloc : memref<!tpu.dma_semaphore, #tpu.memory_space<semaphore_mem>>
        %dma_start3A_43 = arith.constant 0 : i32
        %dma_start3A_44 = tpu.memref_slice %arg7[%while3A_42, %dma_start3A_43] : memref<82x128xi32, #tpu.memory_space<vmem>> -> memref<1x128xi32, #tpu.memory_space<vmem>>
        %dma_start3A_45 = tpu.memref_squeeze %dma_start3A_44 : memref<1x128xi32, #tpu.memory_space<vmem>> -> memref<128xi32, #tpu.memory_space<vmem>>
        %dma_start3A_46 = arith.constant 0 : i32
        %dma_start3A_47 = tpu.memref_slice %arg6[%dma_start3A_46] : memref<10240xf32, #tpu.memory_space<vmem_shared>> -> memref<10240xf32, #tpu.memory_space<vmem_shared>>
        tpu.enqueue_indirect_dma source(%arg8 : memref<128xf32, #tpu.memory_space<vmem>>) target(%dma_start3A_47 : memref<10240xf32, #tpu.memory_space<vmem_shared>>) offsets(%dma_start3A_45 : memref<128xi32, #tpu.memory_space<vmem>>) semaphore(%run_scoped3A : memref<!tpu.dma_semaphore, #tpu.memory_space<semaphore_mem>>) {add = true}
        %dma_wait3A_48 = arith.constant 0 : i32
        %dma_wait3A_49 = tpu.memref_slice %arg7[%while3A_42, %dma_wait3A_48] : memref<82x128xi32, #tpu.memory_space<vmem>> -> memref<1x128xi32, #tpu.memory_space<vmem>>
        %dma_wait3A_50 = tpu.memref_squeeze %dma_wait3A_49 : memref<1x128xi32, #tpu.memory_space<vmem>> -> memref<128xi32, #tpu.memory_space<vmem>>
        %dma_wait3A_51 = arith.constant 0 : i32
        %dma_wait3A_52 = tpu.memref_slice %arg6[%dma_wait3A_51] : memref<10240xf32, #tpu.memory_space<vmem_shared>> -> memref<10240xf32, #tpu.memory_space<vmem_shared>>
        tpu.wait_indirect_dma semaphore(%run_scoped3A : memref<!tpu.dma_semaphore, #tpu.memory_space<semaphore_mem>>) src(%arg8 : memref<128xf32, #tpu.memory_space<vmem>>) dst(%dma_wait3A_52 : memref<10240xf32, #tpu.memory_space<vmem_shared>>)
        tpu.yield
      }) : () -> ()
    }
    %barrier3A_37 = arith.constant 0 : index
    tpu.barrier barrier_id(%barrier3A_37)
    %mul3A_38 = arith.constant 640 : i32
    %mul3A_39 = arith.muli %arg1, %mul3A_38 : i32
    %mul3A_40 = arith.constant 640 : i32
    %mul3A_41 = arith.muli %arg1, %mul3A_40 : i32
    "tpu.region"() ({
      %run_scoped3A = tpu.sem_alloc : memref<!tpu.dma_semaphore, #tpu.memory_space<semaphore_mem>>
      %dma_start3A_42 = tpu.memref_slice %arg5[%arg0, %mul3A_41] : memref<2x10240xf32, #tpu.memory_space<hbm>> -> memref<1x640xf32, #tpu.memory_space<hbm>>
      %dma_start3A_43 = tpu.memref_squeeze %dma_start3A_42 : memref<1x640xf32, #tpu.memory_space<hbm>> -> memref<640xf32, #tpu.memory_space<hbm>>
      %dma_start3A_44 = tpu.memref_slice %arg6[%mul3A_39] : memref<10240xf32, #tpu.memory_space<vmem_shared>> -> memref<640xf32, #tpu.memory_space<vmem_shared>>
      tpu.enqueue_dma source(%dma_start3A_44 : memref<640xf32, #tpu.memory_space<vmem_shared>>) target(%dma_start3A_43 : memref<640xf32, #tpu.memory_space<hbm>>) target_semaphore(%run_scoped3A : memref<!tpu.dma_semaphore, #tpu.memory_space<semaphore_mem>>)
      %dma_wait3A_45 = tpu.memref_slice %arg5[%arg0, %mul3A_41] : memref<2x10240xf32, #tpu.memory_space<hbm>> -> memref<1x640xf32, #tpu.memory_space<hbm>>
      %dma_wait3A_46 = tpu.memref_squeeze %dma_wait3A_45 : memref<1x640xf32, #tpu.memory_space<hbm>> -> memref<640xf32, #tpu.memory_space<hbm>>
      %dma_wait3A_47 = tpu.memref_slice %arg6[%mul3A_39] : memref<10240xf32, #tpu.memory_space<vmem_shared>> -> memref<640xf32, #tpu.memory_space<vmem_shared>>
      tpu.wait_dma2 semaphore(%run_scoped3A : memref<!tpu.dma_semaphore, #tpu.memory_space<semaphore_mem>>) src(%dma_wait3A_47 : memref<640xf32, #tpu.memory_space<vmem_shared>>) dst(%dma_wait3A_46 : memref<640xf32, #tpu.memory_space<hbm>>)
      tpu.yield
    }) : () -> ()
    return
  }
}

module attributes {stable_mosaic.version = 14 : i64} {
  func.func @_mm_relu_body(%arg0: i32, %arg1: memref<1000x128xf32, #tpu.memory_space<vmem>>, %arg2: memref<128x128xf32, #tpu.memory_space<vmem>>, %arg3: memref<1x128xf32, #tpu.memory_space<vmem>>, %arg4: memref<1000x128xf32, #tpu.memory_space<vmem>>) attributes {dimension_semantics = [#tpu.dimension_semantics<arbitrary>], iteration_bounds = array<i64: 10>, scalar_prefetch = 0 : i64, scratch_operands = 0 : i64, tpu.core_type = #tpu.core_type<tc>, window_params = [{transform_indices = @transform_0, window_bounds = array<i64: 1000, 128>}, {pipeline_mode = #tpu.pipeline_mode<synchronous>, transform_indices = @transform_1, window_bounds = array<i64: 128, 128>}, {pipeline_mode = #tpu.pipeline_mode<synchronous>, transform_indices = @transform_2, window_bounds = array<i64: 1, 128>}, {transform_indices = @transform_3, window_bounds = array<i64: 1000, 128>}]} {
    %get3A = arith.constant 0 : index
    %get3A_0 = arith.constant 0 : index
    %get3A_1 = vector.load %arg1[%get3A, %get3A_0] : memref<1000x128xf32, #tpu.memory_space<vmem>>, vector<1000x128xf32>
    %get3A_2 = arith.constant 0 : index
    %get3A_3 = arith.constant 0 : index
    %get3A_4 = vector.load %arg2[%get3A_2, %get3A_3] : memref<128x128xf32, #tpu.memory_space<vmem>>, vector<128x128xf32>
    %dot_general3A = arith.constant dense<0.000000e+00> : vector<1000x128xf32>
    %dot_general3A_5 = tpu.matmul %get3A_1, %get3A_4, %dot_general3A {dimension_numbers = #tpu.dot_dimension_numbers<[1], [0], [0], [1], [0, 0, 1, 1], [], []>, transpose_lhs_hint = false} : vector<1000x128xf32>, vector<128x128xf32>, vector<1000x128xf32> -> vector<1000x128xf32>
    %get3A_6 = arith.constant 0 : index
    %get3A_7 = arith.constant 0 : index
    %get3A_8 = vector.load %arg3[%get3A_6, %get3A_7] : memref<1x128xf32, #tpu.memory_space<vmem>>, vector<1x128xf32>
    %add3A = vector.broadcast %get3A_8 : vector<1x128xf32> to vector<1000x128xf32>
    %add3A_9 = arith.addf %dot_general3A_5, %add3A : vector<1000x128xf32>
    %max3A = arith.constant 0.000000e+00 : f32
    %max3A_10 = vector.broadcast %max3A : f32 to vector<1000x128xf32>
    %max3A_11 = arith.maximumf %add3A_9, %max3A_10 : vector<1000x128xf32>
    %swap3A = arith.constant 0 : index
    %swap3A_12 = arith.constant 0 : index
    %swap3A_13 = vector.load %arg4[%swap3A, %swap3A_12] : memref<1000x128xf32, #tpu.memory_space<vmem>>, vector<1000x128xf32>
    tpu.vector_store %arg4[%swap3A, %swap3A_12], %max3A_11 {strides = array<i32>} : memref<1000x128xf32, #tpu.memory_space<vmem>>, vector<1000x128xf32>,
    return
  }
  func.func @transform_0(%arg0: i32) -> (i32, i32) {
    %c0_i32 = arith.constant 0 : i32
    %c0_i32_0 = arith.constant 0 : i32
    return %arg0, %c0_i32 : i32, i32
  }
  func.func @transform_1(%arg0: i32) -> (i32, i32) {
    %c0_i32 = arith.constant 0 : i32
    %c0_i32_0 = arith.constant 0 : i32
    %c0_i32_1 = arith.constant 0 : i32
    return %c0_i32, %c0_i32_0 : i32, i32
  }
  func.func @transform_2(%arg0: i32) -> (i32, i32) {
    %c0_i32 = arith.constant 0 : i32
    %c0_i32_0 = arith.constant 0 : i32
    %c0_i32_1 = arith.constant 0 : i32
    return %c0_i32, %c0_i32_0 : i32, i32
  }
  func.func @transform_3(%arg0: i32) -> (i32, i32) {
    %c0_i32 = arith.constant 0 : i32
    %c0_i32_0 = arith.constant 0 : i32
    return %arg0, %c0_i32 : i32, i32
  }
}

module attributes {stable_mosaic.version = 14 : i64} {
  func.func @_scale_body(%arg0: i32, %arg1: memref<1000x128xf32, #tpu.memory_space<vmem>>, %arg2: memref<1000x2xf32, #tpu.memory_space<vmem>>, %arg3: memref<1000x128xf32, #tpu.memory_space<vmem>>) attributes {dimension_semantics = [#tpu.dimension_semantics<arbitrary>], iteration_bounds = array<i64: 10>, scalar_prefetch = 0 : i64, scratch_operands = 0 : i64, tpu.core_type = #tpu.core_type<tc>, window_params = [{transform_indices = @transform_0, window_bounds = array<i64: 1000, 128>}, {transform_indices = @transform_1, window_bounds = array<i64: 1000, 2>}, {transform_indices = @transform_2, window_bounds = array<i64: 1000, 128>}]} {
    %get3A = arith.constant 0 : index
    %get3A_0 = arith.constant 0 : index
    %get3A_1 = vector.load %arg2[%get3A, %get3A_0] : memref<1000x2xf32, #tpu.memory_space<vmem>>, vector<1000x1xf32>
    %get3A_2 = vector.shape_cast %get3A_1 : vector<1000x1xf32> to vector<1000xf32>
    %get3A_3 = arith.constant 0 : index
    %get3A_4 = arith.constant 1 : index
    %get3A_5 = vector.load %arg2[%get3A_3, %get3A_4] : memref<1000x2xf32, #tpu.memory_space<vmem>>, vector<1000x1xf32>
    %get3A_6 = vector.shape_cast %get3A_5 : vector<1000x1xf32> to vector<1000xf32>
    %add3A = arith.addf %get3A_2, %get3A_6 : vector<1000xf32>
    %add3A_7 = arith.constant 1.000000e+00 : f32
    %add3A_8 = vector.broadcast %add3A_7 : f32 to vector<1000xf32>
    %add3A_9 = arith.addf %add3A, %add3A_8 : vector<1000xf32>
    %rsqrt3A = math.rsqrt %add3A_9 : vector<1000xf32>
    %get3A_10 = arith.constant 0 : index
    %get3A_11 = arith.constant 0 : index
    %get3A_12 = vector.load %arg1[%get3A_10, %get3A_11] : memref<1000x128xf32, #tpu.memory_space<vmem>>, vector<1000x128xf32>
    %broadcast_in_dim3A = vector.shape_cast %rsqrt3A : vector<1000xf32> to vector<1000x1xf32>
    %mul3A = vector.broadcast %broadcast_in_dim3A : vector<1000x1xf32> to vector<1000x128xf32>
    %mul3A_13 = arith.mulf %get3A_12, %mul3A : vector<1000x128xf32>
    %swap3A = arith.constant 0 : index
    %swap3A_14 = arith.constant 0 : index
    %swap3A_15 = vector.load %arg3[%swap3A, %swap3A_14] : memref<1000x128xf32, #tpu.memory_space<vmem>>, vector<1000x128xf32>
    tpu.vector_store %arg3[%swap3A, %swap3A_14], %mul3A_13 {strides = array<i32>} : memref<1000x128xf32, #tpu.memory_space<vmem>>, vector<1000x128xf32>,
    return
  }
  func.func @transform_0(%arg0: i32) -> (i32, i32) {
    %c0_i32 = arith.constant 0 : i32
    %c0_i32_0 = arith.constant 0 : i32
    return %arg0, %c0_i32 : i32, i32
  }
  func.func @transform_1(%arg0: i32) -> (i32, i32) {
    %c0_i32 = arith.constant 0 : i32
    %c0_i32_0 = arith.constant 0 : i32
    return %arg0, %c0_i32 : i32, i32
  }
  func.func @transform_2(%arg0: i32) -> (i32, i32) {
    %c0_i32 = arith.constant 0 : i32
    %c0_i32_0 = arith.constant 0 : i32
    return %arg0, %c0_i32 : i32, i32
  }
}

module attributes {stable_mosaic.version = 14 : i64} {
  func.func @_layer_body(%arg0: i32, %arg1: memref<1000x128xf32, #tpu.memory_space<vmem>>, %arg2: memref<1000x128xf32, #tpu.memory_space<vmem>>, %arg3: memref<1000x128xf32, #tpu.memory_space<vmem>>, %arg4: memref<1000x2xf32, #tpu.memory_space<vmem>>, %arg5: memref<128x128xf32, #tpu.memory_space<vmem>>, %arg6: memref<1000x128xf32, #tpu.memory_space<vmem>>) attributes {dimension_semantics = [#tpu.dimension_semantics<arbitrary>], iteration_bounds = array<i64: 10>, scalar_prefetch = 0 : i64, scratch_operands = 0 : i64, tpu.core_type = #tpu.core_type<tc>, window_params = [{transform_indices = @transform_0, window_bounds = array<i64: 1000, 128>}, {transform_indices = @transform_1, window_bounds = array<i64: 1000, 128>}, {transform_indices = @transform_2, window_bounds = array<i64: 1000, 128>}, {transform_indices = @transform_3, window_bounds = array<i64: 1000, 2>}, {pipeline_mode = #tpu.pipeline_mode<synchronous>, transform_indices = @transform_4, window_bounds = array<i64: 128, 128>}, {transform_indices = @transform_5, window_bounds = array<i64: 1000, 128>}]} {
    %get3A = arith.constant 0 : index
    %get3A_0 = arith.constant 0 : index
    %get3A_1 = vector.load %arg4[%get3A, %get3A_0] : memref<1000x2xf32, #tpu.memory_space<vmem>>, vector<1000x1xf32>
    %get3A_2 = vector.shape_cast %get3A_1 : vector<1000x1xf32> to vector<1000xf32>
    %get3A_3 = arith.constant 0 : index
    %get3A_4 = arith.constant 1 : index
    %get3A_5 = vector.load %arg4[%get3A_3, %get3A_4] : memref<1000x2xf32, #tpu.memory_space<vmem>>, vector<1000x1xf32>
    %get3A_6 = vector.shape_cast %get3A_5 : vector<1000x1xf32> to vector<1000xf32>
    %add3A = arith.addf %get3A_2, %get3A_6 : vector<1000xf32>
    %add3A_7 = arith.constant 1.000000e+00 : f32
    %add3A_8 = vector.broadcast %add3A_7 : f32 to vector<1000xf32>
    %add3A_9 = arith.addf %add3A, %add3A_8 : vector<1000xf32>
    %rsqrt3A = math.rsqrt %add3A_9 : vector<1000xf32>
    %get3A_10 = arith.constant 0 : index
    %get3A_11 = arith.constant 0 : index
    %get3A_12 = vector.load %arg1[%get3A_10, %get3A_11] : memref<1000x128xf32, #tpu.memory_space<vmem>>, vector<1000x128xf32>
    %get3A_13 = arith.constant 0 : index
    %get3A_14 = arith.constant 0 : index
    %get3A_15 = vector.load %arg2[%get3A_13, %get3A_14] : memref<1000x128xf32, #tpu.memory_space<vmem>>, vector<1000x128xf32>
    %add3A_16 = arith.addf %get3A_12, %get3A_15 : vector<1000x128xf32>
    %broadcast_in_dim3A = vector.shape_cast %rsqrt3A : vector<1000xf32> to vector<1000x1xf32>
    %mul3A = vector.broadcast %broadcast_in_dim3A : vector<1000x1xf32> to vector<1000x128xf32>
    %mul3A_17 = arith.mulf %add3A_16, %mul3A : vector<1000x128xf32>
    %mul3A_18 = arith.constant 0.899999976 : f32
    %mul3A_19 = vector.broadcast %mul3A_18 : f32 to vector<1000x128xf32>
    %mul3A_20 = arith.mulf %mul3A_19, %mul3A_17 : vector<1000x128xf32>
    %get3A_21 = arith.constant 0 : index
    %get3A_22 = arith.constant 0 : index
    %get3A_23 = vector.load %arg3[%get3A_21, %get3A_22] : memref<1000x128xf32, #tpu.memory_space<vmem>>, vector<1000x128xf32>
    %mul3A_24 = arith.constant 1.000000e-01 : f32
    %mul3A_25 = vector.broadcast %mul3A_24 : f32 to vector<1000x128xf32>
    %mul3A_26 = arith.mulf %mul3A_25, %get3A_23 : vector<1000x128xf32>
    %add3A_27 = arith.addf %mul3A_20, %mul3A_26 : vector<1000x128xf32>
    %get3A_28 = arith.constant 0 : index
    %get3A_29 = arith.constant 0 : index
    %get3A_30 = vector.load %arg5[%get3A_28, %get3A_29] : memref<128x128xf32, #tpu.memory_space<vmem>>, vector<128x128xf32>
    %dot_general3A = arith.constant dense<0.000000e+00> : vector<1000x128xf32>
    %dot_general3A_31 = tpu.matmul %add3A_27, %get3A_30, %dot_general3A {dimension_numbers = #tpu.dot_dimension_numbers<[1], [0], [0], [1], [0, 0, 1, 1], [], []>, transpose_lhs_hint = false} : vector<1000x128xf32>, vector<128x128xf32>, vector<1000x128xf32> -> vector<1000x128xf32>
    %broadcast_in_dim3A_32 = vector.shape_cast %rsqrt3A : vector<1000xf32> to vector<1000x1xf32>
    %mul3A_33 = vector.broadcast %broadcast_in_dim3A_32 : vector<1000x1xf32> to vector<1000x128xf32>
    %mul3A_34 = arith.mulf %dot_general3A_31, %mul3A_33 : vector<1000x128xf32>
    %swap3A = arith.constant 0 : index
    %swap3A_35 = arith.constant 0 : index
    %swap3A_36 = vector.load %arg6[%swap3A, %swap3A_35] : memref<1000x128xf32, #tpu.memory_space<vmem>>, vector<1000x128xf32>
    tpu.vector_store %arg6[%swap3A, %swap3A_35], %mul3A_34 {strides = array<i32>} : memref<1000x128xf32, #tpu.memory_space<vmem>>, vector<1000x128xf32>,
    return
  }
  func.func @transform_0(%arg0: i32) -> (i32, i32) {
    %c0_i32 = arith.constant 0 : i32
    %c0_i32_0 = arith.constant 0 : i32
    return %arg0, %c0_i32 : i32, i32
  }
  func.func @transform_1(%arg0: i32) -> (i32, i32) {
    %c0_i32 = arith.constant 0 : i32
    %c0_i32_0 = arith.constant 0 : i32
    return %arg0, %c0_i32 : i32, i32
  }
  func.func @transform_2(%arg0: i32) -> (i32, i32) {
    %c0_i32 = arith.constant 0 : i32
    %c0_i32_0 = arith.constant 0 : i32
    return %arg0, %c0_i32 : i32, i32
  }
  func.func @transform_3(%arg0: i32) -> (i32, i32) {
    %c0_i32 = arith.constant 0 : i32
    %c0_i32_0 = arith.constant 0 : i32
    return %arg0, %c0_i32 : i32, i32
  }
  func.func @transform_4(%arg0: i32) -> (i32, i32) {
    %c0_i32 = arith.constant 0 : i32
    %c0_i32_0 = arith.constant 0 : i32
    %c0_i32_1 = arith.constant 0 : i32
    return %c0_i32, %c0_i32_0 : i32, i32
  }
  func.func @transform_5(%arg0: i32) -> (i32, i32) {
    %c0_i32 = arith.constant 0 : i32
    %c0_i32_0 = arith.constant 0 : i32
    return %arg0, %c0_i32 : i32, i32
  }
}

module attributes {stable_mosaic.version = 14 : i64} {
  func.func @_final_body(%arg0: i32, %arg1: memref<1000x128xf32, #tpu.memory_space<vmem>>, %arg2: memref<1000x128xf32, #tpu.memory_space<vmem>>, %arg3: memref<1000x128xf32, #tpu.memory_space<vmem>>, %arg4: memref<1000x2xf32, #tpu.memory_space<vmem>>, %arg5: memref<128x128xf32, #tpu.memory_space<vmem>>, %arg6: memref<128x64xf32, #tpu.memory_space<vmem>>, %arg7: memref<1x64xf32, #tpu.memory_space<vmem>>, %arg8: memref<1000x128xf32, #tpu.memory_space<vmem>>, %arg9: memref<1000x64xf32, #tpu.memory_space<vmem>>) attributes {dimension_semantics = [#tpu.dimension_semantics<arbitrary>], iteration_bounds = array<i64: 10>, scalar_prefetch = 0 : i64, scratch_operands = 0 : i64, tpu.core_type = #tpu.core_type<tc>, window_params = [{transform_indices = @transform_0, window_bounds = array<i64: 1000, 128>}, {transform_indices = @transform_1, window_bounds = array<i64: 1000, 128>}, {transform_indices = @transform_2, window_bounds = array<i64: 1000, 128>}, {transform_indices = @transform_3, window_bounds = array<i64: 1000, 2>}, {pipeline_mode = #tpu.pipeline_mode<synchronous>, transform_indices = @transform_4, window_bounds = array<i64: 128, 128>}, {pipeline_mode = #tpu.pipeline_mode<synchronous>, transform_indices = @transform_5, window_bounds = array<i64: 128, 64>}, {pipeline_mode = #tpu.pipeline_mode<synchronous>, transform_indices = @transform_6, window_bounds = array<i64: 1, 64>}, {transform_indices = @transform_7, window_bounds = array<i64: 1000, 128>}, {transform_indices = @transform_8, window_bounds = array<i64: 1000, 64>}]} {
    %get3A = arith.constant 0 : index
    %get3A_0 = arith.constant 0 : index
    %get3A_1 = vector.load %arg4[%get3A, %get3A_0] : memref<1000x2xf32, #tpu.memory_space<vmem>>, vector<1000x1xf32>
    %get3A_2 = vector.shape_cast %get3A_1 : vector<1000x1xf32> to vector<1000xf32>
    %get3A_3 = arith.constant 0 : index
    %get3A_4 = arith.constant 1 : index
    %get3A_5 = vector.load %arg4[%get3A_3, %get3A_4] : memref<1000x2xf32, #tpu.memory_space<vmem>>, vector<1000x1xf32>
    %get3A_6 = vector.shape_cast %get3A_5 : vector<1000x1xf32> to vector<1000xf32>
    %add3A = arith.addf %get3A_2, %get3A_6 : vector<1000xf32>
    %add3A_7 = arith.constant 1.000000e+00 : f32
    %add3A_8 = vector.broadcast %add3A_7 : f32 to vector<1000xf32>
    %add3A_9 = arith.addf %add3A, %add3A_8 : vector<1000xf32>
    %rsqrt3A = math.rsqrt %add3A_9 : vector<1000xf32>
    %get3A_10 = arith.constant 0 : index
    %get3A_11 = arith.constant 0 : index
    %get3A_12 = vector.load %arg1[%get3A_10, %get3A_11] : memref<1000x128xf32, #tpu.memory_space<vmem>>, vector<1000x128xf32>
    %get3A_13 = arith.constant 0 : index
    %get3A_14 = arith.constant 0 : index
    %get3A_15 = vector.load %arg2[%get3A_13, %get3A_14] : memref<1000x128xf32, #tpu.memory_space<vmem>>, vector<1000x128xf32>
    %add3A_16 = arith.addf %get3A_12, %get3A_15 : vector<1000x128xf32>
    %broadcast_in_dim3A = vector.shape_cast %rsqrt3A : vector<1000xf32> to vector<1000x1xf32>
    %mul3A = vector.broadcast %broadcast_in_dim3A : vector<1000x1xf32> to vector<1000x128xf32>
    %mul3A_17 = arith.mulf %add3A_16, %mul3A : vector<1000x128xf32>
    %mul3A_18 = arith.constant 0.899999976 : f32
    %mul3A_19 = vector.broadcast %mul3A_18 : f32 to vector<1000x128xf32>
    %mul3A_20 = arith.mulf %mul3A_19, %mul3A_17 : vector<1000x128xf32>
    %get3A_21 = arith.constant 0 : index
    %get3A_22 = arith.constant 0 : index
    %get3A_23 = vector.load %arg3[%get3A_21, %get3A_22] : memref<1000x128xf32, #tpu.memory_space<vmem>>, vector<1000x128xf32>
    %mul3A_24 = arith.constant 1.000000e-01 : f32
    %mul3A_25 = vector.broadcast %mul3A_24 : f32 to vector<1000x128xf32>
    %mul3A_26 = arith.mulf %mul3A_25, %get3A_23 : vector<1000x128xf32>
    %add3A_27 = arith.addf %mul3A_20, %mul3A_26 : vector<1000x128xf32>
    %get3A_28 = arith.constant 0 : index
    %get3A_29 = arith.constant 0 : index
    %get3A_30 = vector.load %arg5[%get3A_28, %get3A_29] : memref<128x128xf32, #tpu.memory_space<vmem>>, vector<128x128xf32>
    %dot_general3A = arith.constant dense<0.000000e+00> : vector<1000x128xf32>
    %dot_general3A_31 = tpu.matmul %add3A_27, %get3A_30, %dot_general3A {dimension_numbers = #tpu.dot_dimension_numbers<[1], [0], [0], [1], [0, 0, 1, 1], [], []>, transpose_lhs_hint = false} : vector<1000x128xf32>, vector<128x128xf32>, vector<1000x128xf32> -> vector<1000x128xf32>
    %swap3A = arith.constant 0 : index
    %swap3A_32 = arith.constant 0 : index
    %swap3A_33 = vector.load %arg8[%swap3A, %swap3A_32] : memref<1000x128xf32, #tpu.memory_space<vmem>>, vector<1000x128xf32>
    tpu.vector_store %arg8[%swap3A, %swap3A_32], %dot_general3A_31 {strides = array<i32>} : memref<1000x128xf32, #tpu.memory_space<vmem>>, vector<1000x128xf32>,
    %get3A_34 = arith.constant 0 : index
    %get3A_35 = arith.constant 0 : index
    %get3A_36 = vector.load %arg6[%get3A_34, %get3A_35] : memref<128x64xf32, #tpu.memory_space<vmem>>, vector<128x64xf32>
    %dot_general3A_37 = arith.constant dense<0.000000e+00> : vector<1000x64xf32>
    %dot_general3A_38 = tpu.matmul %dot_general3A_31, %get3A_36, %dot_general3A_37 {dimension_numbers = #tpu.dot_dimension_numbers<[1], [0], [0], [1], [0, 0, 1, 1], [], []>, transpose_lhs_hint = false} : vector<1000x128xf32>, vector<128x64xf32>, vector<1000x64xf32> -> vector<1000x64xf32>
    %get3A_39 = arith.constant 0 : index
    %get3A_40 = arith.constant 0 : index
    %get3A_41 = vector.load %arg7[%get3A_39, %get3A_40] : memref<1x64xf32, #tpu.memory_space<vmem>>, vector<1x64xf32>
    %add3A_42 = vector.broadcast %get3A_41 : vector<1x64xf32> to vector<1000x64xf32>
    %add3A_43 = arith.addf %dot_general3A_38, %add3A_42 : vector<1000x64xf32>
    %swap3A_44 = arith.constant 0 : index
    %swap3A_45 = arith.constant 0 : index
    %swap3A_46 = vector.load %arg9[%swap3A_44, %swap3A_45] : memref<1000x64xf32, #tpu.memory_space<vmem>>, vector<1000x64xf32>
    tpu.vector_store %arg9[%swap3A_44, %swap3A_45], %add3A_43 {strides = array<i32>} : memref<1000x64xf32, #tpu.memory_space<vmem>>, vector<1000x64xf32>,
    return
  }
  func.func @transform_0(%arg0: i32) -> (i32, i32) {
    %c0_i32 = arith.constant 0 : i32
    %c0_i32_0 = arith.constant 0 : i32
    return %arg0, %c0_i32 : i32, i32
  }
  func.func @transform_1(%arg0: i32) -> (i32, i32) {
    %c0_i32 = arith.constant 0 : i32
    %c0_i32_0 = arith.constant 0 : i32
    return %arg0, %c0_i32 : i32, i32
  }
  func.func @transform_2(%arg0: i32) -> (i32, i32) {
    %c0_i32 = arith.constant 0 : i32
    %c0_i32_0 = arith.constant 0 : i32
    return %arg0, %c0_i32 : i32, i32
  }
  func.func @transform_3(%arg0: i32) -> (i32, i32) {
    %c0_i32 = arith.constant 0 : i32
    %c0_i32_0 = arith.constant 0 : i32
    return %arg0, %c0_i32 : i32, i32
  }
  func.func @transform_4(%arg0: i32) -> (i32, i32) {
    %c0_i32 = arith.constant 0 : i32
    %c0_i32_0 = arith.constant 0 : i32
    %c0_i32_1 = arith.constant 0 : i32
    return %c0_i32, %c0_i32_0 : i32, i32
  }
  func.func @transform_5(%arg0: i32) -> (i32, i32) {
    %c0_i32 = arith.constant 0 : i32
    %c0_i32_0 = arith.constant 0 : i32
    %c0_i32_1 = arith.constant 0 : i32
    return %c0_i32, %c0_i32_0 : i32, i32
  }
  func.func @transform_6(%arg0: i32) -> (i32, i32) {
    %c0_i32 = arith.constant 0 : i32
    %c0_i32_0 = arith.constant 0 : i32
    %c0_i32_1 = arith.constant 0 : i32
    return %c0_i32, %c0_i32_0 : i32, i32
  }
  func.func @transform_7(%arg0: i32) -> (i32, i32) {
    %c0_i32 = arith.constant 0 : i32
    %c0_i32_0 = arith.constant 0 : i32
    return %arg0, %c0_i32 : i32, i32
  }
  func.func @transform_8(%arg0: i32) -> (i32, i32) {
    %c0_i32 = arith.constant 0 : i32
    %c0_i32_0 = arith.constant 0 : i32
    return %arg0, %c0_i32 : i32, i32
  }
}

</mosaic_0001>

<sc_bundles>
// kernel: kernel.12.cloned.1.call-start
scs
__scs_entry_jumppad:
0x0: {  	(pc) =	sbr.rel $0x88, $3  }
0x1: {  	(tag) =	ssettag $0x0;
	lr =	simm.s32 $0x1  }
0x2: {  	[smem:$0x3F99] =	sst lr;
	_ =	strace $0xD0000000  }
0x3: {  	_ = 	snop  }
0x4: {  	_ = 	snop  }
0x5: {  	_ = 	snop  }
0x6: {  	_ = 	snop  }
0x7: {  	_ = 	snop  }
__scs_overlays_trampoline_lowered:
0x8: {  	[smem:$0x3FA8] =	sst s0  }
0x9: {  	[smem:$0x3FA9] =	sst s1  }
0xa: {  	[smem:$0x3FAA] =	sst s2  }
0xb: {  	[smem:$0x3FAB] =	sst s3  }
0xc: {  	[smem:$0x3FAC] =	sst s4  }
0xd: {  	[smem:$0x3FAD] =	sst s5  }
0xe: {  	[smem:$0x3FAE] =	sst s6  }
0xf: {  	[smem:$0x3FAF] =	sst s7  }
0x10: {  	[smem:$0x3FB0] =	sst s8  }
0x11: {  	[smem:$0x3FB1] =	sst s9;
	s0 =	simm.s32 @!p0 $0x0  }
0x12: {  	s1 =	sld [smem:$0x3F97];
	s0 =	simm.s32 @p0 $0x1  }
0x13: {  	[smem:$0x3FB2] =	sst s0;
	s0 =	simm.s32 @!p1 $0x0  }
0x14: {  	s2 =	sld [smem:$0x3F96];
	s0 =	simm.s32 @p1 $0x1  }
0x15: {  	[smem:$0x3FB3] =	sst s0;
	s0 =	simm.s32 @!p2 $0x0  }
0x16: {  	s3 =	sld [smem:$0x3FDB];
	s0 =	simm.s32 @p2 $0x1  }
0x17: {  	s4 =	simm.s32 $0x1BF5;
	[smem:$0x3FB5] =	sst s0  }
0x18: {  	s0 =	sld [smem:$0x3F98];
	_ =	swait.ge [sflag:s4], $0x0  }
0x19: {  	s7 =	sld [smem:$0x3F99]  }
0x1a: {  	s8 =	sadd.s32 $0xFFFFE003, lr  }
0x1b: {  	s9 =	sadd.s32 $0xFFFFFEF7, lr;
	s5 =	simm.s32 $0xFFFFFFFF;
	p2 =	slt.u32 s8, $0xFFFFF086  }
0x1c: {  	p1 =	slt.u32 s9, $0xF7A;
	s5 =	simm.s32 @!p2 $0x0  }
0x1d: {  	s5 =	simm.s32 @p1 $0x1;
	p0 =	seq.s32 s7, s2  }
0x1e: {  	s7 =	smul.u32 @!p0 $0xF7A, s2;
	p2 =	seq.s32 @!p0 s5, $0x0  }
0x1f: {  	s9 =	smul.u32 $0xF7A, s1;
	s8 =	simm.s32 @!p0 $0x1BF5;
	p2 =	por !p2, p0  }
0x20: {  	[sflag:s8] =	ssyncset.s32 @!p0 $0xFFFFF086;
	s6 =	sadd.s32 @!p0 s3, s7;
	s7 =	simm.s32 @!p0 $0x108  }
0x21: {  	s3 =	sadd.s32 s3, s9;
	s6 =	sadd.s32 @!p0 $0x88, s6;
	s7 =	simm.s32 @p2 $0x1082  }
0x22: {  	[simem:s7], [sflag:s8] =	dma.local @!p0 [hbm:s6], $0xF7A  }
0x23: {  	s9 =	sor.u32 $0xD0000000, s2;
	s6 =	simm.s32 $0x108;
	_ =	swait.ge @!p0 [sflag:s8], $0x0  }
0x24: {  	s3 =	sadd.s32 $0x88, s3;
	s6 =	simm.s32 @!p1 $0x1082;
	[sflag:s4] =	ssyncset.s32 $0xFFFFF086  }
0x25: {  	[simem:s6], [sflag:s4] =	dma.local [hbm:s3], $0xF7A  }
0x26: {  	[smem:$0x3F99] =	sst s1;
	(tag) =	ssettag s2;
	_ =	strace s9  }
0x27: {  	s1 =	sld [smem:$0x3FA9]  }
0x28: {  	s2 =	sld [smem:$0x3FAA]  }
0x29: {  	s4 =	sld [smem:$0x3FAC]  }
0x2a: {  	p0 =	seq.s32 s5, $0x0;
	s5 =	sld [smem:$0x3FAD]  }
0x2b: {  	s6 =	sld [smem:$0x3FAE]  }
0x2c: {  	s7 =	sld [smem:$0x3FAF]  }
0x2d: {  	s3 =	simm.s32 $0x108;
	s8 =	sld [smem:$0x3FB0]  }
0x2e: {  	s3 =	simm.s32 @!p0 $0x1082;
	s9 =	sld [smem:$0x3FB1]  }
0x2f: {  	lr =	sadd.s32 s0, s3;
	s0 =	sld [smem:$0x3FA8]  }
0x30: {  	s3 =	sld [smem:$0x3FAB]  }
0x31: {  	[smem:$0x3FB4] =	sst s10  }
0x32: {  	s10 =	sld [smem:$0x3FB2];
	_ =	sdelay $0x3  }
0x33: {  	p0 =	seq.s32 s10, $0x1;
	s10 =	sld [smem:$0x3FB4];
	_ =	sdelay $0x3  }
0x34: {  	[smem:$0x3FB4] =	sst s10  }
0x35: {  	s10 =	sld [smem:$0x3FB3];
	_ =	sdelay $0x3  }
0x36: {  	p1 =	seq.s32 s10, $0x1;
	s10 =	sld [smem:$0x3FB4];
	_ =	sdelay $0x3  }
0x37: {  	[smem:$0x3FB4] =	sst s10  }
0x38: {  	s10 =	sld [smem:$0x3FB5]  }
0x39: {  	_ = 	snop;
	(pc) =	sbr.ind lr, $3  }
0x3a: {  	_ = 	snop  }
0x3b: {  	_ = 	snop  }
0x3c: {  	p2 =	seq.s32 s10, $0x1;
	s10 =	sld [smem:$0x3FB4]  }
0x3d: {  	_ =	shalt  }
0x3e: {  	_ =	shalt  }
0x3f: {  	_ =	shalt  }
0x40: {  	_ =	shalt  }
0x41: {  	_ =	shalt  }
0x42: {  	_ =	shalt  }
0x43: {  	_ =	shalt  }
0x44: {  	_ =	shalt  }
0x45: {  	_ =	shalt  }
0x46: {  	_ =	shalt  }
0x47: {  	_ =	shalt  }
0x48: {  	_ =	shalt  }
0x49: {  	_ =	shalt  }
0x4a: {  	_ =	shalt  }
0x4b: {  	_ =	shalt  }
0x4c: {  	_ =	shalt  }
0x4d: {  	_ =	shalt  }
0x4e: {  	_ =	shalt  }
0x4f: {  	_ =	shalt  }
0x50: {  	_ =	shalt  }
0x51: {  	_ =	shalt  }
0x52: {  	_ =	shalt  }
0x53: {  	_ =	shalt  }
0x54: {  	_ =	shalt  }
0x55: {  	_ =	shalt  }
0x56: {  	_ =	shalt  }
0x57: {  	_ =	shalt  }
0x58: {  	_ =	shalt  }
0x59: {  	_ =	shalt  }
0x5a: {  	_ =	shalt  }
0x5b: {  	_ =	shalt  }
0x5c: {  	_ =	shalt  }
0x5d: {  	_ =	shalt  }
0x5e: {  	_ =	shalt  }
0x5f: {  	_ =	shalt  }
0x60: {  	_ =	shalt  }
0x61: {  	_ =	shalt  }
0x62: {  	_ =	shalt  }
0x63: {  	_ =	shalt  }
0x64: {  	_ =	shalt  }
0x65: {  	_ =	shalt  }
0x66: {  	_ =	shalt  }
0x67: {  	_ =	shalt  }
0x68: {  	_ =	shalt  }
0x69: {  	_ =	shalt  }
0x6a: {  	_ =	shalt  }
0x6b: {  	_ =	shalt  }
0x6c: {  	_ =	shalt  }
0x6d: {  	_ =	shalt  }
0x6e: {  	_ =	shalt  }
0x6f: {  	_ =	shalt  }
0x70: {  	_ =	shalt  }
0x71: {  	_ =	shalt  }
0x72: {  	_ =	shalt  }
0x73: {  	_ =	shalt  }
0x74: {  	_ =	shalt  }
0x75: {  	_ =	shalt  }
0x76: {  	_ =	shalt  }
0x77: {  	_ =	shalt  }
0x78: {  	_ =	shalt  }
0x79: {  	_ =	shalt  }
0x7a: {  	_ =	shalt  }
0x7b: {  	_ =	shalt  }
0x7c: {  	_ =	shalt  }
0x7d: {  	_ =	shalt  }
0x7e: {  	_ =	shalt  }
0x7f: {  	_ =	shalt  }
0x80: {  	_ =	shalt  }
0x81: {  	_ =	shalt  }
0x82: {  	_ =	shalt  }
0x83: {  	_ =	shalt  }
0x84: {  	_ =	shalt  }
0x85: {  	_ =	shalt  }
0x86: {  	_ =	shalt  }
0x87: {  	_ =	shalt  }
.Lfunc_end0:
.L_simem_size_0:
called_computation.1_lowered:
.L_overlay_start_0:
0x88: {  	s2 =	sld [smem:$0x3FD9]  }
0x89: {  	s3 =	sld [smem:$0x3FFE];
	_ =	sdelay $0x1  }
0x8a: {  	s1 =	srdreg.scid  }
0x8b: {  	s0 =	sand.u32 $0x1, s1  }
0x8c: {  	s14 =	sshll.u32 s0, $0xA;
	s2 =	sadd.s32 s3, s2  }
0x8d: {  	s2 =	sadd.s32 s2, s14  }
0x8e: {  	[smem:$0x3FC0] =	sst s2  }
0x8f: {  	_ = 	snop  }
0x90: {  	s2 =	sld [smem:$0x3FD0];
	_ =	sdelay $0x2  }
0x91: {  	s15 =	simm.s32 $0xA;
	s4 =	simm.s32 $0x10  }
0x92: {  	[smem:s4], [sflag:s15] =	dma.local [hbm:s2], $0x1  }
0x93: {  	_ =	swait.eq [sflag:s15], $0x1  }
0x94: {  	[sflag:s15] =	ssyncset.done $0x0  }
0x95: {  	s16 =	sld [smem:$0x10];
	[sflag:s15] =	ssyncadd.s32 $0xFFFFFFFF  }
0x96: {  	s17 =	sld [smem:$0x11];
	(tm) =	ssettm $0x1  }
0x97: {  	s18 =	sld [smem:$0x3FFB];
	_ =	sdelay $0x3  }
0x98: {  	_ =	strace s18  }
0x99: {  	s4 =	sld [smem:$0x3FFC];
	_ =	sdelay $0x3  }
0x9a: {  	_ =	strace s4  }
0x9b: {  	s4 =	sld [smem:$0x3FFD];
	_ =	sdelay $0x3  }
0x9c: {  	_ =	strace s4  }
0x9d: {  	_ =	strace $0x8FFFFFFF  }
0x9e: {  	s19 =	sld [smem:$0x3FDB];
	_ =	sdelay $0x1  }
0x9f: {  	s5 =	simm.s32 $_scs_section_size  }
0xa0: {  	s6 =	simm.s32 $_size__tile_overlayer_lowered;
	s7 =	simm.s32 $_tile_overlayer_lowered  }
0xa1: {  	s22 =	simm.s32 $0x1BFF;
	s21 =	sshll.u32 s7, $0x1;
	s4 =	sadd.s32 s5, s19  }
0xa2: {  	s8 =	simm.s32 $0x0;
	s20 =	sshll.u32 s6, $0x1;
	s6 =	sadd.s32 s21, s4  }
0xa3: {  	[timem:s8], [sflag:s22] =	dma.local [hbm:s6], s20  }
0xa4: {  	_ =	swait.ge [sflag:s22], s20  }
0xa5: {  	s5 =	ssub.s32 $0x0, s20;
	[sflag:s22] =	ssyncset.done $0x0  }
0xa6: {  	[sflag:s22] =	ssyncadd.s32 s5;
	_ =	sdelay $0x1  }
0xa7: {  	s23 =	simm.s32 $0x1B8B  }
0xa8: {  	_ =	swait.ge [sflag:s23], $0x1  }
0xa9: {  	[sflag:s23] =	ssyncset.done $0x0  }
0xaa: {  	s25 =	simm.s32 $0x1B8E;
	s24 =	sld [smem:$0x3FFE];
	[sflag:s23] =	ssyncadd.s32 $0xFFFFFFFF  }
0xab: {  	s26 =	simm.s32 $execute0_lowered;
	[smem:$0x3FD2] =	sst s25  }
0xac: {  	s6 =	sshll.u32 s26, $0x1;
	_ =	strace $0x80000049;
	[dreg:$0x1] =	wrdreg $0xFFFFFFFF  }
0xad: {  	s28 =	simm.s32 $_size_execute0_lowered;
	s4 =	sadd.s32 s4, s6;
	[dreg:$0x0] =	wrdreg $0x0  }
0xae: {  	s6 =	sshll.u32 s28, $0x1;
	[dreg:$0x2] =	wrdreg s4  }
0xaf: {  	[dreg:$0x3] =	wrdreg s6  }
0xb0: {  	[dreg:$0x4] =	wrdreg $0xC0  }
0xb1: {  	_ =	task [dreg:s8], $0x5FFFF  }
0xb2: {  	[dreg:$0x1] =	wrdreg $0xFFFFFFFF  }
0xb3: {  	[dreg:$0x0] =	wrdreg $0x60  }
0xb4: {  	[dreg:$0x2] =	wrdreg s16  }
0xb5: {  	[dreg:$0x3] =	wrdreg s24  }
0xb6: {  	[dreg:$0x4] =	wrdreg s17  }
0xb7: {  	[dreg:$0x5] =	wrdreg $0x0  }
0xb8: {  	[dreg:$0x6] =	wrdreg $0x9  }
0xb9: {  	_ =	task.clear_ibuf [dreg:s8], $0x7FFFF;
	_ =	strace $0x90000049  }
0xba: {  	s29 =	simm.s32 $0x9;
	_ =	strace $0x8000004B  }
0xbb: {  	_ =	swait.ge [sflag:s29], $0x1  }
0xbc: {  	[sflag:s29] =	ssyncadd.s32 $0xFFFFFFFF  }
0xbd: {  	_ =	strace $0x9000004B  }
0xbe: {  	_ =	sfence  }
0xbf: {  	s30 =	sld [smem:$0x0];
	_ =	sdelay $0x2  }
0xc0: {  	s31 =	sshll.u32 s1, $0xD;
	s1 =	sshrl.u32 s1, $0x2  }
0xc1: {  	s3 =	sand.u32 $0x4000, s31;
	s1 =	sadd.s32 s1, s30  }
0xc2: {  	s0 =	sor.u32 s3, s0;
	s1 =	sshll.u32 s1, $0x11  }
0xc3: {  	s0 =	sor.u32 s1, s0  }
0xc4: {  	s0 =	sadd.s32 $0x8F2B, s0  }
0xc5: {  	[sflag:s0] =	ssyncadd.remote.s32 $0x1  }
0xc6: {  	_ =	sfence.sel $0xFFFF  }
0xc7: {  	[dreg:$0x0] =	wrdreg $0xFFFFFFFF;
	(pc) =	sbr.abs _section_cstart, $3  }
0xc8: {  	[dreg:$0x1] =	wrdreg $0xFFFFFFFF  }
0xc9: {  	_ =	task.clear_ibuf [dreg:s8], $0x2FFFF;
	_ =	strace $0x9FFFFFFF  }
0xca: {  	(tm) =	ssettm $0x7FFFFFFF  }
0xcb: {  	_ =	shalt  }
tec
execute0_lowered:
.L_overlay_start_1:
0x0: {  	(tag) =	ssettag $0x1  }
0x1: {  	s1 =	rddreg [dreg:$0x0]  }
0x2: {  	s0 =	rddreg [dreg:$0x1]  }
0x3: {  	s2 =	rddreg [dreg:$0x2]  }
0x4: {  	s3 =	rddreg [dreg:$0x3];
	s4 =	simm.s32 $0x0  }
0x5: {  	s19 =	stileid.u32;
	s7 =	srdreg.scid;
	s18 =	simm.s32 $0x1  }
0x6: {  	s29 =	simm.s32 $0x17C40;
	s31 =	simm.s32 $0x19C40;
	s20 =	simm.s32 $0x3  }
0x7: {  	s21 =	simm.s32 $0x7;
	s28 =	simm.s32 $0x0;
	s5 =	smul.u32 $0x9C0, s19  }
0x8: {  	[smem:$0x7FF] =	sst s4;
	s6 =	smul.u32 $0x2710, s19;
	s8 =	sand.u32 $0x1, s7  }
0x9: {  	s22 =	smul.u32 $0x27100, s19;
	s9 =	sadd.s32 $0x3D400, s0;
	s25 =	sshll.u32 s19, $0x6  }
0xa: {  	p2 =	seq.s32 s19, $0xF;
	s11 =	sadd.s32 $0xBE00, s0;
	s30 =	sadd.s32 $0x9C00, s2  }
0xb: {  	p4 =	sne.s32 s19, $0xF;
	s19 =	simm.s32 $0x4;
	_ =	strace $0x8000004A  }
0xc: {  	[dreg:$0x5] =	wrdreg s9;
	s10 =	ssub.s32 $0x2, s8;
	p1 =	seq.s32 s8, $0x0  }
0xd: {  	p0 =	seq.s32 s8, $0x1;
	[dreg:$0x9] =	wrdreg s30;
	p3 =	sne.s32 s8, $0x0  }
0xe: {  	s23 =	sadd.s32 s5, s0;
	s12 =	sadd.s32 s6, s0;
	s24 =	sshrl.u32 s10, $0x1  }
0xf: {  	s7 =	sshrl.u32 s22, $0x2;
	p1 =	por !p2, !p1;
	p2 =	por !p2, !p0  }
0x10: {  	s0 =	sadd.s32 $0x16000, s0;
	s22 =	simm.s32 $0x80;
	s13 =	ssub.s32 s10, s24  }
0x11: {  	s6 =	sadd.s32 s7, s3;
	s7 =	sor.u32 $0x1C01, s25;
	s26 =	sadd.s32 $0x2200, s23  }
0x12: {  	s9 =	sadd.s32 $0xC400, s23;
	s10 =	sadd.s32 s2, s5;
	p1 =	por !p1, !p1  }
0x13: {  	p2 =	por !p2, !p2;
	[dreg:$0x8] =	wrdreg s0;
	s14 =	sadd.s32 $0x3E800, s12  }
0x14: {  	s15 =	sadd.s32 $0x3E808, s12;
	s24 =	simm.s32 $0x13C40;
	s0 =	simm.s32 $0x2  }
0x15: {  	s2 =	simm.s32 $0x6;
	s12 =	simm.s32 $0x8;
	[dreg:$0x6] =	wrdreg s26  }
0x16: {  	s23 =	simm.s32 $0x5;
	s25 =	simm.s32 $0x9;
	[dreg:$0x7] =	wrdreg s9  }
0x17: {  	s16 =	smax.u32 s13, $0x1;
	s17 =	sshrl.u32 s6, $0x3;
	s26 =	simm.s32 $0x15C40  }
.LBB2_1:
0x18: {  	s5 =	rddreg [dreg:$0x5]  }
0x19: {  	[spmem:s17], [sflag:s7] =	dma.local [hbm:s5], $0x1388  }
0x1a: {  	_ =	swait.ge [sflag:s18], $0x1388  }
0x1b: {  	s8 =	simm.s32 @!p3 $0x9C40;
	[sflag:s18] =	ssyncset.done $0x0  }
0x1c: {  	s5 =	simm.s32 @!p3 $0x0;
	s9 =	rddreg [dreg:$0x6];
	[sflag:s18] =	ssyncadd.s32 $0xFFFFEC78  }
0x1d: {  	[tilespmem:s8], [sflag:$0x1] =	stream.linear.gather @!p3 [hbm4b:s9+s5], $0x4E00, $0x38;
	[tilespmem:$0x1BC40] =	vst v63  }
0x1e: {  	s5 =	simm.s32 @!p3 $0x1  }
0x1f: {  	_ =	swait.ge @!p3 [sflag:s5], $0x4E00  }
0x20: {  	s8 =	simm.s32 @p0 $0x9C40;
	[sflag:s5] =	ssyncset.done @!p3 $0x0  }
0x21: {  	s9 =	rddreg [dreg:$0x7];
	[sflag:s5] =	ssyncadd.s32 @!p3 $0xFFFFB200;
	s5 =	simm.s32 @p0 $0x0  }
0x22: {  	[tilespmem:s8], [sflag:$0x1] =	stream.linear.gather @p0 [hbm4b:s9+s5], $0x4E00, $0x38;
	[tilespmem:$0x1BC40] =	vst v63  }
0x23: {  	s5 =	simm.s32 @p0 $0x1  }
0x24: {  	_ =	swait.ge @p0 [sflag:s5], $0x4E00  }
0x25: {  	[sflag:s5] =	ssyncset.done @p0 $0x0  }
0x26: {  	s30 =	simm.s32 $0xEC40;
	[sflag:s5] =	ssyncadd.s32 @p0 $0xFFFFB200  }
0x27: {  	[tilespmem:s30], [sflag:$0x1] =	stream.linear.gather [hbm4b:s10+s4], $0x4E00, $0x38;
	[tilespmem:$0x1BC40] =	vst v63  }
0x28: {  	_ =	swait.ge [sflag:s18], $0x4E00  }
0x29: {  	[sflag:s18] =	ssyncset.done $0x0  }
0x2a: {  	s8 =	simm.s32 @p1 $0xEA40;
	s5 =	simm.s32 @p1 $0x0;
	[sflag:s18] =	ssyncadd.s32 $0xFFFFB200  }
0x2b: {  	[tilespmem:s8], [sflag:$0x1] =	stream.linear.gather @p1 [hbm4b:s11+s5], $0x200, $0x38;
	[tilespmem:$0x1BC40] =	vst v63  }
.Ltmp0:
0x2c: {  	_ = 	snop;
	(pc) =	sbr.rel @!p2 .LBB2_3-.Ltmp0, $4  }
0x2d: {  	s5 =	simm.s32 @p1 $0x1  }
0x2e: {  	_ =	swait.ge @p1 [sflag:s5], $0x200  }
0x2f: {  	[sflag:s5] =	ssyncset.done @p1 $0x0  }
0x30: {  	[sflag:s5] =	ssyncadd.s32 @p1 $0xFFFFFE00  }
.Ltmp1:
0x31: {  	s5 =	rddreg [dreg:$0x8];
	s8 =	simm.s32 $0xEA40;
	(pc) =	sbr.rel .LBB2_4-.Ltmp1, $4  }
0x32: {  	[tilespmem:s8], [sflag:$0x1] =	stream.linear.gather [hbm4b:s5+s4], $0x200, $0x38;
	[tilespmem:$0x1BC40] =	vst v63  }
0x33: {  	_ =	swait.ge [sflag:s18], $0x200  }
0x34: {  	[sflag:s18] =	ssyncset.done $0x0  }
0x35: {  	[sflag:s18] =	ssyncadd.s32 $0xFFFFFE00  }
.LBB2_3:
.Ltmp2:
0x36: {  	(pc) =	sbr.rel @p4 .LBB2_5-.Ltmp2, $2  }
0x37: {  	_ =	sdelay $0x2  }
0x38: {  	s30 =	simm.s32 $0x26  }
.LBB2_4:
0x39: {  	s5 =	rddreg [dreg:$0x9];
	s8 =	simm.s32 $0x13A40  }
0x3a: {  	[tilespmem:s8], [sflag:$0x1] =	stream.linear.gather [hbm4b:s5+s4], $0x200, $0x38;
	[tilespmem:$0x1BC40] =	vst v63  }
0x3b: {  	_ =	swait.ge [sflag:s18], $0x200  }
0x3c: {  	[sflag:s18] =	ssyncset.done $0x0  }
0x3d: {  	s30 =	simm.s32 $0x27;
	[sflag:s18] =	ssyncadd.s32 $0xFFFFFE00  }
.LBB2_5:
0x3e: {  	[bflag:$0x0] =	sbarrier.arrive $0xFFFF;
	s5 =	simm.s32 $0x9C40  }
0x3f: {  	[tilespmem:s24], [sflag:$0x2] =	stream.indirect.gather [hbm4b:s1+s22], $0x40, s5, s22, $0xb8;
	[tilespmem:$0x1BC40] =	vst v63  }
0x40: {  	s13 =	simm.s32 $0x9CC0  }
0x41: {  	[tilespmem:s26], [sflag:$0x3] =	stream.indirect.gather [hbm4b:s1+s22], $0x40, s13, s22, $0xb8;
	[tilespmem:$0x1BC40] =	vst v63  }
0x42: {  	s8 =	simm.s32 $0x9D40  }
0x43: {  	[tilespmem:s29], [sflag:$0x4] =	stream.indirect.gather [hbm4b:s1+s22], $0x40, s8, s22, $0xb8;
	[tilespmem:$0x1BC40] =	vst v63  }
0x44: {  	s9 =	simm.s32 $0x9DC0  }
0x45: {  	[tilespmem:s31], [sflag:$0x5] =	stream.indirect.gather [hbm4b:s1+s22], $0x40, s9, s22, $0xb8;
	[tilespmem:$0x1BC40] =	vst v63  }
0x46: {  	_ =	swait.ge [sflag:s0], $0x2000  }
0x47: {  	[sflag:s0] =	ssyncset.done $0x0  }
0x48: {  	s13 =	simm.s32 $0xEC40;
	[sflag:s0] =	ssyncadd.s32 $0xFFFFE000  }
0x49: {  	[spmem:s3] =	stream.indirect.scatter.add.f32 [tilespmem:s24], [sflag:$0x6], $0x40, s13, s22, $0xb8;
	[tilespmem:$0x1BC40] =	vst v63  }
0x4a: {  	_ =	swait.ge [sflag:s2], $0x2000  }
0x4b: {  	[sflag:s2] =	ssyncset.done $0x0  }
0x4c: {  	s8 =	simm.s32 $0x9E40;
	[sflag:s2] =	ssyncadd.s32 $0xFFFFE000  }
0x4d: {  	[tilespmem:s24], [sflag:$0x2] =	stream.indirect.gather [hbm4b:s1+s22], $0x40, s8, s22, $0xb8;
	[tilespmem:$0x1BC40] =	vst v63  }
0x4e: {  	_ =	swait.ge [sflag:s20], $0x2000  }
0x4f: {  	[sflag:s20] =	ssyncset.done $0x0  }
0x50: {  	s9 =	simm.s32 $0xECC0;
	[sflag:s20] =	ssyncadd.s32 $0xFFFFE000  }
0x51: {  	[spmem:s3] =	stream.indirect.scatter.add.f32 [tilespmem:s26], [sflag:$0x7], $0x40, s9, s22, $0xb8;
	[tilespmem:$0x1BC40] =	vst v63  }
0x52: {  	_ =	swait.ge [sflag:s21], $0x2000  }
0x53: {  	[sflag:s21] =	ssyncset.done $0x0  }
0x54: {  	s13 =	simm.s32 $0x9EC0;
	[sflag:s21] =	ssyncadd.s32 $0xFFFFE000  }
0x55: {  	[tilespmem:s26], [sflag:$0x3] =	stream.indirect.gather [hbm4b:s1+s22], $0x40, s13, s22, $0xb8;
	[tilespmem:$0x1BC40] =	vst v63  }
0x56: {  	_ =	swait.ge [sflag:s19], $0x2000  }
0x57: {  	[sflag:s19] =	ssyncset.done $0x0  }
0x58: {  	s8 =	simm.s32 $0xED40;
	[sflag:s19] =	ssyncadd.s32 $0xFFFFE000  }
0x59: {  	[spmem:s3] =	stream.indirect.scatter.add.f32 [tilespmem:s29], [sflag:$0x8], $0x40, s8, s22, $0xb8;
	[tilespmem:$0x1BC40] =	vst v63  }
0x5a: {  	_ =	swait.ge [sflag:s12], $0x2000  }
0x5b: {  	[sflag:s12] =	ssyncset.done $0x0  }
0x5c: {  	s9 =	simm.s32 $0x9F40;
	[sflag:s12] =	ssyncadd.s32 $0xFFFFE000  }
0x5d: {  	[tilespmem:s29], [sflag:$0x4] =	stream.indirect.gather [hbm4b:s1+s22], $0x40, s9, s22, $0xb8;
	[tilespmem:$0x1BC40] =	vst v63  }
0x5e: {  	_ =	swait.ge [sflag:s23], $0x2000  }
0x5f: {  	[sflag:s23] =	ssyncset.done $0x0  }
0x60: {  	s13 =	simm.s32 $0xEDC0;
	[sflag:s23] =	ssyncadd.s32 $0xFFFFE000  }
0x61: {  	[spmem:s3] =	stream.indirect.scatter.add.f32 [tilespmem:s31], [sflag:$0x9], $0x40, s13, s22, $0xb8;
	[tilespmem:$0x1BC40] =	vst v63  }
0x62: {  	s13 =	sshll.u32 s30, $0xB  }
0x63: {  	p5 =	sne.s32 s13, $0x800  }
.Ltmp3:
0x64: {  	_ = 	snop;
	(pc) =	sbr.rel @!p5 .LBB2_7-.Ltmp3, $4  }
0x65: {  	_ = 	snop  }
0x66: {  	_ =	swait.ge [sflag:s25], $0x2000  }
0x67: {  	[sflag:s25] =	ssyncset.done $0x0  }
0x68: {  	s5 =	simm.s32 $0x800;
	s8 =	simm.s32 $0x9FC0;
	[sflag:s25] =	ssyncadd.s32 $0xFFFFE000  }
.LBB2_6:
0x69: {  	[tilespmem:s31], [sflag:$0x5] =	stream.indirect.gather [hbm4b:s1+s22], $0x40, s8, s22, $0xb8;
	[tilespmem:$0x1BC40] =	vst v63  }
0x6a: {  	s8 =	smov.u32 s5;
	s5 =	sadd.s32 $0x800, s5;
	_ =	swait.ge [sflag:s0], $0x2000  }
0x6b: {  	s8 =	sshra.s32 s8, $0x2;
	p5 =	sne.s32 s13, s5;
	[sflag:s0] =	ssyncset.done $0x0  }
0x6c: {  	s9 =	sadd.s32 $0xEC40, s8;
	[sflag:s0] =	ssyncadd.s32 $0xFFFFE000  }
0x6d: {  	[spmem:s3] =	stream.indirect.scatter.add.f32 [tilespmem:s24], [sflag:$0x6], $0x40, s9, s22, $0xb8;
	[tilespmem:$0x1BC40] =	vst v63  }
0x6e: {  	_ =	swait.ge [sflag:s2], $0x2000  }
0x6f: {  	[sflag:s2] =	ssyncset.done $0x0  }
0x70: {  	s9 =	sadd.s32 $0x9E40, s8;
	[sflag:s2] =	ssyncadd.s32 $0xFFFFE000  }
0x71: {  	[tilespmem:s24], [sflag:$0x2] =	stream.indirect.gather [hbm4b:s1+s22], $0x40, s9, s22, $0xb8;
	[tilespmem:$0x1BC40] =	vst v63  }
0x72: {  	_ =	swait.ge [sflag:s20], $0x2000  }
0x73: {  	[sflag:s20] =	ssyncset.done $0x0  }
0x74: {  	s9 =	sadd.s32 $0xECC0, s8;
	[sflag:s20] =	ssyncadd.s32 $0xFFFFE000  }
0x75: {  	[spmem:s3] =	stream.indirect.scatter.add.f32 [tilespmem:s26], [sflag:$0x7], $0x40, s9, s22, $0xb8;
	[tilespmem:$0x1BC40] =	vst v63  }
0x76: {  	_ =	swait.ge [sflag:s21], $0x2000  }
0x77: {  	[sflag:s21] =	ssyncset.done $0x0  }
0x78: {  	s9 =	sadd.s32 $0x9EC0, s8;
	[sflag:s21] =	ssyncadd.s32 $0xFFFFE000  }
0x79: {  	[tilespmem:s26], [sflag:$0x3] =	stream.indirect.gather [hbm4b:s1+s22], $0x40, s9, s22, $0xb8;
	[tilespmem:$0x1BC40] =	vst v63  }
0x7a: {  	_ =	swait.ge [sflag:s19], $0x2000  }
0x7b: {  	[sflag:s19] =	ssyncset.done $0x0  }
0x7c: {  	s9 =	sadd.s32 $0xED40, s8;
	[sflag:s19] =	ssyncadd.s32 $0xFFFFE000  }
0x7d: {  	[spmem:s3] =	stream.indirect.scatter.add.f32 [tilespmem:s29], [sflag:$0x8], $0x40, s9, s22, $0xb8;
	[tilespmem:$0x1BC40] =	vst v63  }
0x7e: {  	_ =	swait.ge [sflag:s12], $0x2000  }
0x7f: {  	[sflag:s12] =	ssyncset.done $0x0  }
0x80: {  	s9 =	sadd.s32 $0x9F40, s8;
	[sflag:s12] =	ssyncadd.s32 $0xFFFFE000  }
0x81: {  	[tilespmem:s29], [sflag:$0x4] =	stream.indirect.gather [hbm4b:s1+s22], $0x40, s9, s22, $0xb8;
	[tilespmem:$0x1BC40] =	vst v63  }
0x82: {  	_ =	swait.ge [sflag:s23], $0x2000  }
0x83: {  	[sflag:s23] =	ssyncset.done $0x0  }
.Ltmp4:
0x84: {  	s9 =	sadd.s32 $0xEDC0, s8;
	[sflag:s23] =	ssyncadd.s32 $0xFFFFE000;
	(pc) =	sbr.rel @p5 .LBB2_6-.Ltmp4, $4  }
0x85: {  	[spmem:s3] =	stream.indirect.scatter.add.f32 [tilespmem:s31], [sflag:$0x9], $0x40, s9, s22, $0xb8;
	[tilespmem:$0x1BC40] =	vst v63  }
0x86: {  	_ =	swait.ge [sflag:s25], $0x2000  }
0x87: {  	[sflag:s25] =	ssyncset.done $0x0  }
0x88: {  	s8 =	sadd.s32 $0x9FC0, s8;
	[sflag:s25] =	ssyncadd.s32 $0xFFFFE000  }
.LBB2_7:
0x89: {  	[tilespmem:s31], [sflag:$0x5] =	stream.indirect.gather [hbm4b:s1+s22], $0x40, s8, s22, $0xb8;
	[tilespmem:$0x1BC40] =	vst v63  }
0x8a: {  	_ =	swait.ge [sflag:s0], $0x2000  }
0x8b: {  	s5 =	sshll.u32 s30, $0x9;
	[sflag:s0] =	ssyncset.done $0x0  }
0x8c: {  	s9 =	sadd.s32 $0xEC40, s5;
	[sflag:s0] =	ssyncadd.s32 $0xFFFFE000  }
0x8d: {  	[spmem:s3] =	stream.indirect.scatter.add.f32 [tilespmem:s24], [sflag:$0x6], $0x40, s9, s22, $0xb8;
	[tilespmem:$0x1BC40] =	vst v63  }
0x8e: {  	_ =	swait.ge [sflag:s2], $0x2000  }
0x8f: {  	[sflag:s2] =	ssyncset.done $0x0  }
0x90: {  	[sflag:s2] =	ssyncadd.s32 $0xFFFFE000  }
0x91: {  	_ =	swait.ge [sflag:s20], $0x2000  }
0x92: {  	[sflag:s20] =	ssyncset.done $0x0  }
0x93: {  	s13 =	sadd.s32 $0xECC0, s5;
	[sflag:s20] =	ssyncadd.s32 $0xFFFFE000  }
0x94: {  	[spmem:s3] =	stream.indirect.scatter.add.f32 [tilespmem:s26], [sflag:$0x7], $0x40, s13, s22, $0xb8;
	[tilespmem:$0x1BC40] =	vst v63  }
0x95: {  	_ =	swait.ge [sflag:s21], $0x2000  }
0x96: {  	[sflag:s21] =	ssyncset.done $0x0  }
0x97: {  	[sflag:s21] =	ssyncadd.s32 $0xFFFFE000  }
0x98: {  	_ =	swait.ge [sflag:s19], $0x2000  }
0x99: {  	[sflag:s19] =	ssyncset.done $0x0  }
0x9a: {  	s30 =	sadd.s32 $0xED40, s5;
	[sflag:s19] =	ssyncadd.s32 $0xFFFFE000  }
0x9b: {  	[spmem:s3] =	stream.indirect.scatter.add.f32 [tilespmem:s29], [sflag:$0x8], $0x40, s30, s22, $0xb8;
	[tilespmem:$0x1BC40] =	vst v63  }
0x9c: {  	_ =	swait.ge [sflag:s12], $0x2000  }
0x9d: {  	[sflag:s12] =	ssyncset.done $0x0  }
0x9e: {  	[sflag:s12] =	ssyncadd.s32 $0xFFFFE000  }
0x9f: {  	_ =	swait.ge [sflag:s23], $0x2000  }
0xa0: {  	[sflag:s23] =	ssyncset.done $0x0  }
0xa1: {  	s5 =	sadd.s32 $0xEDC0, s5;
	[sflag:s23] =	ssyncadd.s32 $0xFFFFE000  }
0xa2: {  	[spmem:s3] =	stream.indirect.scatter.add.f32 [tilespmem:s31], [sflag:$0x9], $0x40, s5, s22, $0xb8;
	[tilespmem:$0x1BC40] =	vst v63  }
0xa3: {  	_ =	swait.ge [sflag:s25], $0x2000  }
0xa4: {  	s8 =	simm.s32 @!p3 $0x1;
	[sflag:s25] =	ssyncset.done $0x0  }
0xa5: {  	s28 =	sadd.s32 $0x1, s28;
	s9 =	simm.s32 @!p3 $0x10;
	[sflag:s25] =	ssyncadd.s32 $0xFFFFE000  }
0xa6: {  	s13 =	simm.s32 @!p3 $0x8;
	s5 =	sshrl.u32 @!p3 s6, $0x3;
	[bflag:$0x0] =	sbarrier.arrive $0xFFFF  }
0xa7: {  	[hbm:s14@s9], [sflag:s7] =	dma.strided @!p3 [spmem:s5@s13], $0x1388, s8, $0x8   }
0xa8: {  	p5 =	sne.s32 s28, s16;
	s5 =	sshrl.u32 @p0 s6, $0x3;
	_ =	swait.ge @!p3 [sflag:s8], $0x1388  }
0xa9: {  	s9 =	simm.s32 @p0 $0x10;
	s13 =	simm.s32 @p0 $0x8;
	[sflag:s8] =	ssyncset.done @!p3 $0x0  }
.Ltmp5:
0xaa: {  	[sflag:s8] =	ssyncadd.s32 @!p3 $0xFFFFEC78;
	s8 =	simm.s32 @p0 $0x1;
	(pc) =	sbr.rel @p5 .LBB2_1-.Ltmp5, $4  }
0xab: {  	[hbm:s15@s9], [sflag:s7] =	dma.strided @p0 [spmem:s5@s13], $0x1388, s8, $0x8   }
0xac: {  	_ =	swait.ge @p0 [sflag:s8], $0x1388  }
0xad: {  	[sflag:s8] =	ssyncset.done @p0 $0x0  }
0xae: {  	[sflag:s8] =	ssyncadd.s32 @p0 $0xFFFFEC78  }
0xaf: {  	_ =	sfence.sel $0x180000  }
0xb0: {  	[bflag:$0x0] =	sbarrier.arrive $0xFFFF  }
0xb1: {  	_ =	strace $0x9000004A  }
0xb2: {  	s0 =	stileid.u32;
	[bflag:$0x2] =	sbarrier.arrive $0xFFFF  }
0xb3: {  	p0 =	sne.s32 s0, $0x0;
	s0 =	rddreg [dreg:$0x4]  }
0xb4: {  	s0 =	sadd.s32 @!p0 $0x100000, s0  }
0xb5: {  	[sflag:s0] =	ssyncadd.tile.s32 @!p0 $0x1;
	_ =	shalt  }
.Lfunc_end2:
_tile_overlayer_lowered:
.L_overlay_start_2:
0xb6: {  	(tag) =	ssettag $0x2  }
0xb7: {  	s0 =	rddreg [dreg:$0x0];
	s2 =	stileid.u32  }
0xb8: {  	s1 =	rddreg [dreg:$0x1];
	p0 =	sne.s32 s2, $0x0  }
0xb9: {  	s3 =	rddreg [dreg:$0x2];
	[bflag:$0x3] =	sbarrier.arrive $0xFFFF;
	s2 =	simm.s32 @!p0 $0x1C0A  }
0xba: {  	[timem:s3], [sflag:s2] =	dma.local @!p0 [hbm:s0], s1  }
0xbb: {  	s0 =	simm.s32 @!p0 $0xA  }
0xbc: {  	_ =	swait.ge @!p0 [sflag:s0], s1  }
0xbd: {  	s1 =	ssub.s32 @!p0 $0x0, s1;
	[sflag:s0] =	ssyncset.done @!p0 $0x0  }
0xbe: {  	[sflag:s0] =	ssyncadd.s32 @!p0 s1  }
0xbf: {  	[bflag:$0x3] =	sbarrier.arrive $0xFFFF  }
0xc0: {  	_ =	shalt  }

// kernel: kernel.15.cloned.1.call-start
scs
__scs_entry_jumppad:
0x0: {  	(pc) =	sbr.rel $0x88, $3  }
0x1: {  	(tag) =	ssettag $0x0;
	lr =	simm.s32 $0x1  }
0x2: {  	[smem:$0x3F99] =	sst lr;
	_ =	strace $0xD0000000  }
0x3: {  	_ = 	snop  }
0x4: {  	_ = 	snop  }
0x5: {  	_ = 	snop  }
0x6: {  	_ = 	snop  }
0x7: {  	_ = 	snop  }
__scs_overlays_trampoline_lowered:
0x8: {  	[smem:$0x3FA8] =	sst s0  }
0x9: {  	[smem:$0x3FA9] =	sst s1  }
0xa: {  	[smem:$0x3FAA] =	sst s2  }
0xb: {  	[smem:$0x3FAB] =	sst s3  }
0xc: {  	[smem:$0x3FAC] =	sst s4  }
0xd: {  	[smem:$0x3FAD] =	sst s5  }
0xe: {  	[smem:$0x3FAE] =	sst s6  }
0xf: {  	[smem:$0x3FAF] =	sst s7  }
0x10: {  	[smem:$0x3FB0] =	sst s8  }
0x11: {  	[smem:$0x3FB1] =	sst s9;
	s0 =	simm.s32 @!p0 $0x0  }
0x12: {  	s1 =	sld [smem:$0x3F97];
	s0 =	simm.s32 @p0 $0x1  }
0x13: {  	[smem:$0x3FB2] =	sst s0;
	s0 =	simm.s32 @!p1 $0x0  }
0x14: {  	s2 =	sld [smem:$0x3F96];
	s0 =	simm.s32 @p1 $0x1  }
0x15: {  	[smem:$0x3FB3] =	sst s0;
	s0 =	simm.s32 @!p2 $0x0  }
0x16: {  	s3 =	sld [smem:$0x3FDB];
	s0 =	simm.s32 @p2 $0x1  }
0x17: {  	s4 =	simm.s32 $0x1BF5;
	[smem:$0x3FB5] =	sst s0  }
0x18: {  	s0 =	sld [smem:$0x3F98];
	_ =	swait.ge [sflag:s4], $0x0  }
0x19: {  	s7 =	sld [smem:$0x3F99]  }
0x1a: {  	s8 =	sadd.s32 $0xFFFFE003, lr  }
0x1b: {  	s9 =	sadd.s32 $0xFFFFFEF7, lr;
	s5 =	simm.s32 $0xFFFFFFFF;
	p2 =	slt.u32 s8, $0xFFFFF086  }
0x1c: {  	p1 =	slt.u32 s9, $0xF7A;
	s5 =	simm.s32 @!p2 $0x0  }
0x1d: {  	s5 =	simm.s32 @p1 $0x1;
	p0 =	seq.s32 s7, s2  }
0x1e: {  	s7 =	smul.u32 @!p0 $0xF7A, s2;
	p2 =	seq.s32 @!p0 s5, $0x0  }
0x1f: {  	s9 =	smul.u32 $0xF7A, s1;
	s8 =	simm.s32 @!p0 $0x1BF5;
	p2 =	por !p2, p0  }
0x20: {  	[sflag:s8] =	ssyncset.s32 @!p0 $0xFFFFF086;
	s6 =	sadd.s32 @!p0 s3, s7;
	s7 =	simm.s32 @!p0 $0x108  }
0x21: {  	s3 =	sadd.s32 s3, s9;
	s6 =	sadd.s32 @!p0 $0x88, s6;
	s7 =	simm.s32 @p2 $0x1082  }
0x22: {  	[simem:s7], [sflag:s8] =	dma.local @!p0 [hbm:s6], $0xF7A  }
0x23: {  	s9 =	sor.u32 $0xD0000000, s2;
	s6 =	simm.s32 $0x108;
	_ =	swait.ge @!p0 [sflag:s8], $0x0  }
0x24: {  	s3 =	sadd.s32 $0x88, s3;
	s6 =	simm.s32 @!p1 $0x1082;
	[sflag:s4] =	ssyncset.s32 $0xFFFFF086  }
0x25: {  	[simem:s6], [sflag:s4] =	dma.local [hbm:s3], $0xF7A  }
0x26: {  	[smem:$0x3F99] =	sst s1;
	(tag) =	ssettag s2;
	_ =	strace s9  }
0x27: {  	s1 =	sld [smem:$0x3FA9]  }
0x28: {  	s2 =	sld [smem:$0x3FAA]  }
0x29: {  	s4 =	sld [smem:$0x3FAC]  }
0x2a: {  	p0 =	seq.s32 s5, $0x0;
	s5 =	sld [smem:$0x3FAD]  }
0x2b: {  	s6 =	sld [smem:$0x3FAE]  }
0x2c: {  	s7 =	sld [smem:$0x3FAF]  }
0x2d: {  	s3 =	simm.s32 $0x108;
	s8 =	sld [smem:$0x3FB0]  }
0x2e: {  	s3 =	simm.s32 @!p0 $0x1082;
	s9 =	sld [smem:$0x3FB1]  }
0x2f: {  	lr =	sadd.s32 s0, s3;
	s0 =	sld [smem:$0x3FA8]  }
0x30: {  	s3 =	sld [smem:$0x3FAB]  }
0x31: {  	[smem:$0x3FB4] =	sst s10  }
0x32: {  	s10 =	sld [smem:$0x3FB2];
	_ =	sdelay $0x3  }
0x33: {  	p0 =	seq.s32 s10, $0x1;
	s10 =	sld [smem:$0x3FB4];
	_ =	sdelay $0x3  }
0x34: {  	[smem:$0x3FB4] =	sst s10  }
0x35: {  	s10 =	sld [smem:$0x3FB3];
	_ =	sdelay $0x3  }
0x36: {  	p1 =	seq.s32 s10, $0x1;
	s10 =	sld [smem:$0x3FB4];
	_ =	sdelay $0x3  }
0x37: {  	[smem:$0x3FB4] =	sst s10  }
0x38: {  	s10 =	sld [smem:$0x3FB5]  }
0x39: {  	_ = 	snop;
	(pc) =	sbr.ind lr, $3  }
0x3a: {  	_ = 	snop  }
0x3b: {  	_ = 	snop  }
0x3c: {  	p2 =	seq.s32 s10, $0x1;
	s10 =	sld [smem:$0x3FB4]  }
0x3d: {  	_ =	shalt  }
0x3e: {  	_ =	shalt  }
0x3f: {  	_ =	shalt  }
0x40: {  	_ =	shalt  }
0x41: {  	_ =	shalt  }
0x42: {  	_ =	shalt  }
0x43: {  	_ =	shalt  }
0x44: {  	_ =	shalt  }
0x45: {  	_ =	shalt  }
0x46: {  	_ =	shalt  }
0x47: {  	_ =	shalt  }
0x48: {  	_ =	shalt  }
0x49: {  	_ =	shalt  }
0x4a: {  	_ =	shalt  }
0x4b: {  	_ =	shalt  }
0x4c: {  	_ =	shalt  }
0x4d: {  	_ =	shalt  }
0x4e: {  	_ =	shalt  }
0x4f: {  	_ =	shalt  }
0x50: {  	_ =	shalt  }
0x51: {  	_ =	shalt  }
0x52: {  	_ =	shalt  }
0x53: {  	_ =	shalt  }
0x54: {  	_ =	shalt  }
0x55: {  	_ =	shalt  }
0x56: {  	_ =	shalt  }
0x57: {  	_ =	shalt  }
0x58: {  	_ =	shalt  }
0x59: {  	_ =	shalt  }
0x5a: {  	_ =	shalt  }
0x5b: {  	_ =	shalt  }
0x5c: {  	_ =	shalt  }
0x5d: {  	_ =	shalt  }
0x5e: {  	_ =	shalt  }
0x5f: {  	_ =	shalt  }
0x60: {  	_ =	shalt  }
0x61: {  	_ =	shalt  }
0x62: {  	_ =	shalt  }
0x63: {  	_ =	shalt  }
0x64: {  	_ =	shalt  }
0x65: {  	_ =	shalt  }
0x66: {  	_ =	shalt  }
0x67: {  	_ =	shalt  }
0x68: {  	_ =	shalt  }
0x69: {  	_ =	shalt  }
0x6a: {  	_ =	shalt  }
0x6b: {  	_ =	shalt  }
0x6c: {  	_ =	shalt  }
0x6d: {  	_ =	shalt  }
0x6e: {  	_ =	shalt  }
0x6f: {  	_ =	shalt  }
0x70: {  	_ =	shalt  }
0x71: {  	_ =	shalt  }
0x72: {  	_ =	shalt  }
0x73: {  	_ =	shalt  }
0x74: {  	_ =	shalt  }
0x75: {  	_ =	shalt  }
0x76: {  	_ =	shalt  }
0x77: {  	_ =	shalt  }
0x78: {  	_ =	shalt  }
0x79: {  	_ =	shalt  }
0x7a: {  	_ =	shalt  }
0x7b: {  	_ =	shalt  }
0x7c: {  	_ =	shalt  }
0x7d: {  	_ =	shalt  }
0x7e: {  	_ =	shalt  }
0x7f: {  	_ =	shalt  }
0x80: {  	_ =	shalt  }
0x81: {  	_ =	shalt  }
0x82: {  	_ =	shalt  }
0x83: {  	_ =	shalt  }
0x84: {  	_ =	shalt  }
0x85: {  	_ =	shalt  }
0x86: {  	_ =	shalt  }
0x87: {  	_ =	shalt  }
.Lfunc_end0:
.L_simem_size_0:
called_computation.2_lowered:
.L_overlay_start_0:
0x88: {  	s2 =	sld [smem:$0x3FD9]  }
0x89: {  	s3 =	sld [smem:$0x3FFE];
	_ =	sdelay $0x1  }
0x8a: {  	s1 =	srdreg.scid  }
0x8b: {  	s0 =	sand.u32 $0x1, s1  }
0x8c: {  	s14 =	sshll.u32 s0, $0xA;
	s2 =	sadd.s32 s3, s2  }
0x8d: {  	s2 =	sadd.s32 s2, s14  }
0x8e: {  	[smem:$0x3FC0] =	sst s2  }
0x8f: {  	_ = 	snop  }
0x90: {  	s2 =	sld [smem:$0x3FD0];
	_ =	sdelay $0x2  }
0x91: {  	s15 =	simm.s32 $0xA;
	s4 =	simm.s32 $0x10  }
0x92: {  	[smem:s4], [sflag:s15] =	dma.local [hbm:s2], $0x1  }
0x93: {  	_ =	swait.eq [sflag:s15], $0x1  }
0x94: {  	[sflag:s15] =	ssyncset.done $0x0  }
0x95: {  	s16 =	sld [smem:$0x10];
	[sflag:s15] =	ssyncadd.s32 $0xFFFFFFFF  }
0x96: {  	s17 =	sld [smem:$0x11];
	(tm) =	ssettm $0x1  }
0x97: {  	s18 =	sld [smem:$0x3FFB];
	_ =	sdelay $0x3  }
0x98: {  	_ =	strace s18  }
0x99: {  	s4 =	sld [smem:$0x3FFC];
	_ =	sdelay $0x3  }
0x9a: {  	_ =	strace s4  }
0x9b: {  	s4 =	sld [smem:$0x3FFD];
	_ =	sdelay $0x3  }
0x9c: {  	_ =	strace s4  }
0x9d: {  	_ =	strace $0x8FFFFFFF  }
0x9e: {  	s19 =	sld [smem:$0x3FDB];
	_ =	sdelay $0x1  }
0x9f: {  	s5 =	simm.s32 $_scs_section_size  }
0xa0: {  	s6 =	simm.s32 $_size__tile_overlayer_lowered;
	s7 =	simm.s32 $_tile_overlayer_lowered  }
0xa1: {  	s22 =	simm.s32 $0x1BFF;
	s21 =	sshll.u32 s7, $0x1;
	s4 =	sadd.s32 s5, s19  }
0xa2: {  	s8 =	simm.s32 $0x0;
	s20 =	sshll.u32 s6, $0x1;
	s6 =	sadd.s32 s21, s4  }
0xa3: {  	[timem:s8], [sflag:s22] =	dma.local [hbm:s6], s20  }
0xa4: {  	_ =	swait.ge [sflag:s22], s20  }
0xa5: {  	s5 =	ssub.s32 $0x0, s20;
	[sflag:s22] =	ssyncset.done $0x0  }
0xa6: {  	[sflag:s22] =	ssyncadd.s32 s5;
	_ =	sdelay $0x1  }
0xa7: {  	s23 =	simm.s32 $0x1B8B  }
0xa8: {  	_ =	swait.ge [sflag:s23], $0x1  }
0xa9: {  	[sflag:s23] =	ssyncset.done $0x0  }
0xaa: {  	s25 =	simm.s32 $0x1B8E;
	s24 =	sld [smem:$0x3FFE];
	[sflag:s23] =	ssyncadd.s32 $0xFFFFFFFF  }
0xab: {  	s26 =	simm.s32 $execute0_lowered;
	[smem:$0x3FD2] =	sst s25  }
0xac: {  	s6 =	sshll.u32 s26, $0x1;
	_ =	strace $0x8000004C;
	[dreg:$0x1] =	wrdreg $0xFFFFFFFF  }
0xad: {  	s28 =	simm.s32 $_size_execute0_lowered;
	s4 =	sadd.s32 s4, s6;
	[dreg:$0x0] =	wrdreg $0x0  }
0xae: {  	s6 =	sshll.u32 s28, $0x1;
	[dreg:$0x2] =	wrdreg s4  }
0xaf: {  	[dreg:$0x3] =	wrdreg s6  }
0xb0: {  	[dreg:$0x4] =	wrdreg $0xC0  }
0xb1: {  	_ =	task [dreg:s8], $0x5FFFF  }
0xb2: {  	[dreg:$0x1] =	wrdreg $0xFFFFFFFF  }
0xb3: {  	[dreg:$0x0] =	wrdreg $0x60  }
0xb4: {  	[dreg:$0x2] =	wrdreg s16  }
0xb5: {  	[dreg:$0x3] =	wrdreg s24  }
0xb6: {  	[dreg:$0x4] =	wrdreg s17  }
0xb7: {  	[dreg:$0x5] =	wrdreg $0x0  }
0xb8: {  	[dreg:$0x6] =	wrdreg $0x9  }
0xb9: {  	_ =	task.clear_ibuf [dreg:s8], $0x7FFFF;
	_ =	strace $0x9000004C  }
0xba: {  	s29 =	simm.s32 $0x9;
	_ =	strace $0x8000004E  }
0xbb: {  	_ =	swait.ge [sflag:s29], $0x1  }
0xbc: {  	[sflag:s29] =	ssyncadd.s32 $0xFFFFFFFF  }
0xbd: {  	_ =	strace $0x9000004E  }
0xbe: {  	_ =	sfence  }
0xbf: {  	s30 =	sld [smem:$0x0];
	_ =	sdelay $0x2  }
0xc0: {  	s31 =	sshll.u32 s1, $0xD;
	s1 =	sshrl.u32 s1, $0x2  }
0xc1: {  	s3 =	sand.u32 $0x4000, s31;
	s1 =	sadd.s32 s1, s30  }
0xc2: {  	s0 =	sor.u32 s3, s0;
	s1 =	sshll.u32 s1, $0x11  }
0xc3: {  	s0 =	sor.u32 s1, s0  }
0xc4: {  	s0 =	sadd.s32 $0x8F2B, s0  }
0xc5: {  	[sflag:s0] =	ssyncadd.remote.s32 $0x1  }
0xc6: {  	_ =	sfence.sel $0xFFFF  }
0xc7: {  	[dreg:$0x0] =	wrdreg $0xFFFFFFFF;
	(pc) =	sbr.abs _section_cstart, $3  }
0xc8: {  	[dreg:$0x1] =	wrdreg $0xFFFFFFFF  }
0xc9: {  	_ =	task.clear_ibuf [dreg:s8], $0x2FFFF;
	_ =	strace $0x9FFFFFFF  }
0xca: {  	(tm) =	ssettm $0x7FFFFFFF  }
0xcb: {  	_ =	shalt  }
tec
execute0_lowered:
.L_overlay_start_1:
0x0: {  	(tag) =	ssettag $0x1  }
0x1: {  	s1 =	rddreg [dreg:$0x0]  }
0x2: {  	s0 =	rddreg [dreg:$0x1]  }
0x3: {  	s2 =	rddreg [dreg:$0x2]  }
0x4: {  	s3 =	rddreg [dreg:$0x3];
	s4 =	simm.s32 $0x0  }
0x5: {  	s19 =	stileid.u32;
	s7 =	srdreg.scid;
	s18 =	simm.s32 $0x1  }
0x6: {  	s29 =	simm.s32 $0x17C40;
	s31 =	simm.s32 $0x19C40;
	s20 =	simm.s32 $0x3  }
0x7: {  	s21 =	simm.s32 $0x7;
	s28 =	simm.s32 $0x0;
	s5 =	smul.u32 $0x9C0, s19  }
0x8: {  	[smem:$0x7FF] =	sst s4;
	s6 =	smul.u32 $0x2710, s19;
	s8 =	sand.u32 $0x1, s7  }
0x9: {  	s22 =	smul.u32 $0x27100, s19;
	s9 =	sadd.s32 $0x3D400, s0;
	s25 =	sshll.u32 s19, $0x6  }
0xa: {  	p2 =	seq.s32 s19, $0xF;
	s11 =	sadd.s32 $0xBE00, s0;
	s30 =	sadd.s32 $0x9C00, s2  }
0xb: {  	p4 =	sne.s32 s19, $0xF;
	s19 =	simm.s32 $0x4;
	_ =	strace $0x8000004D  }
0xc: {  	[dreg:$0x5] =	wrdreg s9;
	s10 =	ssub.s32 $0x2, s8;
	p1 =	seq.s32 s8, $0x0  }
0xd: {  	p0 =	seq.s32 s8, $0x1;
	[dreg:$0x9] =	wrdreg s30;
	p3 =	sne.s32 s8, $0x0  }
0xe: {  	s23 =	sadd.s32 s5, s0;
	s12 =	sadd.s32 s6, s0;
	s24 =	sshrl.u32 s10, $0x1  }
0xf: {  	s7 =	sshrl.u32 s22, $0x2;
	p1 =	por !p2, !p1;
	p2 =	por !p2, !p0  }
0x10: {  	s0 =	sadd.s32 $0x16000, s0;
	s22 =	simm.s32 $0x80;
	s13 =	ssub.s32 s10, s24  }
0x11: {  	s6 =	sadd.s32 s7, s3;
	s7 =	sor.u32 $0x1C01, s25;
	s26 =	sadd.s32 $0x2200, s23  }
0x12: {  	s9 =	sadd.s32 $0xC400, s23;
	s10 =	sadd.s32 s2, s5;
	p1 =	por !p1, !p1  }
0x13: {  	p2 =	por !p2, !p2;
	[dreg:$0x8] =	wrdreg s0;
	s14 =	sadd.s32 $0x3E800, s12  }
0x14: {  	s15 =	sadd.s32 $0x3E808, s12;
	s24 =	simm.s32 $0x13C40;
	s0 =	simm.s32 $0x2  }
0x15: {  	s2 =	simm.s32 $0x6;
	s12 =	simm.s32 $0x8;
	[dreg:$0x6] =	wrdreg s26  }
0x16: {  	s23 =	simm.s32 $0x5;
	s25 =	simm.s32 $0x9;
	[dreg:$0x7] =	wrdreg s9  }
0x17: {  	s16 =	smax.u32 s13, $0x1;
	s17 =	sshrl.u32 s6, $0x3;
	s26 =	simm.s32 $0x15C40  }
.LBB2_1:
0x18: {  	s5 =	rddreg [dreg:$0x5]  }
0x19: {  	[spmem:s17], [sflag:s7] =	dma.local [hbm:s5], $0x1388  }
0x1a: {  	_ =	swait.ge [sflag:s18], $0x1388  }
0x1b: {  	s8 =	simm.s32 @!p3 $0x9C40;
	[sflag:s18] =	ssyncset.done $0x0  }
0x1c: {  	s5 =	simm.s32 @!p3 $0x0;
	s9 =	rddreg [dreg:$0x6];
	[sflag:s18] =	ssyncadd.s32 $0xFFFFEC78  }
0x1d: {  	[tilespmem:s8], [sflag:$0x1] =	stream.linear.gather @!p3 [hbm4b:s9+s5], $0x4E00, $0x38;
	[tilespmem:$0x1BC40] =	vst v63  }
0x1e: {  	s5 =	simm.s32 @!p3 $0x1  }
0x1f: {  	_ =	swait.ge @!p3 [sflag:s5], $0x4E00  }
0x20: {  	s8 =	simm.s32 @p0 $0x9C40;
	[sflag:s5] =	ssyncset.done @!p3 $0x0  }
0x21: {  	s9 =	rddreg [dreg:$0x7];
	[sflag:s5] =	ssyncadd.s32 @!p3 $0xFFFFB200;
	s5 =	simm.s32 @p0 $0x0  }
0x22: {  	[tilespmem:s8], [sflag:$0x1] =	stream.linear.gather @p0 [hbm4b:s9+s5], $0x4E00, $0x38;
	[tilespmem:$0x1BC40] =	vst v63  }
0x23: {  	s5 =	simm.s32 @p0 $0x1  }
0x24: {  	_ =	swait.ge @p0 [sflag:s5], $0x4E00  }
0x25: {  	[sflag:s5] =	ssyncset.done @p0 $0x0  }
0x26: {  	s30 =	simm.s32 $0xEC40;
	[sflag:s5] =	ssyncadd.s32 @p0 $0xFFFFB200  }
0x27: {  	[tilespmem:s30], [sflag:$0x1] =	stream.linear.gather [hbm4b:s10+s4], $0x4E00, $0x38;
	[tilespmem:$0x1BC40] =	vst v63  }
0x28: {  	_ =	swait.ge [sflag:s18], $0x4E00  }
0x29: {  	[sflag:s18] =	ssyncset.done $0x0  }
0x2a: {  	s8 =	simm.s32 @p1 $0xEA40;
	s5 =	simm.s32 @p1 $0x0;
	[sflag:s18] =	ssyncadd.s32 $0xFFFFB200  }
0x2b: {  	[tilespmem:s8], [sflag:$0x1] =	stream.linear.gather @p1 [hbm4b:s11+s5], $0x200, $0x38;
	[tilespmem:$0x1BC40] =	vst v63  }
.Ltmp0:
0x2c: {  	_ = 	snop;
	(pc) =	sbr.rel @!p2 .LBB2_3-.Ltmp0, $4  }
0x2d: {  	s5 =	simm.s32 @p1 $0x1  }
0x2e: {  	_ =	swait.ge @p1 [sflag:s5], $0x200  }
0x2f: {  	[sflag:s5] =	ssyncset.done @p1 $0x0  }
0x30: {  	[sflag:s5] =	ssyncadd.s32 @p1 $0xFFFFFE00  }
.Ltmp1:
0x31: {  	s5 =	rddreg [dreg:$0x8];
	s8 =	simm.s32 $0xEA40;
	(pc) =	sbr.rel .LBB2_4-.Ltmp1, $4  }
0x32: {  	[tilespmem:s8], [sflag:$0x1] =	stream.linear.gather [hbm4b:s5+s4], $0x200, $0x38;
	[tilespmem:$0x1BC40] =	vst v63  }
0x33: {  	_ =	swait.ge [sflag:s18], $0x200  }
0x34: {  	[sflag:s18] =	ssyncset.done $0x0  }
0x35: {  	[sflag:s18] =	ssyncadd.s32 $0xFFFFFE00  }
.LBB2_3:
.Ltmp2:
0x36: {  	(pc) =	sbr.rel @p4 .LBB2_5-.Ltmp2, $2  }
0x37: {  	_ =	sdelay $0x2  }
0x38: {  	s30 =	simm.s32 $0x26  }
.LBB2_4:
0x39: {  	s5 =	rddreg [dreg:$0x9];
	s8 =	simm.s32 $0x13A40  }
0x3a: {  	[tilespmem:s8], [sflag:$0x1] =	stream.linear.gather [hbm4b:s5+s4], $0x200, $0x38;
	[tilespmem:$0x1BC40] =	vst v63  }
0x3b: {  	_ =	swait.ge [sflag:s18], $0x200  }
0x3c: {  	[sflag:s18] =	ssyncset.done $0x0  }
0x3d: {  	s30 =	simm.s32 $0x27;
	[sflag:s18] =	ssyncadd.s32 $0xFFFFFE00  }
.LBB2_5:
0x3e: {  	[bflag:$0x0] =	sbarrier.arrive $0xFFFF;
	s5 =	simm.s32 $0x9C40  }
0x3f: {  	[tilespmem:s24], [sflag:$0x2] =	stream.indirect.gather [hbm4b:s1+s22], $0x40, s5, s22, $0xb8;
	[tilespmem:$0x1BC40] =	vst v63  }
0x40: {  	s13 =	simm.s32 $0x9CC0  }
0x41: {  	[tilespmem:s26], [sflag:$0x3] =	stream.indirect.gather [hbm4b:s1+s22], $0x40, s13, s22, $0xb8;
	[tilespmem:$0x1BC40] =	vst v63  }
0x42: {  	s8 =	simm.s32 $0x9D40  }
0x43: {  	[tilespmem:s29], [sflag:$0x4] =	stream.indirect.gather [hbm4b:s1+s22], $0x40, s8, s22, $0xb8;
	[tilespmem:$0x1BC40] =	vst v63  }
0x44: {  	s9 =	simm.s32 $0x9DC0  }
0x45: {  	[tilespmem:s31], [sflag:$0x5] =	stream.indirect.gather [hbm4b:s1+s22], $0x40, s9, s22, $0xb8;
	[tilespmem:$0x1BC40] =	vst v63  }
0x46: {  	_ =	swait.ge [sflag:s0], $0x2000  }
0x47: {  	[sflag:s0] =	ssyncset.done $0x0  }
0x48: {  	s13 =	simm.s32 $0xEC40;
	[sflag:s0] =	ssyncadd.s32 $0xFFFFE000  }
0x49: {  	[spmem:s3] =	stream.indirect.scatter.add.f32 [tilespmem:s24], [sflag:$0x6], $0x40, s13, s22, $0xb8;
	[tilespmem:$0x1BC40] =	vst v63  }
0x4a: {  	_ =	swait.ge [sflag:s2], $0x2000  }
0x4b: {  	[sflag:s2] =	ssyncset.done $0x0  }
0x4c: {  	s8 =	simm.s32 $0x9E40;
	[sflag:s2] =	ssyncadd.s32 $0xFFFFE000  }
0x4d: {  	[tilespmem:s24], [sflag:$0x2] =	stream.indirect.gather [hbm4b:s1+s22], $0x40, s8, s22, $0xb8;
	[tilespmem:$0x1BC40] =	vst v63  }
0x4e: {  	_ =	swait.ge [sflag:s20], $0x2000  }
0x4f: {  	[sflag:s20] =	ssyncset.done $0x0  }
0x50: {  	s9 =	simm.s32 $0xECC0;
	[sflag:s20] =	ssyncadd.s32 $0xFFFFE000  }
0x51: {  	[spmem:s3] =	stream.indirect.scatter.add.f32 [tilespmem:s26], [sflag:$0x7], $0x40, s9, s22, $0xb8;
	[tilespmem:$0x1BC40] =	vst v63  }
0x52: {  	_ =	swait.ge [sflag:s21], $0x2000  }
0x53: {  	[sflag:s21] =	ssyncset.done $0x0  }
0x54: {  	s13 =	simm.s32 $0x9EC0;
	[sflag:s21] =	ssyncadd.s32 $0xFFFFE000  }
0x55: {  	[tilespmem:s26], [sflag:$0x3] =	stream.indirect.gather [hbm4b:s1+s22], $0x40, s13, s22, $0xb8;
	[tilespmem:$0x1BC40] =	vst v63  }
0x56: {  	_ =	swait.ge [sflag:s19], $0x2000  }
0x57: {  	[sflag:s19] =	ssyncset.done $0x0  }
0x58: {  	s8 =	simm.s32 $0xED40;
	[sflag:s19] =	ssyncadd.s32 $0xFFFFE000  }
0x59: {  	[spmem:s3] =	stream.indirect.scatter.add.f32 [tilespmem:s29], [sflag:$0x8], $0x40, s8, s22, $0xb8;
	[tilespmem:$0x1BC40] =	vst v63  }
0x5a: {  	_ =	swait.ge [sflag:s12], $0x2000  }
0x5b: {  	[sflag:s12] =	ssyncset.done $0x0  }
0x5c: {  	s9 =	simm.s32 $0x9F40;
	[sflag:s12] =	ssyncadd.s32 $0xFFFFE000  }
0x5d: {  	[tilespmem:s29], [sflag:$0x4] =	stream.indirect.gather [hbm4b:s1+s22], $0x40, s9, s22, $0xb8;
	[tilespmem:$0x1BC40] =	vst v63  }
0x5e: {  	_ =	swait.ge [sflag:s23], $0x2000  }
0x5f: {  	[sflag:s23] =	ssyncset.done $0x0  }
0x60: {  	s13 =	simm.s32 $0xEDC0;
	[sflag:s23] =	ssyncadd.s32 $0xFFFFE000  }
0x61: {  	[spmem:s3] =	stream.indirect.scatter.add.f32 [tilespmem:s31], [sflag:$0x9], $0x40, s13, s22, $0xb8;
	[tilespmem:$0x1BC40] =	vst v63  }
0x62: {  	s13 =	sshll.u32 s30, $0xB  }
0x63: {  	p5 =	sne.s32 s13, $0x800  }
.Ltmp3:
0x64: {  	_ = 	snop;
	(pc) =	sbr.rel @!p5 .LBB2_7-.Ltmp3, $4  }
0x65: {  	_ = 	snop  }
0x66: {  	_ =	swait.ge [sflag:s25], $0x2000  }
0x67: {  	[sflag:s25] =	ssyncset.done $0x0  }
0x68: {  	s5 =	simm.s32 $0x800;
	s8 =	simm.s32 $0x9FC0;
	[sflag:s25] =	ssyncadd.s32 $0xFFFFE000  }
.LBB2_6:
0x69: {  	[tilespmem:s31], [sflag:$0x5] =	stream.indirect.gather [hbm4b:s1+s22], $0x40, s8, s22, $0xb8;
	[tilespmem:$0x1BC40] =	vst v63  }
0x6a: {  	s8 =	smov.u32 s5;
	s5 =	sadd.s32 $0x800, s5;
	_ =	swait.ge [sflag:s0], $0x2000  }
0x6b: {  	s8 =	sshra.s32 s8, $0x2;
	p5 =	sne.s32 s13, s5;
	[sflag:s0] =	ssyncset.done $0x0  }
0x6c: {  	s9 =	sadd.s32 $0xEC40, s8;
	[sflag:s0] =	ssyncadd.s32 $0xFFFFE000  }
0x6d: {  	[spmem:s3] =	stream.indirect.scatter.add.f32 [tilespmem:s24], [sflag:$0x6], $0x40, s9, s22, $0xb8;
	[tilespmem:$0x1BC40] =	vst v63  }
0x6e: {  	_ =	swait.ge [sflag:s2], $0x2000  }
0x6f: {  	[sflag:s2] =	ssyncset.done $0x0  }
0x70: {  	s9 =	sadd.s32 $0x9E40, s8;
	[sflag:s2] =	ssyncadd.s32 $0xFFFFE000  }
0x71: {  	[tilespmem:s24], [sflag:$0x2] =	stream.indirect.gather [hbm4b:s1+s22], $0x40, s9, s22, $0xb8;
	[tilespmem:$0x1BC40] =	vst v63  }
0x72: {  	_ =	swait.ge [sflag:s20], $0x2000  }
0x73: {  	[sflag:s20] =	ssyncset.done $0x0  }
0x74: {  	s9 =	sadd.s32 $0xECC0, s8;
	[sflag:s20] =	ssyncadd.s32 $0xFFFFE000  }
0x75: {  	[spmem:s3] =	stream.indirect.scatter.add.f32 [tilespmem:s26], [sflag:$0x7], $0x40, s9, s22, $0xb8;
	[tilespmem:$0x1BC40] =	vst v63  }
0x76: {  	_ =	swait.ge [sflag:s21], $0x2000  }
0x77: {  	[sflag:s21] =	ssyncset.done $0x0  }
0x78: {  	s9 =	sadd.s32 $0x9EC0, s8;
	[sflag:s21] =	ssyncadd.s32 $0xFFFFE000  }
0x79: {  	[tilespmem:s26], [sflag:$0x3] =	stream.indirect.gather [hbm4b:s1+s22], $0x40, s9, s22, $0xb8;
	[tilespmem:$0x1BC40] =	vst v63  }
0x7a: {  	_ =	swait.ge [sflag:s19], $0x2000  }
0x7b: {  	[sflag:s19] =	ssyncset.done $0x0  }
0x7c: {  	s9 =	sadd.s32 $0xED40, s8;
	[sflag:s19] =	ssyncadd.s32 $0xFFFFE000  }
0x7d: {  	[spmem:s3] =	stream.indirect.scatter.add.f32 [tilespmem:s29], [sflag:$0x8], $0x40, s9, s22, $0xb8;
	[tilespmem:$0x1BC40] =	vst v63  }
0x7e: {  	_ =	swait.ge [sflag:s12], $0x2000  }
0x7f: {  	[sflag:s12] =	ssyncset.done $0x0  }
0x80: {  	s9 =	sadd.s32 $0x9F40, s8;
	[sflag:s12] =	ssyncadd.s32 $0xFFFFE000  }
0x81: {  	[tilespmem:s29], [sflag:$0x4] =	stream.indirect.gather [hbm4b:s1+s22], $0x40, s9, s22, $0xb8;
	[tilespmem:$0x1BC40] =	vst v63  }
0x82: {  	_ =	swait.ge [sflag:s23], $0x2000  }
0x83: {  	[sflag:s23] =	ssyncset.done $0x0  }
.Ltmp4:
0x84: {  	s9 =	sadd.s32 $0xEDC0, s8;
	[sflag:s23] =	ssyncadd.s32 $0xFFFFE000;
	(pc) =	sbr.rel @p5 .LBB2_6-.Ltmp4, $4  }
0x85: {  	[spmem:s3] =	stream.indirect.scatter.add.f32 [tilespmem:s31], [sflag:$0x9], $0x40, s9, s22, $0xb8;
	[tilespmem:$0x1BC40] =	vst v63  }
0x86: {  	_ =	swait.ge [sflag:s25], $0x2000  }
0x87: {  	[sflag:s25] =	ssyncset.done $0x0  }
0x88: {  	s8 =	sadd.s32 $0x9FC0, s8;
	[sflag:s25] =	ssyncadd.s32 $0xFFFFE000  }
.LBB2_7:
0x89: {  	[tilespmem:s31], [sflag:$0x5] =	stream.indirect.gather [hbm4b:s1+s22], $0x40, s8, s22, $0xb8;
	[tilespmem:$0x1BC40] =	vst v63  }
0x8a: {  	_ =	swait.ge [sflag:s0], $0x2000  }
0x8b: {  	s5 =	sshll.u32 s30, $0x9;
	[sflag:s0] =	ssyncset.done $0x0  }
0x8c: {  	s9 =	sadd.s32 $0xEC40, s5;
	[sflag:s0] =	ssyncadd.s32 $0xFFFFE000  }
0x8d: {  	[spmem:s3] =	stream.indirect.scatter.add.f32 [tilespmem:s24], [sflag:$0x6], $0x40, s9, s22, $0xb8;
	[tilespmem:$0x1BC40] =	vst v63  }
0x8e: {  	_ =	swait.ge [sflag:s2], $0x2000  }
0x8f: {  	[sflag:s2] =	ssyncset.done $0x0  }
0x90: {  	[sflag:s2] =	ssyncadd.s32 $0xFFFFE000  }
0x91: {  	_ =	swait.ge [sflag:s20], $0x2000  }
0x92: {  	[sflag:s20] =	ssyncset.done $0x0  }
0x93: {  	s13 =	sadd.s32 $0xECC0, s5;
	[sflag:s20] =	ssyncadd.s32 $0xFFFFE000  }
0x94: {  	[spmem:s3] =	stream.indirect.scatter.add.f32 [tilespmem:s26], [sflag:$0x7], $0x40, s13, s22, $0xb8;
	[tilespmem:$0x1BC40] =	vst v63  }
0x95: {  	_ =	swait.ge [sflag:s21], $0x2000  }
0x96: {  	[sflag:s21] =	ssyncset.done $0x0  }
0x97: {  	[sflag:s21] =	ssyncadd.s32 $0xFFFFE000  }
0x98: {  	_ =	swait.ge [sflag:s19], $0x2000  }
0x99: {  	[sflag:s19] =	ssyncset.done $0x0  }
0x9a: {  	s30 =	sadd.s32 $0xED40, s5;
	[sflag:s19] =	ssyncadd.s32 $0xFFFFE000  }
0x9b: {  	[spmem:s3] =	stream.indirect.scatter.add.f32 [tilespmem:s29], [sflag:$0x8], $0x40, s30, s22, $0xb8;
	[tilespmem:$0x1BC40] =	vst v63  }
0x9c: {  	_ =	swait.ge [sflag:s12], $0x2000  }
0x9d: {  	[sflag:s12] =	ssyncset.done $0x0  }
0x9e: {  	[sflag:s12] =	ssyncadd.s32 $0xFFFFE000  }
0x9f: {  	_ =	swait.ge [sflag:s23], $0x2000  }
0xa0: {  	[sflag:s23] =	ssyncset.done $0x0  }
0xa1: {  	s5 =	sadd.s32 $0xEDC0, s5;
	[sflag:s23] =	ssyncadd.s32 $0xFFFFE000  }
0xa2: {  	[spmem:s3] =	stream.indirect.scatter.add.f32 [tilespmem:s31], [sflag:$0x9], $0x40, s5, s22, $0xb8;
	[tilespmem:$0x1BC40] =	vst v63  }
0xa3: {  	_ =	swait.ge [sflag:s25], $0x2000  }
0xa4: {  	s8 =	simm.s32 @!p3 $0x1;
	[sflag:s25] =	ssyncset.done $0x0  }
0xa5: {  	s28 =	sadd.s32 $0x1, s28;
	s9 =	simm.s32 @!p3 $0x10;
	[sflag:s25] =	ssyncadd.s32 $0xFFFFE000  }
0xa6: {  	s13 =	simm.s32 @!p3 $0x8;
	s5 =	sshrl.u32 @!p3 s6, $0x3;
	[bflag:$0x0] =	sbarrier.arrive $0xFFFF  }
0xa7: {  	[hbm:s14@s9], [sflag:s7] =	dma.strided @!p3 [spmem:s5@s13], $0x1388, s8, $0x8   }
0xa8: {  	p5 =	sne.s32 s28, s16;
	s5 =	sshrl.u32 @p0 s6, $0x3;
	_ =	swait.ge @!p3 [sflag:s8], $0x1388  }
0xa9: {  	s9 =	simm.s32 @p0 $0x10;
	s13 =	simm.s32 @p0 $0x8;
	[sflag:s8] =	ssyncset.done @!p3 $0x0  }
.Ltmp5:
0xaa: {  	[sflag:s8] =	ssyncadd.s32 @!p3 $0xFFFFEC78;
	s8 =	simm.s32 @p0 $0x1;
	(pc) =	sbr.rel @p5 .LBB2_1-.Ltmp5, $4  }
0xab: {  	[hbm:s15@s9], [sflag:s7] =	dma.strided @p0 [spmem:s5@s13], $0x1388, s8, $0x8   }
0xac: {  	_ =	swait.ge @p0 [sflag:s8], $0x1388  }
0xad: {  	[sflag:s8] =	ssyncset.done @p0 $0x0  }
0xae: {  	[sflag:s8] =	ssyncadd.s32 @p0 $0xFFFFEC78  }
0xaf: {  	_ =	sfence.sel $0x180000  }
0xb0: {  	[bflag:$0x0] =	sbarrier.arrive $0xFFFF  }
0xb1: {  	_ =	strace $0x9000004D  }
0xb2: {  	s0 =	stileid.u32;
	[bflag:$0x2] =	sbarrier.arrive $0xFFFF  }
0xb3: {  	p0 =	sne.s32 s0, $0x0;
	s0 =	rddreg [dreg:$0x4]  }
0xb4: {  	s0 =	sadd.s32 @!p0 $0x100000, s0  }
0xb5: {  	[sflag:s0] =	ssyncadd.tile.s32 @!p0 $0x1;
	_ =	shalt  }
.Lfunc_end2:
_tile_overlayer_lowered:
.L_overlay_start_2:
0xb6: {  	(tag) =	ssettag $0x2  }
0xb7: {  	s0 =	rddreg [dreg:$0x0];
	s2 =	stileid.u32  }
0xb8: {  	s1 =	rddreg [dreg:$0x1];
	p0 =	sne.s32 s2, $0x0  }
0xb9: {  	s3 =	rddreg [dreg:$0x2];
	[bflag:$0x3] =	sbarrier.arrive $0xFFFF;
	s2 =	simm.s32 @!p0 $0x1C0A  }
0xba: {  	[timem:s3], [sflag:s2] =	dma.local @!p0 [hbm:s0], s1  }
0xbb: {  	s0 =	simm.s32 @!p0 $0xA  }
0xbc: {  	_ =	swait.ge @!p0 [sflag:s0], s1  }
0xbd: {  	s1 =	ssub.s32 @!p0 $0x0, s1;
	[sflag:s0] =	ssyncset.done @!p0 $0x0  }
0xbe: {  	[sflag:s0] =	ssyncadd.s32 @!p0 s1  }
0xbf: {  	[bflag:$0x3] =	sbarrier.arrive $0xFFFF  }
0xc0: {  	_ =	shalt  }

// kernel: kernel.9.cloned.1.call-start
scs
__scs_entry_jumppad:
0x0: {  	(pc) =	sbr.rel $0x88, $3  }
0x1: {  	(tag) =	ssettag $0x0;
	lr =	simm.s32 $0x1  }
0x2: {  	[smem:$0x3F99] =	sst lr;
	_ =	strace $0xD0000000  }
0x3: {  	_ = 	snop  }
0x4: {  	_ = 	snop  }
0x5: {  	_ = 	snop  }
0x6: {  	_ = 	snop  }
0x7: {  	_ = 	snop  }
__scs_overlays_trampoline_lowered:
0x8: {  	[smem:$0x3FA8] =	sst s0  }
0x9: {  	[smem:$0x3FA9] =	sst s1  }
0xa: {  	[smem:$0x3FAA] =	sst s2  }
0xb: {  	[smem:$0x3FAB] =	sst s3  }
0xc: {  	[smem:$0x3FAC] =	sst s4  }
0xd: {  	[smem:$0x3FAD] =	sst s5  }
0xe: {  	[smem:$0x3FAE] =	sst s6  }
0xf: {  	[smem:$0x3FAF] =	sst s7  }
0x10: {  	[smem:$0x3FB0] =	sst s8  }
0x11: {  	[smem:$0x3FB1] =	sst s9;
	s0 =	simm.s32 @!p0 $0x0  }
0x12: {  	s1 =	sld [smem:$0x3F97];
	s0 =	simm.s32 @p0 $0x1  }
0x13: {  	[smem:$0x3FB2] =	sst s0;
	s0 =	simm.s32 @!p1 $0x0  }
0x14: {  	s2 =	sld [smem:$0x3F96];
	s0 =	simm.s32 @p1 $0x1  }
0x15: {  	[smem:$0x3FB3] =	sst s0;
	s0 =	simm.s32 @!p2 $0x0  }
0x16: {  	s3 =	sld [smem:$0x3FDB];
	s0 =	simm.s32 @p2 $0x1  }
0x17: {  	s4 =	simm.s32 $0x1BF5;
	[smem:$0x3FB5] =	sst s0  }
0x18: {  	s0 =	sld [smem:$0x3F98];
	_ =	swait.ge [sflag:s4], $0x0  }
0x19: {  	s7 =	sld [smem:$0x3F99]  }
0x1a: {  	s8 =	sadd.s32 $0xFFFFE003, lr  }
0x1b: {  	s9 =	sadd.s32 $0xFFFFFEF7, lr;
	s5 =	simm.s32 $0xFFFFFFFF;
	p2 =	slt.u32 s8, $0xFFFFF086  }
0x1c: {  	p1 =	slt.u32 s9, $0xF7A;
	s5 =	simm.s32 @!p2 $0x0  }
0x1d: {  	s5 =	simm.s32 @p1 $0x1;
	p0 =	seq.s32 s7, s2  }
0x1e: {  	s7 =	smul.u32 @!p0 $0xF7A, s2;
	p2 =	seq.s32 @!p0 s5, $0x0  }
0x1f: {  	s9 =	smul.u32 $0xF7A, s1;
	s8 =	simm.s32 @!p0 $0x1BF5;
	p2 =	por !p2, p0  }
0x20: {  	[sflag:s8] =	ssyncset.s32 @!p0 $0xFFFFF086;
	s6 =	sadd.s32 @!p0 s3, s7;
	s7 =	simm.s32 @!p0 $0x108  }
0x21: {  	s3 =	sadd.s32 s3, s9;
	s6 =	sadd.s32 @!p0 $0x88, s6;
	s7 =	simm.s32 @p2 $0x1082  }
0x22: {  	[simem:s7], [sflag:s8] =	dma.local @!p0 [hbm:s6], $0xF7A  }
0x23: {  	s9 =	sor.u32 $0xD0000000, s2;
	s6 =	simm.s32 $0x108;
	_ =	swait.ge @!p0 [sflag:s8], $0x0  }
0x24: {  	s3 =	sadd.s32 $0x88, s3;
	s6 =	simm.s32 @!p1 $0x1082;
	[sflag:s4] =	ssyncset.s32 $0xFFFFF086  }
0x25: {  	[simem:s6], [sflag:s4] =	dma.local [hbm:s3], $0xF7A  }
0x26: {  	[smem:$0x3F99] =	sst s1;
	(tag) =	ssettag s2;
	_ =	strace s9  }
0x27: {  	s1 =	sld [smem:$0x3FA9]  }
0x28: {  	s2 =	sld [smem:$0x3FAA]  }
0x29: {  	s4 =	sld [smem:$0x3FAC]  }
0x2a: {  	p0 =	seq.s32 s5, $0x0;
	s5 =	sld [smem:$0x3FAD]  }
0x2b: {  	s6 =	sld [smem:$0x3FAE]  }
0x2c: {  	s7 =	sld [smem:$0x3FAF]  }
0x2d: {  	s3 =	simm.s32 $0x108;
	s8 =	sld [smem:$0x3FB0]  }
0x2e: {  	s3 =	simm.s32 @!p0 $0x1082;
	s9 =	sld [smem:$0x3FB1]  }
0x2f: {  	lr =	sadd.s32 s0, s3;
	s0 =	sld [smem:$0x3FA8]  }
0x30: {  	s3 =	sld [smem:$0x3FAB]  }
0x31: {  	[smem:$0x3FB4] =	sst s10  }
0x32: {  	s10 =	sld [smem:$0x3FB2];
	_ =	sdelay $0x3  }
0x33: {  	p0 =	seq.s32 s10, $0x1;
	s10 =	sld [smem:$0x3FB4];
	_ =	sdelay $0x3  }
0x34: {  	[smem:$0x3FB4] =	sst s10  }
0x35: {  	s10 =	sld [smem:$0x3FB3];
	_ =	sdelay $0x3  }
0x36: {  	p1 =	seq.s32 s10, $0x1;
	s10 =	sld [smem:$0x3FB4];
	_ =	sdelay $0x3  }
0x37: {  	[smem:$0x3FB4] =	sst s10  }
0x38: {  	s10 =	sld [smem:$0x3FB5]  }
0x39: {  	_ = 	snop;
	(pc) =	sbr.ind lr, $3  }
0x3a: {  	_ = 	snop  }
0x3b: {  	_ = 	snop  }
0x3c: {  	p2 =	seq.s32 s10, $0x1;
	s10 =	sld [smem:$0x3FB4]  }
0x3d: {  	_ =	shalt  }
0x3e: {  	_ =	shalt  }
0x3f: {  	_ =	shalt  }
0x40: {  	_ =	shalt  }
0x41: {  	_ =	shalt  }
0x42: {  	_ =	shalt  }
0x43: {  	_ =	shalt  }
0x44: {  	_ =	shalt  }
0x45: {  	_ =	shalt  }
0x46: {  	_ =	shalt  }
0x47: {  	_ =	shalt  }
0x48: {  	_ =	shalt  }
0x49: {  	_ =	shalt  }
0x4a: {  	_ =	shalt  }
0x4b: {  	_ =	shalt  }
0x4c: {  	_ =	shalt  }
0x4d: {  	_ =	shalt  }
0x4e: {  	_ =	shalt  }
0x4f: {  	_ =	shalt  }
0x50: {  	_ =	shalt  }
0x51: {  	_ =	shalt  }
0x52: {  	_ =	shalt  }
0x53: {  	_ =	shalt  }
0x54: {  	_ =	shalt  }
0x55: {  	_ =	shalt  }
0x56: {  	_ =	shalt  }
0x57: {  	_ =	shalt  }
0x58: {  	_ =	shalt  }
0x59: {  	_ =	shalt  }
0x5a: {  	_ =	shalt  }
0x5b: {  	_ =	shalt  }
0x5c: {  	_ =	shalt  }
0x5d: {  	_ =	shalt  }
0x5e: {  	_ =	shalt  }
0x5f: {  	_ =	shalt  }
0x60: {  	_ =	shalt  }
0x61: {  	_ =	shalt  }
0x62: {  	_ =	shalt  }
0x63: {  	_ =	shalt  }
0x64: {  	_ =	shalt  }
0x65: {  	_ =	shalt  }
0x66: {  	_ =	shalt  }
0x67: {  	_ =	shalt  }
0x68: {  	_ =	shalt  }
0x69: {  	_ =	shalt  }
0x6a: {  	_ =	shalt  }
0x6b: {  	_ =	shalt  }
0x6c: {  	_ =	shalt  }
0x6d: {  	_ =	shalt  }
0x6e: {  	_ =	shalt  }
0x6f: {  	_ =	shalt  }
0x70: {  	_ =	shalt  }
0x71: {  	_ =	shalt  }
0x72: {  	_ =	shalt  }
0x73: {  	_ =	shalt  }
0x74: {  	_ =	shalt  }
0x75: {  	_ =	shalt  }
0x76: {  	_ =	shalt  }
0x77: {  	_ =	shalt  }
0x78: {  	_ =	shalt  }
0x79: {  	_ =	shalt  }
0x7a: {  	_ =	shalt  }
0x7b: {  	_ =	shalt  }
0x7c: {  	_ =	shalt  }
0x7d: {  	_ =	shalt  }
0x7e: {  	_ =	shalt  }
0x7f: {  	_ =	shalt  }
0x80: {  	_ =	shalt  }
0x81: {  	_ =	shalt  }
0x82: {  	_ =	shalt  }
0x83: {  	_ =	shalt  }
0x84: {  	_ =	shalt  }
0x85: {  	_ =	shalt  }
0x86: {  	_ =	shalt  }
0x87: {  	_ =	shalt  }
.Lfunc_end0:
.L_simem_size_0:
called_computation_lowered:
.L_overlay_start_0:
0x88: {  	s2 =	sld [smem:$0x3FD9]  }
0x89: {  	s3 =	sld [smem:$0x3FFE];
	_ =	sdelay $0x1  }
0x8a: {  	s1 =	srdreg.scid  }
0x8b: {  	s0 =	sand.u32 $0x1, s1  }
0x8c: {  	s14 =	sshll.u32 s0, $0xA;
	s2 =	sadd.s32 s3, s2  }
0x8d: {  	s2 =	sadd.s32 s2, s14  }
0x8e: {  	[smem:$0x3FC0] =	sst s2  }
0x8f: {  	_ = 	snop  }
0x90: {  	s2 =	sld [smem:$0x3FD0];
	_ =	sdelay $0x2  }
0x91: {  	s15 =	simm.s32 $0xA;
	s4 =	simm.s32 $0x10  }
0x92: {  	[smem:s4], [sflag:s15] =	dma.local [hbm:s2], $0x1  }
0x93: {  	_ =	swait.eq [sflag:s15], $0x1  }
0x94: {  	[sflag:s15] =	ssyncset.done $0x0  }
0x95: {  	s16 =	sld [smem:$0x10];
	[sflag:s15] =	ssyncadd.s32 $0xFFFFFFFF  }
0x96: {  	s17 =	sld [smem:$0x11];
	(tm) =	ssettm $0x1  }
0x97: {  	s18 =	sld [smem:$0x3FFB];
	_ =	sdelay $0x3  }
0x98: {  	_ =	strace s18  }
0x99: {  	s4 =	sld [smem:$0x3FFC];
	_ =	sdelay $0x3  }
0x9a: {  	_ =	strace s4  }
0x9b: {  	s4 =	sld [smem:$0x3FFD];
	_ =	sdelay $0x3  }
0x9c: {  	_ =	strace s4  }
0x9d: {  	_ =	strace $0x8FFFFFFF  }
0x9e: {  	s19 =	sld [smem:$0x3FDB];
	_ =	sdelay $0x1  }
0x9f: {  	s5 =	simm.s32 $_scs_section_size  }
0xa0: {  	s6 =	simm.s32 $_size__tile_overlayer_lowered;
	s7 =	simm.s32 $_tile_overlayer_lowered  }
0xa1: {  	s22 =	simm.s32 $0x1BFF;
	s21 =	sshll.u32 s7, $0x1;
	s4 =	sadd.s32 s5, s19  }
0xa2: {  	s8 =	simm.s32 $0x0;
	s20 =	sshll.u32 s6, $0x1;
	s6 =	sadd.s32 s21, s4  }
0xa3: {  	[timem:s8], [sflag:s22] =	dma.local [hbm:s6], s20  }
0xa4: {  	_ =	swait.ge [sflag:s22], s20  }
0xa5: {  	s5 =	ssub.s32 $0x0, s20;
	[sflag:s22] =	ssyncset.done $0x0  }
0xa6: {  	[sflag:s22] =	ssyncadd.s32 s5;
	_ =	sdelay $0x1  }
0xa7: {  	s23 =	simm.s32 $0x1B8B  }
0xa8: {  	_ =	swait.ge [sflag:s23], $0x1  }
0xa9: {  	[sflag:s23] =	ssyncset.done $0x0  }
0xaa: {  	s25 =	simm.s32 $0x1B8E;
	s24 =	sld [smem:$0x3FFE];
	[sflag:s23] =	ssyncadd.s32 $0xFFFFFFFF  }
0xab: {  	s26 =	simm.s32 $execute0_lowered;
	[smem:$0x3FD2] =	sst s25  }
0xac: {  	s6 =	sshll.u32 s26, $0x1;
	_ =	strace $0x80000046;
	[dreg:$0x1] =	wrdreg $0xFFFFFFFF  }
0xad: {  	s28 =	simm.s32 $_size_execute0_lowered;
	s4 =	sadd.s32 s4, s6;
	[dreg:$0x0] =	wrdreg $0x0  }
0xae: {  	s6 =	sshll.u32 s28, $0x1;
	[dreg:$0x2] =	wrdreg s4  }
0xaf: {  	[dreg:$0x3] =	wrdreg s6  }
0xb0: {  	[dreg:$0x4] =	wrdreg $0xC0  }
0xb1: {  	_ =	task [dreg:s8], $0x5FFFF  }
0xb2: {  	[dreg:$0x1] =	wrdreg $0xFFFFFFFF  }
0xb3: {  	[dreg:$0x0] =	wrdreg $0x60  }
0xb4: {  	[dreg:$0x2] =	wrdreg s17  }
0xb5: {  	[dreg:$0x3] =	wrdreg s24  }
0xb6: {  	[dreg:$0x4] =	wrdreg s16  }
0xb7: {  	[dreg:$0x5] =	wrdreg $0x0  }
0xb8: {  	[dreg:$0x6] =	wrdreg $0x9  }
0xb9: {  	_ =	task.clear_ibuf [dreg:s8], $0x7FFFF;
	_ =	strace $0x90000046  }
0xba: {  	s29 =	simm.s32 $0x9;
	_ =	strace $0x80000048  }
0xbb: {  	_ =	swait.ge [sflag:s29], $0x1  }
0xbc: {  	[sflag:s29] =	ssyncadd.s32 $0xFFFFFFFF  }
0xbd: {  	_ =	strace $0x90000048  }
0xbe: {  	_ =	sfence  }
0xbf: {  	s30 =	sld [smem:$0x0];
	_ =	sdelay $0x2  }
0xc0: {  	s31 =	sshll.u32 s1, $0xD;
	s1 =	sshrl.u32 s1, $0x2  }
0xc1: {  	s3 =	sand.u32 $0x4000, s31;
	s1 =	sadd.s32 s1, s30  }
0xc2: {  	s0 =	sor.u32 s3, s0;
	s1 =	sshll.u32 s1, $0x11  }
0xc3: {  	s0 =	sor.u32 s1, s0  }
0xc4: {  	s0 =	sadd.s32 $0x8F2B, s0  }
0xc5: {  	[sflag:s0] =	ssyncadd.remote.s32 $0x1  }
0xc6: {  	_ =	sfence.sel $0xFFFF  }
0xc7: {  	[dreg:$0x0] =	wrdreg $0xFFFFFFFF;
	(pc) =	sbr.abs _section_cstart, $3  }
0xc8: {  	[dreg:$0x1] =	wrdreg $0xFFFFFFFF  }
0xc9: {  	_ =	task.clear_ibuf [dreg:s8], $0x2FFFF;
	_ =	strace $0x9FFFFFFF  }
0xca: {  	(tm) =	ssettm $0x7FFFFFFF  }
0xcb: {  	_ =	shalt  }
tec
execute0_lowered:
.L_overlay_start_1:
0x0: {  	(tag) =	ssettag $0x1  }
0x1: {  	s7 =	rddreg [dreg:$0x0]  }
0x2: {  	s5 =	rddreg [dreg:$0x1]  }
0x3: {  	s8 =	rddreg [dreg:$0x2]  }
0x4: {  	s1 =	rddreg [dreg:$0x3]  }
0x5: {  	s0 =	rddreg [dreg:$0x4]  }
0x6: {  	s3 =	simm.s32 $0x0;
	s4 =	srdreg.scid;
	s2 =	stileid.u32  }
0x7: {  	s15 =	simm.s32 $0x280;
	s16 =	simm.s32 $0x80;
	s17 =	simm.s32 $0x0  }
0x8: {  	[smem:$0x7FF] =	sst s3;
	s6 =	sand.u32 $0x1, s4;
	s4 =	sadd.s32 $0xC200, s5  }
0x9: {  	s9 =	smul.u32 $0x280, s2;
	s5 =	sadd.s32 $0xC000, s5;
	s31 =	sshll.u32 s2, $0x6  }
0xa: {  	_ =	strace $0x80000047;
	s10 =	sshll.u32 s6, $0x4;
	s11 =	ssub.s32 $0x2, s6  }
0xb: {  	s6 =	smul.u32 $0x2800, s6;
	s10 =	sor.u32 s2, s10;
	s12 =	sshrl.u32 s11, $0x1  }
0xc: {  	s14 =	sadd.s32 s9, s1;
	s13 =	smul.u32 $0x4E0, s10;
	s11 =	ssub.s32 s11, s12  }
0xd: {  	s9 =	sadd.s32 s9, s6;
	p0 =	sne.s32 s10, $0x1F;
	s10 =	simm.s32 $0x2B80  }
0xe: {  	s12 =	sor.u32 $0x1C02, s31;
	s9 =	sshrl.u32 s9, $0x3;
	s6 =	sadd.s32 s7, s13  }
0xf: {  	s7 =	sadd.s32 $0x9C00, s7;
	s8 =	sadd.s32 s8, s9;
	s9 =	smax.u32 s11, $0x1  }
0x10: {  	s11 =	simm.s32 $0x1;
	s13 =	sshrl.u32 s14, $0x3;
	s14 =	simm.s32 $0x2  }
.LBB2_1:
0x11: {  	[tilespmem:s10], [sflag:$0x1] =	stream.linear.gather [hbm4b:s4+s3], $0x80, $0x38;
	[tilespmem:$0x2C00] =	vst v63  }
0x12: {  	_ =	swait.ge [sflag:s11], $0x80  }
0x13: {  	[sflag:s11] =	ssyncset.done $0x0  }
0x14: {  	[sflag:s11] =	ssyncadd.s32 $0xFFFFFF80  }
0x15: {  	[spmem:s13], [sflag:s12] =	dma.local [hbm:s5], $0x50  }
0x16: {  	_ =	swait.ge [sflag:s14], $0x50  }
0x17: {  	[sflag:s14] =	ssyncset.done $0x0  }
0x18: {  	[sflag:s14] =	ssyncadd.s32 $0xFFFFFFB0  }
0x19: {  	[bflag:$0x0] =	sbarrier.arrive $0xFFFF  }
0x1a: {  	[tilespmem:s15], [sflag:$0x1] =	stream.linear.gather [hbm4b:s6+s3], $0x2700, $0x38;
	[tilespmem:$0x2C00] =	vst v63  }
0x1b: {  	_ =	swait.ge [sflag:s11], $0x2700  }
0x1c: {  	[sflag:s11] =	ssyncset.done $0x0  }
0x1d: {  	s18 =	simm.s32 @!p0 $0x0;
	s19 =	simm.s32 @!p0 $0x2980;
	[sflag:s11] =	ssyncadd.s32 $0xFFFFD900  }
0x1e: {  	[tilespmem:s19], [sflag:$0x1] =	stream.linear.gather @!p0 [hbm4b:s7+s18], $0x200, $0x38;
	[tilespmem:$0x2C00] =	vst v63  }
0x1f: {  	s19 =	simm.s32 @!p0 $0x52  }
0x20: {  	s18 =	simm.s32 @!p0 $0x1;
	s19 =	simm.s32 @p0 $0x4E  }
0x21: {  	_ =	swait.ge @!p0 [sflag:s18], $0x200;
	p1 =	sne.s32 s19, $0x1  }
.Ltmp0:
0x22: {  	[sflag:s18] =	ssyncset.done @!p0 $0x0;
	(pc) =	sbr.rel @!p1 .LBB2_3-.Ltmp0, $4  }
0x23: {  	[sflag:s18] =	ssyncadd.s32 @!p0 $0xFFFFFE00  }
0x24: {  	[spmem:s1] =	stream.indirect.scatter.add.f32 [tilespmem:s10], [sflag:$0x2], $0x1, s15, s16, $0xb8;
	[tilespmem:$0x2C00] =	vst v63  }
0x25: {  	_ =	swait.ge [sflag:s14], $0x80  }
0x26: {  	s18 =	sadd.s32 $0xFFFFFFFF, s19;
	s19 =	simm.s32 $0x280;
	[sflag:s14] =	ssyncset.done $0x0  }
.LBB2_2:
0x27: {  	p1 =	sne.s32 s18, $0x1;
	[sflag:s14] =	ssyncadd.s32 $0xFFFFFF80;
	s19 =	sadd.s32 $0x80, s19  }
.Ltmp1:
0x28: {  	s18 =	sadd.s32 $0xFFFFFFFF, s18;
	(pc) =	sbr.rel @p1 .LBB2_2-.Ltmp1, $4  }
0x29: {  	_ = 	snop  }
0x2a: {  	[spmem:s1] =	stream.indirect.scatter.add.f32 [tilespmem:s10], [sflag:$0x2], $0x1, s19, s16, $0xb8;
	[tilespmem:$0x2C00] =	vst v63  }
0x2b: {  	_ =	swait.ge [sflag:s14], $0x80  }
0x2c: {  	[sflag:s14] =	ssyncset.done $0x0  }
.LBB2_3:
0x2d: {  	s17 =	sadd.s32 $0x1, s17  }
0x2e: {  	[sflag:s14] =	ssyncadd.s32 $0xFFFFFF80;
	p1 =	sne.s32 s17, s9  }
.Ltmp2:
0x2f: {  	[bflag:$0x0] =	sbarrier.arrive $0xFFFF;
	(pc) =	sbr.rel @p1 .LBB2_1-.Ltmp2, $4  }
0x30: {  	[hbm:s8], [sflag:s12] =	dma.local [spmem:s13], $0x50  }
0x31: {  	_ =	swait.ge [sflag:s14], $0x50  }
0x32: {  	[sflag:s14] =	ssyncset.done $0x0  }
0x33: {  	[sflag:s14] =	ssyncadd.s32 $0xFFFFFFB0  }
0x34: {  	_ =	sfence.sel $0x180000  }
0x35: {  	[bflag:$0x0] =	sbarrier.arrive $0xFFFF  }
0x36: {  	p0 =	sne.s32 s2, $0x0;
	_ =	strace $0x90000047  }
0x37: {  	s0 =	sadd.s32 @!p0 $0x100000, s0;
	[bflag:$0x2] =	sbarrier.arrive $0xFFFF  }
0x38: {  	[sflag:s0] =	ssyncadd.tile.s32 @!p0 $0x1;
	_ =	shalt  }
.Lfunc_end2:
_tile_overlayer_lowered:
.L_overlay_start_2:
0x39: {  	(tag) =	ssettag $0x2  }
0x3a: {  	s0 =	rddreg [dreg:$0x0];
	s2 =	stileid.u32  }
0x3b: {  	s1 =	rddreg [dreg:$0x1];
	p0 =	sne.s32 s2, $0x0  }
0x3c: {  	s3 =	rddreg [dreg:$0x2];
	[bflag:$0x3] =	sbarrier.arrive $0xFFFF;
	s2 =	simm.s32 @!p0 $0x1C02  }
0x3d: {  	[timem:s3], [sflag:s2] =	dma.local @!p0 [hbm:s0], s1  }
0x3e: {  	s0 =	simm.s32 @!p0 $0x2  }
0x3f: {  	_ =	swait.ge @!p0 [sflag:s0], s1  }
0x40: {  	s1 =	ssub.s32 @!p0 $0x0, s1;
	[sflag:s0] =	ssyncset.done @!p0 $0x0  }
0x41: {  	[sflag:s0] =	ssyncadd.s32 @!p0 s1  }
0x42: {  	[bflag:$0x3] =	sbarrier.arrive $0xFFFF  }
0x43: {  	_ =	shalt  }

</sc_bundles>
